<compile_context>
chip_gen: v7x
topology: tpu7x:2x2x1
jax: 0.10.2.dev20260603
libtpu: 0.0.44.dev20260713+nightly
codegen_flags: <defaults>
</compile_context>

<pallas_src>
import functools

import jax
import jax.numpy as jnp
from jax import lax
from jax.experimental import pallas as pl
from jax.experimental.pallas import tpu as pltpu
from jax.experimental.pallas import tpu_sc as plsc

BATCH = 4096
N_LOG = 64 * 64
N_PP = 8 * 24
P = 1858
P_PAD = 1920
L = 16
NSLOT = (P + L - 1) // L
LAST_OFF = P - L
R = 8
NA = NSLOT * L


def _sc_policy_gather(logits, pp_logits, idx_pad):
    info = plsc.get_sparse_core_info()
    nc, ns = info.num_cores, info.num_subcores
    nw = nc * ns
    rows_per_w = BATCH // nw
    n_chunks = rows_per_w // R

    mesh = plsc.VectorSubcoreMesh(core_axis_name="c", subcore_axis_name="s")

    @functools.partial(
        pl.kernel,
        mesh=mesh,
        out_type=jax.ShapeDtypeStruct((BATCH, P), jnp.float32),
        compiler_params=pltpu.CompilerParams(
            needs_layout_passes=False, use_tc_tiling_on_sc=False),
        scratch_types=[
            pltpu.VMEM((P_PAD,), jnp.int32),
            pltpu.VMEM((NA,), jnp.int32),
            pltpu.VMEM((NA,), jnp.int32),
            pltpu.VMEM((NA,), jnp.int32),
            pltpu.VMEM((NA,), jnp.int32),
            pltpu.VMEM((NA,), jnp.int32),
            pltpu.VMEM((R * 64, 64), jnp.float32),
            pltpu.VMEM((R * 64, 64), jnp.float32),
            pltpu.VMEM((R * 8, 24), jnp.float32),
            pltpu.VMEM((R * 8, 24), jnp.float32),
            pltpu.VMEM((R, P), jnp.float32),
            pltpu.VMEM((R, P), jnp.float32),
            pltpu.SemaphoreType.DMA,
            pltpu.SemaphoreType.DMA,
            pltpu.SemaphoreType.DMA,
            pltpu.SemaphoreType.DMA,
        ],
    )
    def k(log3_hbm, pp3_hbm, idx_hbm, out_hbm,
          idx_v, iraw_v, lmaj_v, lmin_v, pmaj_v, pmin_v,
          log_a, log_b, pp_a, pp_b, out_a, out_b,
          sin_a, sin_b, sout_a, sout_b):
        wid = lax.axis_index("s") * nc + lax.axis_index("c")
        base = wid * rows_per_w

        pltpu.sync_copy(idx_hbm, idx_v)

        def prep(kslot, carry):
            off = jnp.where(kslot == NSLOT - 1, LAST_OFF, kslot * L)
            iv = idx_v[pl.ds(off, L)]
            li = jnp.minimum(iv, N_LOG - 1)
            pi = jnp.clip(iv - N_LOG, 0, N_PP - 1)
            pq = pi // 24
            o = kslot * L
            iraw_v[pl.ds(o, L)] = iv
            lmaj_v[pl.ds(o, L)] = li >> 6
            lmin_v[pl.ds(o, L)] = li & 63
            pmaj_v[pl.ds(o, L)] = pq
            pmin_v[pl.ds(o, L)] = pi - pq * 24
            return carry

        lax.fori_loop(0, NSLOT, prep, 0)

        def issue_in(c, log_st, pp_st, sem):
            r0 = base + c * R
            for r in range(R):
                pltpu.async_copy(
                    log3_hbm.at[r0 + r], log_st.at[pl.ds(r * 64, 64)], sem)
                pltpu.async_copy(
                    pp3_hbm.at[r0 + r], pp_st.at[pl.ds(r * 8, 8)], sem)

        def wait_in(log_st, pp_st, sem):
            for r in range(R):
                pltpu.make_async_copy(
                    log3_hbm.at[0], log_st.at[pl.ds(r * 64, 64)], sem).wait()
                pltpu.make_async_copy(
                    pp3_hbm.at[0], pp_st.at[pl.ds(r * 8, 8)], sem).wait()

        def issue_out(c, out_v, sem):
            r0 = base + c * R
            pltpu.async_copy(out_v, out_hbm.at[pl.ds(r0, R)], sem)

        def wait_out(out_v, sem):
            pltpu.make_async_copy(out_v, out_hbm.at[pl.ds(0, R)], sem).wait()

        def compute(log_st, pp_st, out_v):
            def slot(kk, carry):
                o = kk * L
                off = jnp.where(kk == NSLOT - 1, LAST_OFF, kk * L)
                iv = iraw_v[pl.ds(o, L)]
                lmaj = lmaj_v[pl.ds(o, L)]
                lmin = lmin_v[pl.ds(o, L)]
                pmaj = pmaj_v[pl.ds(o, L)]
                pmin = pmin_v[pl.ds(o, L)]
                msk = iv < N_LOG
                for r in range(R):
                    vlog = plsc.load_gather(
                        log_st,
                        [lmaj + jnp.full((L,), r * 64, jnp.int32), lmin])
                    vpp = plsc.load_gather(
                        pp_st,
                        [pmaj + jnp.full((L,), r * 8, jnp.int32), pmin])
                    out_v[r, pl.ds(off, L)] = jnp.where(msk, vlog, vpp)
                return carry

            lax.fori_loop(0, NSLOT, slot, 0)

        issue_in(0, log_a, pp_a, sin_a)
        issue_in(1, log_b, pp_b, sin_b)

        def pair(g, carry):
            c0 = 2 * g
            wait_in(log_a, pp_a, sin_a)

            @pl.when(g > 0)
            def _():
                wait_out(out_a, sout_a)

            compute(log_a, pp_a, out_a)
            issue_out(c0, out_a, sout_a)

            @pl.when(g < n_chunks // 2 - 1)
            def _():
                issue_in(c0 + 2, log_a, pp_a, sin_a)

            wait_in(log_b, pp_b, sin_b)

            @pl.when(g > 0)
            def _():
                wait_out(out_b, sout_b)

            compute(log_b, pp_b, out_b)
            issue_out(c0 + 1, out_b, sout_b)

            @pl.when(g < n_chunks // 2 - 1)
            def _():
                issue_in(c0 + 3, log_b, pp_b, sin_b)

            return carry

        lax.fori_loop(0, n_chunks // 2, pair, 0)
        wait_out(out_a, sout_a)
        wait_out(out_b, sout_b)

    return k(logits, pp_logits, idx_pad)


def kernel(logits, pp_logits, idx):
    idx_pad = jnp.pad(idx, (0, P_PAD - P))
    return _sc_policy_gather(logits, pp_logits, idx_pad)

# --- scband reference (transcript-rebuilt; emitter-appended) ---
"""Pipeline reference for scband-apply-attention-policy-map-78743930405300 (READ-ONLY COPY).

The authoritative reference and input builder live on the scoring server;
editing this copy changes nothing except your own understanding.
"""

import jax, jax.numpy as jnp
import numpy as np

BATCH = 4096
N_LOGITS = 64 * 64
N_PP = 8 * 24
POLICY_SIZE = 1858


def setup_inputs(seed: int = 0) -> dict:
    key = jax.random.key(seed)
    k1, k2, k3 = jax.random.split(key, 3)
    logits = jax.random.normal(k1, (BATCH, 64, 64), dtype=jnp.float32)
    pp_logits = jax.random.normal(k2, (BATCH, 8, 24), dtype=jnp.float32)
    # Buffer 'idx' from the original module (apm_out): maps 4288 raw logit slots
    # to the 1858-dim chess policy vector. Values must be in [0, 4288).
    idx = jax.random.randint(k3, (POLICY_SIZE,), 0, N_LOGITS + N_PP, dtype=jnp.int32)
    return {"logits": logits, "pp_logits": pp_logits, "idx": idx}


def reference(logits, pp_logits, idx):
    flat = jnp.concatenate(
        [logits.reshape(-1, N_LOGITS), pp_logits.reshape(-1, N_PP)], axis=1
    )
    # torch.gather(flat, 1, idx.expand(B, -1)) with a row-constant index is a
    # per-row gather along axis 1 -> jnp.take along axis=1.
    return jnp.take(flat, idx, axis=1)

if __name__ == "__main__":
    import jax
    _d = setup_inputs()
    print(jax.jit(kernel)(*tuple(_d.values())))

</pallas_src>

<mosaic_0001>
#map = affine_map<(d0, d1) -> (0, 0, 0)>
#map1 = affine_map<(d0, d1) -> (0)>
#map2 = affine_map<(d0, d1) -> (0, 0)>
module attributes {stable_mosaic.version = 14 : i64} {
  func.func @k(%arg0: i32, %arg1: i32, %arg2: memref<4096x64x64xf32, #tpu.memory_space<hbm>>, %arg3: memref<4096x8x24xf32, #tpu.memory_space<hbm>>, %arg4: memref<1920xi32, #tpu.memory_space<hbm>>, %arg5: memref<4096x1858xf32, #tpu.memory_space<hbm>>, %arg6: memref<1920xi32, #tpu.memory_space<vmem>>, %arg7: memref<1872xi32, #tpu.memory_space<vmem>>, %arg8: memref<1872xi32, #tpu.memory_space<vmem>>, %arg9: memref<1872xi32, #tpu.memory_space<vmem>>, %arg10: memref<1872xi32, #tpu.memory_space<vmem>>, %arg11: memref<1872xi32, #tpu.memory_space<vmem>>, %arg12: memref<512x64xf32, #tpu.memory_space<vmem>>, %arg13: memref<512x64xf32, #tpu.memory_space<vmem>>, %arg14: memref<64x24xf32, #tpu.memory_space<vmem>>, %arg15: memref<64x24xf32, #tpu.memory_space<vmem>>, %arg16: memref<8x1858xf32, #tpu.memory_space<vmem>>, %arg17: memref<8x1858xf32, #tpu.memory_space<vmem>>, %arg18: memref<!tpu.dma_semaphore, #tpu.memory_space<semaphore_mem>>, %arg19: memref<!tpu.dma_semaphore, #tpu.memory_space<semaphore_mem>>, %arg20: memref<!tpu.dma_semaphore, #tpu.memory_space<semaphore_mem>>, %arg21: memref<!tpu.dma_semaphore, #tpu.memory_space<semaphore_mem>>) attributes {dimension_semantics = [#tpu.dimension_semantics<core_parallel>, #tpu.dimension_semantics<subcore_parallel>], iteration_bounds = array<i64: 2, 16>, scalar_prefetch = 0 : i64, scratch_operands = 16 : i64, tpu.core_type = #tpu.core_type<sc_vector_subcore>, window_params = [{transform_indices = #map}, {transform_indices = #map}, {transform_indices = #map1}, {transform_indices = #map2}]} {
    %mul3A = arith.constant 2 : i32
    %mul3A_0 = arith.muli %arg1, %mul3A : i32
    %add3A = arith.addi %mul3A_0, %arg0 : i32
    %mul3A_1 = arith.constant 128 : i32
    %mul3A_2 = arith.muli %add3A, %mul3A_1 : i32
    "tpu.region"() ({
      %run_scoped3A = tpu.sem_alloc : memref<!tpu.dma_semaphore, #tpu.memory_space<semaphore_mem>>
      tpu.enqueue_dma source(%arg4 : memref<1920xi32, #tpu.memory_space<hbm>>) target(%arg6 : memref<1920xi32, #tpu.memory_space<vmem>>) target_semaphore(%run_scoped3A : memref<!tpu.dma_semaphore, #tpu.memory_space<semaphore_mem>>)
      tpu.wait_dma2 semaphore(%run_scoped3A : memref<!tpu.dma_semaphore, #tpu.memory_space<semaphore_mem>>) src(%arg4 : memref<1920xi32, #tpu.memory_space<hbm>>) dst(%arg6 : memref<1920xi32, #tpu.memory_space<vmem>>)
      tpu.yield
    }) : () -> ()
    %scan3A = arith.constant 0 : i32
    %scan3A_3 = arith.constant 0 : i32
    %scan3A_4 = arith.constant 117 : i32
    %scan3A_5 = arith.addi %scan3A_3, %scan3A_4 : i32
    %scan3A_6 = arith.constant 1 : i32
    scf.for %scan3A_540 = %scan3A_3 to %scan3A_5 step %scan3A_6  : i32 {
      %eq3A = arith.constant 116 : i32
      %eq3A_541 = arith.cmpi eq, %scan3A_540, %eq3A : i32
      %mul3A_542 = arith.constant 16 : i32
      %mul3A_543 = arith.muli %scan3A_540, %mul3A_542 : i32
      %jit3A = arith.constant 1842 : i32
      %select_n3A = arith.select %eq3A_541, %jit3A, %mul3A_543 : i32
      %get3A = arith.index_cast %select_n3A : i32 to index
      %get3A_544 = tpu.vector_load %arg6[%get3A] {strides = array<i32>} : memref<1920xi32, #tpu.memory_space<vmem>>, vector<16xi32>,
      %min3A = arith.constant 4095 : i32
      %min3A_545 = vector.broadcast %min3A : i32 to vector<16xi32>
      %min3A_546 = arith.minsi %get3A_544, %min3A_545 : vector<16xi32>
      %sub3A = arith.constant 4096 : i32
      %sub3A_547 = vector.broadcast %sub3A : i32 to vector<16xi32>
      %sub3A_548 = arith.subi %get3A_544, %sub3A_547 : vector<16xi32>
      %jit3A_549 = arith.constant 0 : i32
      %jit3A_550 = arith.constant 191 : i32
      %max3A = vector.broadcast %jit3A_549 : i32 to vector<16xi32>
      %max3A_551 = arith.maxsi %max3A, %sub3A_548 : vector<16xi32>
      %min3A_552 = vector.broadcast %jit3A_550 : i32 to vector<16xi32>
      %min3A_553 = arith.minsi %min3A_552, %max3A_551 : vector<16xi32>
      %jit3A_554 = arith.constant 24 : i32
      %div3A = vector.broadcast %jit3A_554 : i32 to vector<16xi32>
      %div3A_555 = arith.divsi %min3A_553, %div3A : vector<16xi32>
      %sign3A = arith.constant 0 : i32
      %sign3A_556 = vector.broadcast %sign3A : i32 to vector<16xi32>
      %sign3A_557 = arith.cmpi sgt, %min3A_553, %sign3A_556 : vector<16xi32>
      %sign3A_558 = arith.extui %sign3A_557 : vector<16xi1> to vector<16xi32>
      %sign3A_559 = arith.constant 0 : i32
      %sign3A_560 = vector.broadcast %sign3A_559 : i32 to vector<16xi32>
      %sign3A_561 = arith.cmpi slt, %min3A_553, %sign3A_560 : vector<16xi32>
      %sign3A_562 = arith.extui %sign3A_561 : vector<16xi1> to vector<16xi32>
      %sign3A_563 = arith.subi %sign3A_558, %sign3A_562 : vector<16xi32>
      %sign3A_564 = arith.constant 0 : i32
      %sign3A_565 = arith.cmpi sgt, %jit3A_554, %sign3A_564 : i32
      %sign3A_566 = arith.extui %sign3A_565 : i1 to i32
      %sign3A_567 = arith.constant 0 : i32
      %sign3A_568 = arith.cmpi slt, %jit3A_554, %sign3A_567 : i32
      %sign3A_569 = arith.extui %sign3A_568 : i1 to i32
      %sign3A_570 = arith.subi %sign3A_566, %sign3A_569 : i32
      %ne3A = vector.broadcast %sign3A_570 : i32 to vector<16xi32>
      %ne3A_571 = arith.cmpi ne, %sign3A_563, %ne3A : vector<16xi32>
      %rem3A = vector.broadcast %jit3A_554 : i32 to vector<16xi32>
      %rem3A_572 = arith.remsi %min3A_553, %rem3A : vector<16xi32>
      %ne3A_573 = arith.constant 0 : i32
      %ne3A_574 = vector.broadcast %ne3A_573 : i32 to vector<16xi32>
      %ne3A_575 = arith.cmpi ne, %rem3A_572, %ne3A_574 : vector<16xi32>
      %and3A = arith.andi %ne3A_571, %ne3A_575 : vector<16xi1>
      %sub3A_576 = arith.constant 1 : i32
      %sub3A_577 = vector.broadcast %sub3A_576 : i32 to vector<16xi32>
      %sub3A_578 = arith.subi %div3A_555, %sub3A_577 : vector<16xi32>
      %select_n3A_579 = arith.select %and3A, %sub3A_578, %div3A_555 : vector<16xi1>, vector<16xi32>
      %mul3A_580 = arith.constant 16 : i32
      %mul3A_581 = arith.muli %scan3A_540, %mul3A_580 : i32
      %swap3A = arith.index_cast %mul3A_581 : i32 to index
      %swap3A_582 = tpu.vector_load %arg7[%swap3A] {strides = array<i32>} : memref<1872xi32, #tpu.memory_space<vmem>>, vector<16xi32>,
      tpu.vector_store %arg7[%swap3A], %get3A_544 {strides = array<i32>} : memref<1872xi32, #tpu.memory_space<vmem>>, vector<16xi32>,
      %shift_right_arithmetic3A = arith.constant 6 : i32
      %shift_right_arithmetic3A_583 = vector.broadcast %shift_right_arithmetic3A : i32 to vector<16xi32>
      %shift_right_arithmetic3A_584 = arith.shrsi %min3A_546, %shift_right_arithmetic3A_583 : vector<16xi32>
      %swap3A_585 = arith.index_cast %mul3A_581 : i32 to index
      %swap3A_586 = tpu.vector_load %arg8[%swap3A_585] {strides = array<i32>} : memref<1872xi32, #tpu.memory_space<vmem>>, vector<16xi32>,
      tpu.vector_store %arg8[%swap3A_585], %shift_right_arithmetic3A_584 {strides = array<i32>} : memref<1872xi32, #tpu.memory_space<vmem>>, vector<16xi32>,
      %and3A_587 = arith.constant 63 : i32
      %and3A_588 = vector.broadcast %and3A_587 : i32 to vector<16xi32>
      %and3A_589 = arith.andi %min3A_546, %and3A_588 : vector<16xi32>
      %swap3A_590 = arith.index_cast %mul3A_581 : i32 to index
      %swap3A_591 = tpu.vector_load %arg9[%swap3A_590] {strides = array<i32>} : memref<1872xi32, #tpu.memory_space<vmem>>, vector<16xi32>,
      tpu.vector_store %arg9[%swap3A_590], %and3A_589 {strides = array<i32>} : memref<1872xi32, #tpu.memory_space<vmem>>, vector<16xi32>,
      %swap3A_592 = arith.index_cast %mul3A_581 : i32 to index
      %swap3A_593 = tpu.vector_load %arg10[%swap3A_592] {strides = array<i32>} : memref<1872xi32, #tpu.memory_space<vmem>>, vector<16xi32>,
      tpu.vector_store %arg10[%swap3A_592], %select_n3A_579 {strides = array<i32>} : memref<1872xi32, #tpu.memory_space<vmem>>, vector<16xi32>,
      %mul3A_594 = arith.constant 24 : i32
      %mul3A_595 = vector.broadcast %mul3A_594 : i32 to vector<16xi32>
      %mul3A_596 = arith.muli %select_n3A_579, %mul3A_595 : vector<16xi32>
      %sub3A_597 = arith.subi %min3A_553, %mul3A_596 : vector<16xi32>
      %swap3A_598 = arith.index_cast %mul3A_581 : i32 to index
      %swap3A_599 = tpu.vector_load %arg11[%swap3A_598] {strides = array<i32>} : memref<1872xi32, #tpu.memory_space<vmem>>, vector<16xi32>,
      tpu.vector_store %arg11[%swap3A_598], %sub3A_597 {strides = array<i32>} : memref<1872xi32, #tpu.memory_space<vmem>>, vector<16xi32>,
    }
    %scan3A_7 = arith.constant 117 : i32
    %add3A_8 = arith.constant 0 : i32
    %add3A_9 = arith.addi %mul3A_2, %add3A_8 : i32
    %add3A_10 = arith.constant 0 : i32
    %add3A_11 = arith.addi %add3A_9, %add3A_10 : i32
    %dma_start3A = arith.constant 0 : i32
    %dma_start3A_12 = arith.constant 0 : i32
    %dma_start3A_13 = tpu.memref_slice %arg12[%dma_start3A, %dma_start3A_12] : memref<512x64xf32, #tpu.memory_space<vmem>> -> memref<64x64xf32, #tpu.memory_space<vmem>>
    %dma_start3A_14 = arith.constant 0 : i32
    %dma_start3A_15 = arith.constant 0 : i32
    %dma_start3A_16 = tpu.memref_slice %arg2[%add3A_11, %dma_start3A_14, %dma_start3A_15] : memref<4096x64x64xf32, #tpu.memory_space<hbm>> -> memref<1x64x64xf32, #tpu.memory_space<hbm>>
    %dma_start3A_17 = tpu.memref_squeeze %dma_start3A_16 : memref<1x64x64xf32, #tpu.memory_space<hbm>> -> memref<64x64xf32, #tpu.memory_space<hbm>>
    %dma_start3A_18 = arith.constant 0 : i32
    %dma_start3A_19 = arith.constant 0 : i32
    %dma_start3A_20 = tpu.memref_slice %arg12[%dma_start3A_18, %dma_start3A_19] : memref<512x64xf32, #tpu.memory_space<vmem>> -> memref<64x64xf32, #tpu.memory_space<vmem>>
    %dma_start3A_21 = arith.constant 0 : i32
    %dma_start3A_22 = arith.constant 0 : i32
    %dma_start3A_23 = tpu.memref_slice %arg2[%add3A_11, %dma_start3A_21, %dma_start3A_22] : memref<4096x64x64xf32, #tpu.memory_space<hbm>> -> memref<1x64x64xf32, #tpu.memory_space<hbm>>
    %dma_start3A_24 = tpu.memref_squeeze %dma_start3A_23 : memref<1x64x64xf32, #tpu.memory_space<hbm>> -> memref<64x64xf32, #tpu.memory_space<hbm>>
    tpu.enqueue_dma source(%dma_start3A_24 : memref<64x64xf32, #tpu.memory_space<hbm>>) target(%dma_start3A_20 : memref<64x64xf32, #tpu.memory_space<vmem>>) target_semaphore(%arg18 : memref<!tpu.dma_semaphore, #tpu.memory_space<semaphore_mem>>)
    %add3A_25 = arith.constant 0 : i32
    %add3A_26 = arith.addi %add3A_9, %add3A_25 : i32
    %dma_start3A_27 = arith.constant 0 : i32
    %dma_start3A_28 = arith.constant 0 : i32
    %dma_start3A_29 = tpu.memref_slice %arg14[%dma_start3A_27, %dma_start3A_28] : memref<64x24xf32, #tpu.memory_space<vmem>> -> memref<8x24xf32, #tpu.memory_space<vmem>>
    %dma_start3A_30 = arith.constant 0 : i32
    %dma_start3A_31 = arith.constant 0 : i32
    %dma_start3A_32 = tpu.memref_slice %arg3[%add3A_26, %dma_start3A_30, %dma_start3A_31] : memref<4096x8x24xf32, #tpu.memory_space<hbm>> -> memref<1x8x24xf32, #tpu.memory_space<hbm>>
    %dma_start3A_33 = tpu.memref_squeeze %dma_start3A_32 : memref<1x8x24xf32, #tpu.memory_space<hbm>> -> memref<8x24xf32, #tpu.memory_space<hbm>>
    %dma_start3A_34 = arith.constant 0 : i32
    %dma_start3A_35 = arith.constant 0 : i32
    %dma_start3A_36 = tpu.memref_slice %arg14[%dma_start3A_34, %dma_start3A_35] : memref<64x24xf32, #tpu.memory_space<vmem>> -> memref<8x24xf32, #tpu.memory_space<vmem>>
    %dma_start3A_37 = arith.constant 0 : i32
    %dma_start3A_38 = arith.constant 0 : i32
    %dma_start3A_39 = tpu.memref_slice %arg3[%add3A_26, %dma_start3A_37, %dma_start3A_38] : memref<4096x8x24xf32, #tpu.memory_space<hbm>> -> memref<1x8x24xf32, #tpu.memory_space<hbm>>
    %dma_start3A_40 = tpu.memref_squeeze %dma_start3A_39 : memref<1x8x24xf32, #tpu.memory_space<hbm>> -> memref<8x24xf32, #tpu.memory_space<hbm>>
    tpu.enqueue_dma source(%dma_start3A_40 : memref<8x24xf32, #tpu.memory_space<hbm>>) target(%dma_start3A_36 : memref<8x24xf32, #tpu.memory_space<vmem>>) target_semaphore(%arg18 : memref<!tpu.dma_semaphore, #tpu.memory_space<semaphore_mem>>)
    %add3A_41 = arith.constant 1 : i32
    %add3A_42 = arith.addi %add3A_9, %add3A_41 : i32
    %dma_start3A_43 = arith.constant 64 : i32
    %dma_start3A_44 = arith.constant 0 : i32
    %dma_start3A_45 = tpu.memref_slice %arg12[%dma_start3A_43, %dma_start3A_44] : memref<512x64xf32, #tpu.memory_space<vmem>> -> memref<64x64xf32, #tpu.memory_space<vmem>>
    %dma_start3A_46 = arith.constant 0 : i32
    %dma_start3A_47 = arith.constant 0 : i32
    %dma_start3A_48 = tpu.memref_slice %arg2[%add3A_42, %dma_start3A_46, %dma_start3A_47] : memref<4096x64x64xf32, #tpu.memory_space<hbm>> -> memref<1x64x64xf32, #tpu.memory_space<hbm>>
    %dma_start3A_49 = tpu.memref_squeeze %dma_start3A_48 : memref<1x64x64xf32, #tpu.memory_space<hbm>> -> memref<64x64xf32, #tpu.memory_space<hbm>>
    %dma_start3A_50 = arith.constant 64 : i32
    %dma_start3A_51 = arith.constant 0 : i32
    %dma_start3A_52 = tpu.memref_slice %arg12[%dma_start3A_50, %dma_start3A_51] : memref<512x64xf32, #tpu.memory_space<vmem>> -> memref<64x64xf32, #tpu.memory_space<vmem>>
    %dma_start3A_53 = arith.constant 0 : i32
    %dma_start3A_54 = arith.constant 0 : i32
    %dma_start3A_55 = tpu.memref_slice %arg2[%add3A_42, %dma_start3A_53, %dma_start3A_54] : memref<4096x64x64xf32, #tpu.memory_space<hbm>> -> memref<1x64x64xf32, #tpu.memory_space<hbm>>
    %dma_start3A_56 = tpu.memref_squeeze %dma_start3A_55 : memref<1x64x64xf32, #tpu.memory_space<hbm>> -> memref<64x64xf32, #tpu.memory_space<hbm>>
    tpu.enqueue_dma source(%dma_start3A_56 : memref<64x64xf32, #tpu.memory_space<hbm>>) target(%dma_start3A_52 : memref<64x64xf32, #tpu.memory_space<vmem>>) target_semaphore(%arg18 : memref<!tpu.dma_semaphore, #tpu.memory_space<semaphore_mem>>)
    %add3A_57 = arith.constant 1 : i32
    %add3A_58 = arith.addi %add3A_9, %add3A_57 : i32
    %dma_start3A_59 = arith.constant 8 : i32
    %dma_start3A_60 = arith.constant 0 : i32
    %dma_start3A_61 = tpu.memref_slice %arg14[%dma_start3A_59, %dma_start3A_60] : memref<64x24xf32, #tpu.memory_space<vmem>> -> memref<8x24xf32, #tpu.memory_space<vmem>>
    %dma_start3A_62 = arith.constant 0 : i32
    %dma_start3A_63 = arith.constant 0 : i32
    %dma_start3A_64 = tpu.memref_slice %arg3[%add3A_58, %dma_start3A_62, %dma_start3A_63] : memref<4096x8x24xf32, #tpu.memory_space<hbm>> -> memref<1x8x24xf32, #tpu.memory_space<hbm>>
    %dma_start3A_65 = tpu.memref_squeeze %dma_start3A_64 : memref<1x8x24xf32, #tpu.memory_space<hbm>> -> memref<8x24xf32, #tpu.memory_space<hbm>>
    %dma_start3A_66 = arith.constant 8 : i32
    %dma_start3A_67 = arith.constant 0 : i32
    %dma_start3A_68 = tpu.memref_slice %arg14[%dma_start3A_66, %dma_start3A_67] : memref<64x24xf32, #tpu.memory_space<vmem>> -> memref<8x24xf32, #tpu.memory_space<vmem>>
    %dma_start3A_69 = arith.constant 0 : i32
    %dma_start3A_70 = arith.constant 0 : i32
    %dma_start3A_71 = tpu.memref_slice %arg3[%add3A_58, %dma_start3A_69, %dma_start3A_70] : memref<4096x8x24xf32, #tpu.memory_space<hbm>> -> memref<1x8x24xf32, #tpu.memory_space<hbm>>
    %dma_start3A_72 = tpu.memref_squeeze %dma_start3A_71 : memref<1x8x24xf32, #tpu.memory_space<hbm>> -> memref<8x24xf32, #tpu.memory_space<hbm>>
    tpu.enqueue_dma source(%dma_start3A_72 : memref<8x24xf32, #tpu.memory_space<hbm>>) target(%dma_start3A_68 : memref<8x24xf32, #tpu.memory_space<vmem>>) target_semaphore(%arg18 : memref<!tpu.dma_semaphore, #tpu.memory_space<semaphore_mem>>)
    %add3A_73 = arith.constant 2 : i32
    %add3A_74 = arith.addi %add3A_9, %add3A_73 : i32
    %dma_start3A_75 = arith.constant 128 : i32
    %dma_start3A_76 = arith.constant 0 : i32
    %dma_start3A_77 = tpu.memref_slice %arg12[%dma_start3A_75, %dma_start3A_76] : memref<512x64xf32, #tpu.memory_space<vmem>> -> memref<64x64xf32, #tpu.memory_space<vmem>>
    %dma_start3A_78 = arith.constant 0 : i32
    %dma_start3A_79 = arith.constant 0 : i32
    %dma_start3A_80 = tpu.memref_slice %arg2[%add3A_74, %dma_start3A_78, %dma_start3A_79] : memref<4096x64x64xf32, #tpu.memory_space<hbm>> -> memref<1x64x64xf32, #tpu.memory_space<hbm>>
    %dma_start3A_81 = tpu.memref_squeeze %dma_start3A_80 : memref<1x64x64xf32, #tpu.memory_space<hbm>> -> memref<64x64xf32, #tpu.memory_space<hbm>>
    %dma_start3A_82 = arith.constant 128 : i32
    %dma_start3A_83 = arith.constant 0 : i32
    %dma_start3A_84 = tpu.memref_slice %arg12[%dma_start3A_82, %dma_start3A_83] : memref<512x64xf32, #tpu.memory_space<vmem>> -> memref<64x64xf32, #tpu.memory_space<vmem>>
    %dma_start3A_85 = arith.constant 0 : i32
    %dma_start3A_86 = arith.constant 0 : i32
    %dma_start3A_87 = tpu.memref_slice %arg2[%add3A_74, %dma_start3A_85, %dma_start3A_86] : memref<4096x64x64xf32, #tpu.memory_space<hbm>> -> memref<1x64x64xf32, #tpu.memory_space<hbm>>
    %dma_start3A_88 = tpu.memref_squeeze %dma_start3A_87 : memref<1x64x64xf32, #tpu.memory_space<hbm>> -> memref<64x64xf32, #tpu.memory_space<hbm>>
    tpu.enqueue_dma source(%dma_start3A_88 : memref<64x64xf32, #tpu.memory_space<hbm>>) target(%dma_start3A_84 : memref<64x64xf32, #tpu.memory_space<vmem>>) target_semaphore(%arg18 : memref<!tpu.dma_semaphore, #tpu.memory_space<semaphore_mem>>)
    %add3A_89 = arith.constant 2 : i32
    %add3A_90 = arith.addi %add3A_9, %add3A_89 : i32
    %dma_start3A_91 = arith.constant 16 : i32
    %dma_start3A_92 = arith.constant 0 : i32
    %dma_start3A_93 = tpu.memref_slice %arg14[%dma_start3A_91, %dma_start3A_92] : memref<64x24xf32, #tpu.memory_space<vmem>> -> memref<8x24xf32, #tpu.memory_space<vmem>>
    %dma_start3A_94 = arith.constant 0 : i32
    %dma_start3A_95 = arith.constant 0 : i32
    %dma_start3A_96 = tpu.memref_slice %arg3[%add3A_90, %dma_start3A_94, %dma_start3A_95] : memref<4096x8x24xf32, #tpu.memory_space<hbm>> -> memref<1x8x24xf32, #tpu.memory_space<hbm>>
    %dma_start3A_97 = tpu.memref_squeeze %dma_start3A_96 : memref<1x8x24xf32, #tpu.memory_space<hbm>> -> memref<8x24xf32, #tpu.memory_space<hbm>>
    %dma_start3A_98 = arith.constant 16 : i32
    %dma_start3A_99 = arith.constant 0 : i32
    %dma_start3A_100 = tpu.memref_slice %arg14[%dma_start3A_98, %dma_start3A_99] : memref<64x24xf32, #tpu.memory_space<vmem>> -> memref<8x24xf32, #tpu.memory_space<vmem>>
    %dma_start3A_101 = arith.constant 0 : i32
    %dma_start3A_102 = arith.constant 0 : i32
    %dma_start3A_103 = tpu.memref_slice %arg3[%add3A_90, %dma_start3A_101, %dma_start3A_102] : memref<4096x8x24xf32, #tpu.memory_space<hbm>> -> memref<1x8x24xf32, #tpu.memory_space<hbm>>
    %dma_start3A_104 = tpu.memref_squeeze %dma_start3A_103 : memref<1x8x24xf32, #tpu.memory_space<hbm>> -> memref<8x24xf32, #tpu.memory_space<hbm>>
    tpu.enqueue_dma source(%dma_start3A_104 : memref<8x24xf32, #tpu.memory_space<hbm>>) target(%dma_start3A_100 : memref<8x24xf32, #tpu.memory_space<vmem>>) target_semaphore(%arg18 : memref<!tpu.dma_semaphore, #tpu.memory_space<semaphore_mem>>)
    %add3A_105 = arith.constant 3 : i32
    %add3A_106 = arith.addi %add3A_9, %add3A_105 : i32
    %dma_start3A_107 = arith.constant 192 : i32
    %dma_start3A_108 = arith.constant 0 : i32
    %dma_start3A_109 = tpu.memref_slice %arg12[%dma_start3A_107, %dma_start3A_108] : memref<512x64xf32, #tpu.memory_space<vmem>> -> memref<64x64xf32, #tpu.memory_space<vmem>>
    %dma_start3A_110 = arith.constant 0 : i32
    %dma_start3A_111 = arith.constant 0 : i32
    %dma_start3A_112 = tpu.memref_slice %arg2[%add3A_106, %dma_start3A_110, %dma_start3A_111] : memref<4096x64x64xf32, #tpu.memory_space<hbm>> -> memref<1x64x64xf32, #tpu.memory_space<hbm>>
    %dma_start3A_113 = tpu.memref_squeeze %dma_start3A_112 : memref<1x64x64xf32, #tpu.memory_space<hbm>> -> memref<64x64xf32, #tpu.memory_space<hbm>>
    %dma_start3A_114 = arith.constant 192 : i32
    %dma_start3A_115 = arith.constant 0 : i32
    %dma_start3A_116 = tpu.memref_slice %arg12[%dma_start3A_114, %dma_start3A_115] : memref<512x64xf32, #tpu.memory_space<vmem>> -> memref<64x64xf32, #tpu.memory_space<vmem>>
    %dma_start3A_117 = arith.constant 0 : i32
    %dma_start3A_118 = arith.constant 0 : i32
    %dma_start3A_119 = tpu.memref_slice %arg2[%add3A_106, %dma_start3A_117, %dma_start3A_118] : memref<4096x64x64xf32, #tpu.memory_space<hbm>> -> memref<1x64x64xf32, #tpu.memory_space<hbm>>
    %dma_start3A_120 = tpu.memref_squeeze %dma_start3A_119 : memref<1x64x64xf32, #tpu.memory_space<hbm>> -> memref<64x64xf32, #tpu.memory_space<hbm>>
    tpu.enqueue_dma source(%dma_start3A_120 : memref<64x64xf32, #tpu.memory_space<hbm>>) target(%dma_start3A_116 : memref<64x64xf32, #tpu.memory_space<vmem>>) target_semaphore(%arg18 : memref<!tpu.dma_semaphore, #tpu.memory_space<semaphore_mem>>)
    %add3A_121 = arith.constant 3 : i32
    %add3A_122 = arith.addi %add3A_9, %add3A_121 : i32
    %dma_start3A_123 = arith.constant 24 : i32
    %dma_start3A_124 = arith.constant 0 : i32
    %dma_start3A_125 = tpu.memref_slice %arg14[%dma_start3A_123, %dma_start3A_124] : memref<64x24xf32, #tpu.memory_space<vmem>> -> memref<8x24xf32, #tpu.memory_space<vmem>>
    %dma_start3A_126 = arith.constant 0 : i32
    %dma_start3A_127 = arith.constant 0 : i32
    %dma_start3A_128 = tpu.memref_slice %arg3[%add3A_122, %dma_start3A_126, %dma_start3A_127] : memref<4096x8x24xf32, #tpu.memory_space<hbm>> -> memref<1x8x24xf32, #tpu.memory_space<hbm>>
    %dma_start3A_129 = tpu.memref_squeeze %dma_start3A_128 : memref<1x8x24xf32, #tpu.memory_space<hbm>> -> memref<8x24xf32, #tpu.memory_space<hbm>>
    %dma_start3A_130 = arith.constant 24 : i32
    %dma_start3A_131 = arith.constant 0 : i32
    %dma_start3A_132 = tpu.memref_slice %arg14[%dma_start3A_130, %dma_start3A_131] : memref<64x24xf32, #tpu.memory_space<vmem>> -> memref<8x24xf32, #tpu.memory_space<vmem>>
    %dma_start3A_133 = arith.constant 0 : i32
    %dma_start3A_134 = arith.constant 0 : i32
    %dma_start3A_135 = tpu.memref_slice %arg3[%add3A_122, %dma_start3A_133, %dma_start3A_134] : memref<4096x8x24xf32, #tpu.memory_space<hbm>> -> memref<1x8x24xf32, #tpu.memory_space<hbm>>
    %dma_start3A_136 = tpu.memref_squeeze %dma_start3A_135 : memref<1x8x24xf32, #tpu.memory_space<hbm>> -> memref<8x24xf32, #tpu.memory_space<hbm>>
    tpu.enqueue_dma source(%dma_start3A_136 : memref<8x24xf32, #tpu.memory_space<hbm>>) target(%dma_start3A_132 : memref<8x24xf32, #tpu.memory_space<vmem>>) target_semaphore(%arg18 : memref<!tpu.dma_semaphore, #tpu.memory_space<semaphore_mem>>)
    %add3A_137 = arith.constant 4 : i32
    %add3A_138 = arith.addi %add3A_9, %add3A_137 : i32
    %dma_start3A_139 = arith.constant 256 : i32
    %dma_start3A_140 = arith.constant 0 : i32
    %dma_start3A_141 = tpu.memref_slice %arg12[%dma_start3A_139, %dma_start3A_140] : memref<512x64xf32, #tpu.memory_space<vmem>> -> memref<64x64xf32, #tpu.memory_space<vmem>>
    %dma_start3A_142 = arith.constant 0 : i32
    %dma_start3A_143 = arith.constant 0 : i32
    %dma_start3A_144 = tpu.memref_slice %arg2[%add3A_138, %dma_start3A_142, %dma_start3A_143] : memref<4096x64x64xf32, #tpu.memory_space<hbm>> -> memref<1x64x64xf32, #tpu.memory_space<hbm>>
    %dma_start3A_145 = tpu.memref_squeeze %dma_start3A_144 : memref<1x64x64xf32, #tpu.memory_space<hbm>> -> memref<64x64xf32, #tpu.memory_space<hbm>>
    %dma_start3A_146 = arith.constant 256 : i32
    %dma_start3A_147 = arith.constant 0 : i32
    %dma_start3A_148 = tpu.memref_slice %arg12[%dma_start3A_146, %dma_start3A_147] : memref<512x64xf32, #tpu.memory_space<vmem>> -> memref<64x64xf32, #tpu.memory_space<vmem>>
    %dma_start3A_149 = arith.constant 0 : i32
    %dma_start3A_150 = arith.constant 0 : i32
    %dma_start3A_151 = tpu.memref_slice %arg2[%add3A_138, %dma_start3A_149, %dma_start3A_150] : memref<4096x64x64xf32, #tpu.memory_space<hbm>> -> memref<1x64x64xf32, #tpu.memory_space<hbm>>
    %dma_start3A_152 = tpu.memref_squeeze %dma_start3A_151 : memref<1x64x64xf32, #tpu.memory_space<hbm>> -> memref<64x64xf32, #tpu.memory_space<hbm>>
    tpu.enqueue_dma source(%dma_start3A_152 : memref<64x64xf32, #tpu.memory_space<hbm>>) target(%dma_start3A_148 : memref<64x64xf32, #tpu.memory_space<vmem>>) target_semaphore(%arg18 : memref<!tpu.dma_semaphore, #tpu.memory_space<semaphore_mem>>)
    %add3A_153 = arith.constant 4 : i32
    %add3A_154 = arith.addi %add3A_9, %add3A_153 : i32
    %dma_start3A_155 = arith.constant 32 : i32
    %dma_start3A_156 = arith.constant 0 : i32
    %dma_start3A_157 = tpu.memref_slice %arg14[%dma_start3A_155, %dma_start3A_156] : memref<64x24xf32, #tpu.memory_space<vmem>> -> memref<8x24xf32, #tpu.memory_space<vmem>>
    %dma_start3A_158 = arith.constant 0 : i32
    %dma_start3A_159 = arith.constant 0 : i32
    %dma_start3A_160 = tpu.memref_slice %arg3[%add3A_154, %dma_start3A_158, %dma_start3A_159] : memref<4096x8x24xf32, #tpu.memory_space<hbm>> -> memref<1x8x24xf32, #tpu.memory_space<hbm>>
    %dma_start3A_161 = tpu.memref_squeeze %dma_start3A_160 : memref<1x8x24xf32, #tpu.memory_space<hbm>> -> memref<8x24xf32, #tpu.memory_space<hbm>>
    %dma_start3A_162 = arith.constant 32 : i32
    %dma_start3A_163 = arith.constant 0 : i32
    %dma_start3A_164 = tpu.memref_slice %arg14[%dma_start3A_162, %dma_start3A_163] : memref<64x24xf32, #tpu.memory_space<vmem>> -> memref<8x24xf32, #tpu.memory_space<vmem>>
    %dma_start3A_165 = arith.constant 0 : i32
    %dma_start3A_166 = arith.constant 0 : i32
    %dma_start3A_167 = tpu.memref_slice %arg3[%add3A_154, %dma_start3A_165, %dma_start3A_166] : memref<4096x8x24xf32, #tpu.memory_space<hbm>> -> memref<1x8x24xf32, #tpu.memory_space<hbm>>
    %dma_start3A_168 = tpu.memref_squeeze %dma_start3A_167 : memref<1x8x24xf32, #tpu.memory_space<hbm>> -> memref<8x24xf32, #tpu.memory_space<hbm>>
    tpu.enqueue_dma source(%dma_start3A_168 : memref<8x24xf32, #tpu.memory_space<hbm>>) target(%dma_start3A_164 : memref<8x24xf32, #tpu.memory_space<vmem>>) target_semaphore(%arg18 : memref<!tpu.dma_semaphore, #tpu.memory_space<semaphore_mem>>)
    %add3A_169 = arith.constant 5 : i32
    %add3A_170 = arith.addi %add3A_9, %add3A_169 : i32
    %dma_start3A_171 = arith.constant 320 : i32
    %dma_start3A_172 = arith.constant 0 : i32
    %dma_start3A_173 = tpu.memref_slice %arg12[%dma_start3A_171, %dma_start3A_172] : memref<512x64xf32, #tpu.memory_space<vmem>> -> memref<64x64xf32, #tpu.memory_space<vmem>>
    %dma_start3A_174 = arith.constant 0 : i32
    %dma_start3A_175 = arith.constant 0 : i32
    %dma_start3A_176 = tpu.memref_slice %arg2[%add3A_170, %dma_start3A_174, %dma_start3A_175] : memref<4096x64x64xf32, #tpu.memory_space<hbm>> -> memref<1x64x64xf32, #tpu.memory_space<hbm>>
    %dma_start3A_177 = tpu.memref_squeeze %dma_start3A_176 : memref<1x64x64xf32, #tpu.memory_space<hbm>> -> memref<64x64xf32, #tpu.memory_space<hbm>>
    %dma_start3A_178 = arith.constant 320 : i32
    %dma_start3A_179 = arith.constant 0 : i32
    %dma_start3A_180 = tpu.memref_slice %arg12[%dma_start3A_178, %dma_start3A_179] : memref<512x64xf32, #tpu.memory_space<vmem>> -> memref<64x64xf32, #tpu.memory_space<vmem>>
    %dma_start3A_181 = arith.constant 0 : i32
    %dma_start3A_182 = arith.constant 0 : i32
    %dma_start3A_183 = tpu.memref_slice %arg2[%add3A_170, %dma_start3A_181, %dma_start3A_182] : memref<4096x64x64xf32, #tpu.memory_space<hbm>> -> memref<1x64x64xf32, #tpu.memory_space<hbm>>
    %dma_start3A_184 = tpu.memref_squeeze %dma_start3A_183 : memref<1x64x64xf32, #tpu.memory_space<hbm>> -> memref<64x64xf32, #tpu.memory_space<hbm>>
    tpu.enqueue_dma source(%dma_start3A_184 : memref<64x64xf32, #tpu.memory_space<hbm>>) target(%dma_start3A_180 : memref<64x64xf32, #tpu.memory_space<vmem>>) target_semaphore(%arg18 : memref<!tpu.dma_semaphore, #tpu.memory_space<semaphore_mem>>)
    %add3A_185 = arith.constant 5 : i32
    %add3A_186 = arith.addi %add3A_9, %add3A_185 : i32
    %dma_start3A_187 = arith.constant 40 : i32
    %dma_start3A_188 = arith.constant 0 : i32
    %dma_start3A_189 = tpu.memref_slice %arg14[%dma_start3A_187, %dma_start3A_188] : memref<64x24xf32, #tpu.memory_space<vmem>> -> memref<8x24xf32, #tpu.memory_space<vmem>>
    %dma_start3A_190 = arith.constant 0 : i32
    %dma_start3A_191 = arith.constant 0 : i32
    %dma_start3A_192 = tpu.memref_slice %arg3[%add3A_186, %dma_start3A_190, %dma_start3A_191] : memref<4096x8x24xf32, #tpu.memory_space<hbm>> -> memref<1x8x24xf32, #tpu.memory_space<hbm>>
    %dma_start3A_193 = tpu.memref_squeeze %dma_start3A_192 : memref<1x8x24xf32, #tpu.memory_space<hbm>> -> memref<8x24xf32, #tpu.memory_space<hbm>>
    %dma_start3A_194 = arith.constant 40 : i32
    %dma_start3A_195 = arith.constant 0 : i32
    %dma_start3A_196 = tpu.memref_slice %arg14[%dma_start3A_194, %dma_start3A_195] : memref<64x24xf32, #tpu.memory_space<vmem>> -> memref<8x24xf32, #tpu.memory_space<vmem>>
    %dma_start3A_197 = arith.constant 0 : i32
    %dma_start3A_198 = arith.constant 0 : i32
    %dma_start3A_199 = tpu.memref_slice %arg3[%add3A_186, %dma_start3A_197, %dma_start3A_198] : memref<4096x8x24xf32, #tpu.memory_space<hbm>> -> memref<1x8x24xf32, #tpu.memory_space<hbm>>
    %dma_start3A_200 = tpu.memref_squeeze %dma_start3A_199 : memref<1x8x24xf32, #tpu.memory_space<hbm>> -> memref<8x24xf32, #tpu.memory_space<hbm>>
    tpu.enqueue_dma source(%dma_start3A_200 : memref<8x24xf32, #tpu.memory_space<hbm>>) target(%dma_start3A_196 : memref<8x24xf32, #tpu.memory_space<vmem>>) target_semaphore(%arg18 : memref<!tpu.dma_semaphore, #tpu.memory_space<semaphore_mem>>)
    %add3A_201 = arith.constant 6 : i32
    %add3A_202 = arith.addi %add3A_9, %add3A_201 : i32
    %dma_start3A_203 = arith.constant 384 : i32
    %dma_start3A_204 = arith.constant 0 : i32
    %dma_start3A_205 = tpu.memref_slice %arg12[%dma_start3A_203, %dma_start3A_204] : memref<512x64xf32, #tpu.memory_space<vmem>> -> memref<64x64xf32, #tpu.memory_space<vmem>>
    %dma_start3A_206 = arith.constant 0 : i32
    %dma_start3A_207 = arith.constant 0 : i32
    %dma_start3A_208 = tpu.memref_slice %arg2[%add3A_202, %dma_start3A_206, %dma_start3A_207] : memref<4096x64x64xf32, #tpu.memory_space<hbm>> -> memref<1x64x64xf32, #tpu.memory_space<hbm>>
    %dma_start3A_209 = tpu.memref_squeeze %dma_start3A_208 : memref<1x64x64xf32, #tpu.memory_space<hbm>> -> memref<64x64xf32, #tpu.memory_space<hbm>>
    %dma_start3A_210 = arith.constant 384 : i32
    %dma_start3A_211 = arith.constant 0 : i32
    %dma_start3A_212 = tpu.memref_slice %arg12[%dma_start3A_210, %dma_start3A_211] : memref<512x64xf32, #tpu.memory_space<vmem>> -> memref<64x64xf32, #tpu.memory_space<vmem>>
    %dma_start3A_213 = arith.constant 0 : i32
    %dma_start3A_214 = arith.constant 0 : i32
    %dma_start3A_215 = tpu.memref_slice %arg2[%add3A_202, %dma_start3A_213, %dma_start3A_214] : memref<4096x64x64xf32, #tpu.memory_space<hbm>> -> memref<1x64x64xf32, #tpu.memory_space<hbm>>
    %dma_start3A_216 = tpu.memref_squeeze %dma_start3A_215 : memref<1x64x64xf32, #tpu.memory_space<hbm>> -> memref<64x64xf32, #tpu.memory_space<hbm>>
    tpu.enqueue_dma source(%dma_start3A_216 : memref<64x64xf32, #tpu.memory_space<hbm>>) target(%dma_start3A_212 : memref<64x64xf32, #tpu.memory_space<vmem>>) target_semaphore(%arg18 : memref<!tpu.dma_semaphore, #tpu.memory_space<semaphore_mem>>)
    %add3A_217 = arith.constant 6 : i32
    %add3A_218 = arith.addi %add3A_9, %add3A_217 : i32
    %dma_start3A_219 = arith.constant 48 : i32
    %dma_start3A_220 = arith.constant 0 : i32
    %dma_start3A_221 = tpu.memref_slice %arg14[%dma_start3A_219, %dma_start3A_220] : memref<64x24xf32, #tpu.memory_space<vmem>> -> memref<8x24xf32, #tpu.memory_space<vmem>>
    %dma_start3A_222 = arith.constant 0 : i32
    %dma_start3A_223 = arith.constant 0 : i32
    %dma_start3A_224 = tpu.memref_slice %arg3[%add3A_218, %dma_start3A_222, %dma_start3A_223] : memref<4096x8x24xf32, #tpu.memory_space<hbm>> -> memref<1x8x24xf32, #tpu.memory_space<hbm>>
    %dma_start3A_225 = tpu.memref_squeeze %dma_start3A_224 : memref<1x8x24xf32, #tpu.memory_space<hbm>> -> memref<8x24xf32, #tpu.memory_space<hbm>>
    %dma_start3A_226 = arith.constant 48 : i32
    %dma_start3A_227 = arith.constant 0 : i32
    %dma_start3A_228 = tpu.memref_slice %arg14[%dma_start3A_226, %dma_start3A_227] : memref<64x24xf32, #tpu.memory_space<vmem>> -> memref<8x24xf32, #tpu.memory_space<vmem>>
    %dma_start3A_229 = arith.constant 0 : i32
    %dma_start3A_230 = arith.constant 0 : i32
    %dma_start3A_231 = tpu.memref_slice %arg3[%add3A_218, %dma_start3A_229, %dma_start3A_230] : memref<4096x8x24xf32, #tpu.memory_space<hbm>> -> memref<1x8x24xf32, #tpu.memory_space<hbm>>
    %dma_start3A_232 = tpu.memref_squeeze %dma_start3A_231 : memref<1x8x24xf32, #tpu.memory_space<hbm>> -> memref<8x24xf32, #tpu.memory_space<hbm>>
    tpu.enqueue_dma source(%dma_start3A_232 : memref<8x24xf32, #tpu.memory_space<hbm>>) target(%dma_start3A_228 : memref<8x24xf32, #tpu.memory_space<vmem>>) target_semaphore(%arg18 : memref<!tpu.dma_semaphore, #tpu.memory_space<semaphore_mem>>)
    %add3A_233 = arith.constant 7 : i32
    %add3A_234 = arith.addi %add3A_9, %add3A_233 : i32
    %dma_start3A_235 = arith.constant 448 : i32
    %dma_start3A_236 = arith.constant 0 : i32
    %dma_start3A_237 = tpu.memref_slice %arg12[%dma_start3A_235, %dma_start3A_236] : memref<512x64xf32, #tpu.memory_space<vmem>> -> memref<64x64xf32, #tpu.memory_space<vmem>>
    %dma_start3A_238 = arith.constant 0 : i32
    %dma_start3A_239 = arith.constant 0 : i32
    %dma_start3A_240 = tpu.memref_slice %arg2[%add3A_234, %dma_start3A_238, %dma_start3A_239] : memref<4096x64x64xf32, #tpu.memory_space<hbm>> -> memref<1x64x64xf32, #tpu.memory_space<hbm>>
    %dma_start3A_241 = tpu.memref_squeeze %dma_start3A_240 : memref<1x64x64xf32, #tpu.memory_space<hbm>> -> memref<64x64xf32, #tpu.memory_space<hbm>>
    %dma_start3A_242 = arith.constant 448 : i32
    %dma_start3A_243 = arith.constant 0 : i32
    %dma_start3A_244 = tpu.memref_slice %arg12[%dma_start3A_242, %dma_start3A_243] : memref<512x64xf32, #tpu.memory_space<vmem>> -> memref<64x64xf32, #tpu.memory_space<vmem>>
    %dma_start3A_245 = arith.constant 0 : i32
    %dma_start3A_246 = arith.constant 0 : i32
    %dma_start3A_247 = tpu.memref_slice %arg2[%add3A_234, %dma_start3A_245, %dma_start3A_246] : memref<4096x64x64xf32, #tpu.memory_space<hbm>> -> memref<1x64x64xf32, #tpu.memory_space<hbm>>
    %dma_start3A_248 = tpu.memref_squeeze %dma_start3A_247 : memref<1x64x64xf32, #tpu.memory_space<hbm>> -> memref<64x64xf32, #tpu.memory_space<hbm>>
    tpu.enqueue_dma source(%dma_start3A_248 : memref<64x64xf32, #tpu.memory_space<hbm>>) target(%dma_start3A_244 : memref<64x64xf32, #tpu.memory_space<vmem>>) target_semaphore(%arg18 : memref<!tpu.dma_semaphore, #tpu.memory_space<semaphore_mem>>)
    %add3A_249 = arith.constant 7 : i32
    %add3A_250 = arith.addi %add3A_9, %add3A_249 : i32
    %dma_start3A_251 = arith.constant 56 : i32
    %dma_start3A_252 = arith.constant 0 : i32
    %dma_start3A_253 = tpu.memref_slice %arg14[%dma_start3A_251, %dma_start3A_252] : memref<64x24xf32, #tpu.memory_space<vmem>> -> memref<8x24xf32, #tpu.memory_space<vmem>>
    %dma_start3A_254 = arith.constant 0 : i32
    %dma_start3A_255 = arith.constant 0 : i32
    %dma_start3A_256 = tpu.memref_slice %arg3[%add3A_250, %dma_start3A_254, %dma_start3A_255] : memref<4096x8x24xf32, #tpu.memory_space<hbm>> -> memref<1x8x24xf32, #tpu.memory_space<hbm>>
    %dma_start3A_257 = tpu.memref_squeeze %dma_start3A_256 : memref<1x8x24xf32, #tpu.memory_space<hbm>> -> memref<8x24xf32, #tpu.memory_space<hbm>>
    %dma_start3A_258 = arith.constant 56 : i32
    %dma_start3A_259 = arith.constant 0 : i32
    %dma_start3A_260 = tpu.memref_slice %arg14[%dma_start3A_258, %dma_start3A_259] : memref<64x24xf32, #tpu.memory_space<vmem>> -> memref<8x24xf32, #tpu.memory_space<vmem>>
    %dma_start3A_261 = arith.constant 0 : i32
    %dma_start3A_262 = arith.constant 0 : i32
    %dma_start3A_263 = tpu.memref_slice %arg3[%add3A_250, %dma_start3A_261, %dma_start3A_262] : memref<4096x8x24xf32, #tpu.memory_space<hbm>> -> memref<1x8x24xf32, #tpu.memory_space<hbm>>
    %dma_start3A_264 = tpu.memref_squeeze %dma_start3A_263 : memref<1x8x24xf32, #tpu.memory_space<hbm>> -> memref<8x24xf32, #tpu.memory_space<hbm>>
    tpu.enqueue_dma source(%dma_start3A_264 : memref<8x24xf32, #tpu.memory_space<hbm>>) target(%dma_start3A_260 : memref<8x24xf32, #tpu.memory_space<vmem>>) target_semaphore(%arg18 : memref<!tpu.dma_semaphore, #tpu.memory_space<semaphore_mem>>)
    %add3A_265 = arith.constant 8 : i32
    %add3A_266 = arith.addi %mul3A_2, %add3A_265 : i32
    %add3A_267 = arith.constant 0 : i32
    %add3A_268 = arith.addi %add3A_266, %add3A_267 : i32
    %dma_start3A_269 = arith.constant 0 : i32
    %dma_start3A_270 = arith.constant 0 : i32
    %dma_start3A_271 = tpu.memref_slice %arg13[%dma_start3A_269, %dma_start3A_270] : memref<512x64xf32, #tpu.memory_space<vmem>> -> memref<64x64xf32, #tpu.memory_space<vmem>>
    %dma_start3A_272 = arith.constant 0 : i32
    %dma_start3A_273 = arith.constant 0 : i32
    %dma_start3A_274 = tpu.memref_slice %arg2[%add3A_268, %dma_start3A_272, %dma_start3A_273] : memref<4096x64x64xf32, #tpu.memory_space<hbm>> -> memref<1x64x64xf32, #tpu.memory_space<hbm>>
    %dma_start3A_275 = tpu.memref_squeeze %dma_start3A_274 : memref<1x64x64xf32, #tpu.memory_space<hbm>> -> memref<64x64xf32, #tpu.memory_space<hbm>>
    %dma_start3A_276 = arith.constant 0 : i32
    %dma_start3A_277 = arith.constant 0 : i32
    %dma_start3A_278 = tpu.memref_slice %arg13[%dma_start3A_276, %dma_start3A_277] : memref<512x64xf32, #tpu.memory_space<vmem>> -> memref<64x64xf32, #tpu.memory_space<vmem>>
    %dma_start3A_279 = arith.constant 0 : i32
    %dma_start3A_280 = arith.constant 0 : i32
    %dma_start3A_281 = tpu.memref_slice %arg2[%add3A_268, %dma_start3A_279, %dma_start3A_280] : memref<4096x64x64xf32, #tpu.memory_space<hbm>> -> memref<1x64x64xf32, #tpu.memory_space<hbm>>
    %dma_start3A_282 = tpu.memref_squeeze %dma_start3A_281 : memref<1x64x64xf32, #tpu.memory_space<hbm>> -> memref<64x64xf32, #tpu.memory_space<hbm>>
    tpu.enqueue_dma source(%dma_start3A_282 : memref<64x64xf32, #tpu.memory_space<hbm>>) target(%dma_start3A_278 : memref<64x64xf32, #tpu.memory_space<vmem>>) target_semaphore(%arg19 : memref<!tpu.dma_semaphore, #tpu.memory_space<semaphore_mem>>)
    %add3A_283 = arith.constant 0 : i32
    %add3A_284 = arith.addi %add3A_266, %add3A_283 : i32
    %dma_start3A_285 = arith.constant 0 : i32
    %dma_start3A_286 = arith.constant 0 : i32
    %dma_start3A_287 = tpu.memref_slice %arg15[%dma_start3A_285, %dma_start3A_286] : memref<64x24xf32, #tpu.memory_space<vmem>> -> memref<8x24xf32, #tpu.memory_space<vmem>>
    %dma_start3A_288 = arith.constant 0 : i32
    %dma_start3A_289 = arith.constant 0 : i32
    %dma_start3A_290 = tpu.memref_slice %arg3[%add3A_284, %dma_start3A_288, %dma_start3A_289] : memref<4096x8x24xf32, #tpu.memory_space<hbm>> -> memref<1x8x24xf32, #tpu.memory_space<hbm>>
    %dma_start3A_291 = tpu.memref_squeeze %dma_start3A_290 : memref<1x8x24xf32, #tpu.memory_space<hbm>> -> memref<8x24xf32, #tpu.memory_space<hbm>>
    %dma_start3A_292 = arith.constant 0 : i32
    %dma_start3A_293 = arith.constant 0 : i32
    %dma_start3A_294 = tpu.memref_slice %arg15[%dma_start3A_292, %dma_start3A_293] : memref<64x24xf32, #tpu.memory_space<vmem>> -> memref<8x24xf32, #tpu.memory_space<vmem>>
    %dma_start3A_295 = arith.constant 0 : i32
    %dma_start3A_296 = arith.constant 0 : i32
    %dma_start3A_297 = tpu.memref_slice %arg3[%add3A_284, %dma_start3A_295, %dma_start3A_296] : memref<4096x8x24xf32, #tpu.memory_space<hbm>> -> memref<1x8x24xf32, #tpu.memory_space<hbm>>
    %dma_start3A_298 = tpu.memref_squeeze %dma_start3A_297 : memref<1x8x24xf32, #tpu.memory_space<hbm>> -> memref<8x24xf32, #tpu.memory_space<hbm>>
    tpu.enqueue_dma source(%dma_start3A_298 : memref<8x24xf32, #tpu.memory_space<hbm>>) target(%dma_start3A_294 : memref<8x24xf32, #tpu.memory_space<vmem>>) target_semaphore(%arg19 : memref<!tpu.dma_semaphore, #tpu.memory_space<semaphore_mem>>)
    %add3A_299 = arith.constant 1 : i32
    %add3A_300 = arith.addi %add3A_266, %add3A_299 : i32
    %dma_start3A_301 = arith.constant 64 : i32
    %dma_start3A_302 = arith.constant 0 : i32
    %dma_start3A_303 = tpu.memref_slice %arg13[%dma_start3A_301, %dma_start3A_302] : memref<512x64xf32, #tpu.memory_space<vmem>> -> memref<64x64xf32, #tpu.memory_space<vmem>>
    %dma_start3A_304 = arith.constant 0 : i32
    %dma_start3A_305 = arith.constant 0 : i32
    %dma_start3A_306 = tpu.memref_slice %arg2[%add3A_300, %dma_start3A_304, %dma_start3A_305] : memref<4096x64x64xf32, #tpu.memory_space<hbm>> -> memref<1x64x64xf32, #tpu.memory_space<hbm>>
    %dma_start3A_307 = tpu.memref_squeeze %dma_start3A_306 : memref<1x64x64xf32, #tpu.memory_space<hbm>> -> memref<64x64xf32, #tpu.memory_space<hbm>>
    %dma_start3A_308 = arith.constant 64 : i32
    %dma_start3A_309 = arith.constant 0 : i32
    %dma_start3A_310 = tpu.memref_slice %arg13[%dma_start3A_308, %dma_start3A_309] : memref<512x64xf32, #tpu.memory_space<vmem>> -> memref<64x64xf32, #tpu.memory_space<vmem>>
    %dma_start3A_311 = arith.constant 0 : i32
    %dma_start3A_312 = arith.constant 0 : i32
    %dma_start3A_313 = tpu.memref_slice %arg2[%add3A_300, %dma_start3A_311, %dma_start3A_312] : memref<4096x64x64xf32, #tpu.memory_space<hbm>> -> memref<1x64x64xf32, #tpu.memory_space<hbm>>
    %dma_start3A_314 = tpu.memref_squeeze %dma_start3A_313 : memref<1x64x64xf32, #tpu.memory_space<hbm>> -> memref<64x64xf32, #tpu.memory_space<hbm>>
    tpu.enqueue_dma source(%dma_start3A_314 : memref<64x64xf32, #tpu.memory_space<hbm>>) target(%dma_start3A_310 : memref<64x64xf32, #tpu.memory_space<vmem>>) target_semaphore(%arg19 : memref<!tpu.dma_semaphore, #tpu.memory_space<semaphore_mem>>)
    %add3A_315 = arith.constant 1 : i32
    %add3A_316 = arith.addi %add3A_266, %add3A_315 : i32
    %dma_start3A_317 = arith.constant 8 : i32
    %dma_start3A_318 = arith.constant 0 : i32
    %dma_start3A_319 = tpu.memref_slice %arg15[%dma_start3A_317, %dma_start3A_318] : memref<64x24xf32, #tpu.memory_space<vmem>> -> memref<8x24xf32, #tpu.memory_space<vmem>>
    %dma_start3A_320 = arith.constant 0 : i32
    %dma_start3A_321 = arith.constant 0 : i32
    %dma_start3A_322 = tpu.memref_slice %arg3[%add3A_316, %dma_start3A_320, %dma_start3A_321] : memref<4096x8x24xf32, #tpu.memory_space<hbm>> -> memref<1x8x24xf32, #tpu.memory_space<hbm>>
    %dma_start3A_323 = tpu.memref_squeeze %dma_start3A_322 : memref<1x8x24xf32, #tpu.memory_space<hbm>> -> memref<8x24xf32, #tpu.memory_space<hbm>>
    %dma_start3A_324 = arith.constant 8 : i32
    %dma_start3A_325 = arith.constant 0 : i32
    %dma_start3A_326 = tpu.memref_slice %arg15[%dma_start3A_324, %dma_start3A_325] : memref<64x24xf32, #tpu.memory_space<vmem>> -> memref<8x24xf32, #tpu.memory_space<vmem>>
    %dma_start3A_327 = arith.constant 0 : i32
    %dma_start3A_328 = arith.constant 0 : i32
    %dma_start3A_329 = tpu.memref_slice %arg3[%add3A_316, %dma_start3A_327, %dma_start3A_328] : memref<4096x8x24xf32, #tpu.memory_space<hbm>> -> memref<1x8x24xf32, #tpu.memory_space<hbm>>
    %dma_start3A_330 = tpu.memref_squeeze %dma_start3A_329 : memref<1x8x24xf32, #tpu.memory_space<hbm>> -> memref<8x24xf32, #tpu.memory_space<hbm>>
    tpu.enqueue_dma source(%dma_start3A_330 : memref<8x24xf32, #tpu.memory_space<hbm>>) target(%dma_start3A_326 : memref<8x24xf32, #tpu.memory_space<vmem>>) target_semaphore(%arg19 : memref<!tpu.dma_semaphore, #tpu.memory_space<semaphore_mem>>)
    %add3A_331 = arith.constant 2 : i32
    %add3A_332 = arith.addi %add3A_266, %add3A_331 : i32
    %dma_start3A_333 = arith.constant 128 : i32
    %dma_start3A_334 = arith.constant 0 : i32
    %dma_start3A_335 = tpu.memref_slice %arg13[%dma_start3A_333, %dma_start3A_334] : memref<512x64xf32, #tpu.memory_space<vmem>> -> memref<64x64xf32, #tpu.memory_space<vmem>>
    %dma_start3A_336 = arith.constant 0 : i32
    %dma_start3A_337 = arith.constant 0 : i32
    %dma_start3A_338 = tpu.memref_slice %arg2[%add3A_332, %dma_start3A_336, %dma_start3A_337] : memref<4096x64x64xf32, #tpu.memory_space<hbm>> -> memref<1x64x64xf32, #tpu.memory_space<hbm>>
    %dma_start3A_339 = tpu.memref_squeeze %dma_start3A_338 : memref<1x64x64xf32, #tpu.memory_space<hbm>> -> memref<64x64xf32, #tpu.memory_space<hbm>>
    %dma_start3A_340 = arith.constant 128 : i32
    %dma_start3A_341 = arith.constant 0 : i32
    %dma_start3A_342 = tpu.memref_slice %arg13[%dma_start3A_340, %dma_start3A_341] : memref<512x64xf32, #tpu.memory_space<vmem>> -> memref<64x64xf32, #tpu.memory_space<vmem>>
    %dma_start3A_343 = arith.constant 0 : i32
    %dma_start3A_344 = arith.constant 0 : i32
    %dma_start3A_345 = tpu.memref_slice %arg2[%add3A_332, %dma_start3A_343, %dma_start3A_344] : memref<4096x64x64xf32, #tpu.memory_space<hbm>> -> memref<1x64x64xf32, #tpu.memory_space<hbm>>
    %dma_start3A_346 = tpu.memref_squeeze %dma_start3A_345 : memref<1x64x64xf32, #tpu.memory_space<hbm>> -> memref<64x64xf32, #tpu.memory_space<hbm>>
    tpu.enqueue_dma source(%dma_start3A_346 : memref<64x64xf32, #tpu.memory_space<hbm>>) target(%dma_start3A_342 : memref<64x64xf32, #tpu.memory_space<vmem>>) target_semaphore(%arg19 : memref<!tpu.dma_semaphore, #tpu.memory_space<semaphore_mem>>)
    %add3A_347 = arith.constant 2 : i32
    %add3A_348 = arith.addi %add3A_266, %add3A_347 : i32
    %dma_start3A_349 = arith.constant 16 : i32
    %dma_start3A_350 = arith.constant 0 : i32
    %dma_start3A_351 = tpu.memref_slice %arg15[%dma_start3A_349, %dma_start3A_350] : memref<64x24xf32, #tpu.memory_space<vmem>> -> memref<8x24xf32, #tpu.memory_space<vmem>>
    %dma_start3A_352 = arith.constant 0 : i32
    %dma_start3A_353 = arith.constant 0 : i32
    %dma_start3A_354 = tpu.memref_slice %arg3[%add3A_348, %dma_start3A_352, %dma_start3A_353] : memref<4096x8x24xf32, #tpu.memory_space<hbm>> -> memref<1x8x24xf32, #tpu.memory_space<hbm>>
    %dma_start3A_355 = tpu.memref_squeeze %dma_start3A_354 : memref<1x8x24xf32, #tpu.memory_space<hbm>> -> memref<8x24xf32, #tpu.memory_space<hbm>>
    %dma_start3A_356 = arith.constant 16 : i32
    %dma_start3A_357 = arith.constant 0 : i32
    %dma_start3A_358 = tpu.memref_slice %arg15[%dma_start3A_356, %dma_start3A_357] : memref<64x24xf32, #tpu.memory_space<vmem>> -> memref<8x24xf32, #tpu.memory_space<vmem>>
    %dma_start3A_359 = arith.constant 0 : i32
    %dma_start3A_360 = arith.constant 0 : i32
    %dma_start3A_361 = tpu.memref_slice %arg3[%add3A_348, %dma_start3A_359, %dma_start3A_360] : memref<4096x8x24xf32, #tpu.memory_space<hbm>> -> memref<1x8x24xf32, #tpu.memory_space<hbm>>
    %dma_start3A_362 = tpu.memref_squeeze %dma_start3A_361 : memref<1x8x24xf32, #tpu.memory_space<hbm>> -> memref<8x24xf32, #tpu.memory_space<hbm>>
    tpu.enqueue_dma source(%dma_start3A_362 : memref<8x24xf32, #tpu.memory_space<hbm>>) target(%dma_start3A_358 : memref<8x24xf32, #tpu.memory_space<vmem>>) target_semaphore(%arg19 : memref<!tpu.dma_semaphore, #tpu.memory_space<semaphore_mem>>)
    %add3A_363 = arith.constant 3 : i32
    %add3A_364 = arith.addi %add3A_266, %add3A_363 : i32
    %dma_start3A_365 = arith.constant 192 : i32
    %dma_start3A_366 = arith.constant 0 : i32
    %dma_start3A_367 = tpu.memref_slice %arg13[%dma_start3A_365, %dma_start3A_366] : memref<512x64xf32, #tpu.memory_space<vmem>> -> memref<64x64xf32, #tpu.memory_space<vmem>>
    %dma_start3A_368 = arith.constant 0 : i32
    %dma_start3A_369 = arith.constant 0 : i32
    %dma_start3A_370 = tpu.memref_slice %arg2[%add3A_364, %dma_start3A_368, %dma_start3A_369] : memref<4096x64x64xf32, #tpu.memory_space<hbm>> -> memref<1x64x64xf32, #tpu.memory_space<hbm>>
    %dma_start3A_371 = tpu.memref_squeeze %dma_start3A_370 : memref<1x64x64xf32, #tpu.memory_space<hbm>> -> memref<64x64xf32, #tpu.memory_space<hbm>>
    %dma_start3A_372 = arith.constant 192 : i32
    %dma_start3A_373 = arith.constant 0 : i32
    %dma_start3A_374 = tpu.memref_slice %arg13[%dma_start3A_372, %dma_start3A_373] : memref<512x64xf32, #tpu.memory_space<vmem>> -> memref<64x64xf32, #tpu.memory_space<vmem>>
    %dma_start3A_375 = arith.constant 0 : i32
    %dma_start3A_376 = arith.constant 0 : i32
    %dma_start3A_377 = tpu.memref_slice %arg2[%add3A_364, %dma_start3A_375, %dma_start3A_376] : memref<4096x64x64xf32, #tpu.memory_space<hbm>> -> memref<1x64x64xf32, #tpu.memory_space<hbm>>
    %dma_start3A_378 = tpu.memref_squeeze %dma_start3A_377 : memref<1x64x64xf32, #tpu.memory_space<hbm>> -> memref<64x64xf32, #tpu.memory_space<hbm>>
    tpu.enqueue_dma source(%dma_start3A_378 : memref<64x64xf32, #tpu.memory_space<hbm>>) target(%dma_start3A_374 : memref<64x64xf32, #tpu.memory_space<vmem>>) target_semaphore(%arg19 : memref<!tpu.dma_semaphore, #tpu.memory_space<semaphore_mem>>)
    %add3A_379 = arith.constant 3 : i32
    %add3A_380 = arith.addi %add3A_266, %add3A_379 : i32
    %dma_start3A_381 = arith.constant 24 : i32
    %dma_start3A_382 = arith.constant 0 : i32
    %dma_start3A_383 = tpu.memref_slice %arg15[%dma_start3A_381, %dma_start3A_382] : memref<64x24xf32, #tpu.memory_space<vmem>> -> memref<8x24xf32, #tpu.memory_space<vmem>>
    %dma_start3A_384 = arith.constant 0 : i32
    %dma_start3A_385 = arith.constant 0 : i32
    %dma_start3A_386 = tpu.memref_slice %arg3[%add3A_380, %dma_start3A_384, %dma_start3A_385] : memref<4096x8x24xf32, #tpu.memory_space<hbm>> -> memref<1x8x24xf32, #tpu.memory_space<hbm>>
    %dma_start3A_387 = tpu.memref_squeeze %dma_start3A_386 : memref<1x8x24xf32, #tpu.memory_space<hbm>> -> memref<8x24xf32, #tpu.memory_space<hbm>>
    %dma_start3A_388 = arith.constant 24 : i32
    %dma_start3A_389 = arith.constant 0 : i32
    %dma_start3A_390 = tpu.memref_slice %arg15[%dma_start3A_388, %dma_start3A_389] : memref<64x24xf32, #tpu.memory_space<vmem>> -> memref<8x24xf32, #tpu.memory_space<vmem>>
    %dma_start3A_391 = arith.constant 0 : i32
    %dma_start3A_392 = arith.constant 0 : i32
    %dma_start3A_393 = tpu.memref_slice %arg3[%add3A_380, %dma_start3A_391, %dma_start3A_392] : memref<4096x8x24xf32, #tpu.memory_space<hbm>> -> memref<1x8x24xf32, #tpu.memory_space<hbm>>
    %dma_start3A_394 = tpu.memref_squeeze %dma_start3A_393 : memref<1x8x24xf32, #tpu.memory_space<hbm>> -> memref<8x24xf32, #tpu.memory_space<hbm>>
    tpu.enqueue_dma source(%dma_start3A_394 : memref<8x24xf32, #tpu.memory_space<hbm>>) target(%dma_start3A_390 : memref<8x24xf32, #tpu.memory_space<vmem>>) target_semaphore(%arg19 : memref<!tpu.dma_semaphore, #tpu.memory_space<semaphore_mem>>)
    %add3A_395 = arith.constant 4 : i32
    %add3A_396 = arith.addi %add3A_266, %add3A_395 : i32
    %dma_start3A_397 = arith.constant 256 : i32
    %dma_start3A_398 = arith.constant 0 : i32
    %dma_start3A_399 = tpu.memref_slice %arg13[%dma_start3A_397, %dma_start3A_398] : memref<512x64xf32, #tpu.memory_space<vmem>> -> memref<64x64xf32, #tpu.memory_space<vmem>>
    %dma_start3A_400 = arith.constant 0 : i32
    %dma_start3A_401 = arith.constant 0 : i32
    %dma_start3A_402 = tpu.memref_slice %arg2[%add3A_396, %dma_start3A_400, %dma_start3A_401] : memref<4096x64x64xf32, #tpu.memory_space<hbm>> -> memref<1x64x64xf32, #tpu.memory_space<hbm>>
    %dma_start3A_403 = tpu.memref_squeeze %dma_start3A_402 : memref<1x64x64xf32, #tpu.memory_space<hbm>> -> memref<64x64xf32, #tpu.memory_space<hbm>>
    %dma_start3A_404 = arith.constant 256 : i32
    %dma_start3A_405 = arith.constant 0 : i32
    %dma_start3A_406 = tpu.memref_slice %arg13[%dma_start3A_404, %dma_start3A_405] : memref<512x64xf32, #tpu.memory_space<vmem>> -> memref<64x64xf32, #tpu.memory_space<vmem>>
    %dma_start3A_407 = arith.constant 0 : i32
    %dma_start3A_408 = arith.constant 0 : i32
    %dma_start3A_409 = tpu.memref_slice %arg2[%add3A_396, %dma_start3A_407, %dma_start3A_408] : memref<4096x64x64xf32, #tpu.memory_space<hbm>> -> memref<1x64x64xf32, #tpu.memory_space<hbm>>
    %dma_start3A_410 = tpu.memref_squeeze %dma_start3A_409 : memref<1x64x64xf32, #tpu.memory_space<hbm>> -> memref<64x64xf32, #tpu.memory_space<hbm>>
    tpu.enqueue_dma source(%dma_start3A_410 : memref<64x64xf32, #tpu.memory_space<hbm>>) target(%dma_start3A_406 : memref<64x64xf32, #tpu.memory_space<vmem>>) target_semaphore(%arg19 : memref<!tpu.dma_semaphore, #tpu.memory_space<semaphore_mem>>)
    %add3A_411 = arith.constant 4 : i32
    %add3A_412 = arith.addi %add3A_266, %add3A_411 : i32
    %dma_start3A_413 = arith.constant 32 : i32
    %dma_start3A_414 = arith.constant 0 : i32
    %dma_start3A_415 = tpu.memref_slice %arg15[%dma_start3A_413, %dma_start3A_414] : memref<64x24xf32, #tpu.memory_space<vmem>> -> memref<8x24xf32, #tpu.memory_space<vmem>>
    %dma_start3A_416 = arith.constant 0 : i32
    %dma_start3A_417 = arith.constant 0 : i32
    %dma_start3A_418 = tpu.memref_slice %arg3[%add3A_412, %dma_start3A_416, %dma_start3A_417] : memref<4096x8x24xf32, #tpu.memory_space<hbm>> -> memref<1x8x24xf32, #tpu.memory_space<hbm>>
    %dma_start3A_419 = tpu.memref_squeeze %dma_start3A_418 : memref<1x8x24xf32, #tpu.memory_space<hbm>> -> memref<8x24xf32, #tpu.memory_space<hbm>>
    %dma_start3A_420 = arith.constant 32 : i32
    %dma_start3A_421 = arith.constant 0 : i32
    %dma_start3A_422 = tpu.memref_slice %arg15[%dma_start3A_420, %dma_start3A_421] : memref<64x24xf32, #tpu.memory_space<vmem>> -> memref<8x24xf32, #tpu.memory_space<vmem>>
    %dma_start3A_423 = arith.constant 0 : i32
    %dma_start3A_424 = arith.constant 0 : i32
    %dma_start3A_425 = tpu.memref_slice %arg3[%add3A_412, %dma_start3A_423, %dma_start3A_424] : memref<4096x8x24xf32, #tpu.memory_space<hbm>> -> memref<1x8x24xf32, #tpu.memory_space<hbm>>
    %dma_start3A_426 = tpu.memref_squeeze %dma_start3A_425 : memref<1x8x24xf32, #tpu.memory_space<hbm>> -> memref<8x24xf32, #tpu.memory_space<hbm>>
    tpu.enqueue_dma source(%dma_start3A_426 : memref<8x24xf32, #tpu.memory_space<hbm>>) target(%dma_start3A_422 : memref<8x24xf32, #tpu.memory_space<vmem>>) target_semaphore(%arg19 : memref<!tpu.dma_semaphore, #tpu.memory_space<semaphore_mem>>)
    %add3A_427 = arith.constant 5 : i32
    %add3A_428 = arith.addi %add3A_266, %add3A_427 : i32
    %dma_start3A_429 = arith.constant 320 : i32
    %dma_start3A_430 = arith.constant 0 : i32
    %dma_start3A_431 = tpu.memref_slice %arg13[%dma_start3A_429, %dma_start3A_430] : memref<512x64xf32, #tpu.memory_space<vmem>> -> memref<64x64xf32, #tpu.memory_space<vmem>>
    %dma_start3A_432 = arith.constant 0 : i32
    %dma_start3A_433 = arith.constant 0 : i32
    %dma_start3A_434 = tpu.memref_slice %arg2[%add3A_428, %dma_start3A_432, %dma_start3A_433] : memref<4096x64x64xf32, #tpu.memory_space<hbm>> -> memref<1x64x64xf32, #tpu.memory_space<hbm>>
    %dma_start3A_435 = tpu.memref_squeeze %dma_start3A_434 : memref<1x64x64xf32, #tpu.memory_space<hbm>> -> memref<64x64xf32, #tpu.memory_space<hbm>>
    %dma_start3A_436 = arith.constant 320 : i32
    %dma_start3A_437 = arith.constant 0 : i32
    %dma_start3A_438 = tpu.memref_slice %arg13[%dma_start3A_436, %dma_start3A_437] : memref<512x64xf32, #tpu.memory_space<vmem>> -> memref<64x64xf32, #tpu.memory_space<vmem>>
    %dma_start3A_439 = arith.constant 0 : i32
    %dma_start3A_440 = arith.constant 0 : i32
    %dma_start3A_441 = tpu.memref_slice %arg2[%add3A_428, %dma_start3A_439, %dma_start3A_440] : memref<4096x64x64xf32, #tpu.memory_space<hbm>> -> memref<1x64x64xf32, #tpu.memory_space<hbm>>
    %dma_start3A_442 = tpu.memref_squeeze %dma_start3A_441 : memref<1x64x64xf32, #tpu.memory_space<hbm>> -> memref<64x64xf32, #tpu.memory_space<hbm>>
    tpu.enqueue_dma source(%dma_start3A_442 : memref<64x64xf32, #tpu.memory_space<hbm>>) target(%dma_start3A_438 : memref<64x64xf32, #tpu.memory_space<vmem>>) target_semaphore(%arg19 : memref<!tpu.dma_semaphore, #tpu.memory_space<semaphore_mem>>)
    %add3A_443 = arith.constant 5 : i32
    %add3A_444 = arith.addi %add3A_266, %add3A_443 : i32
    %dma_start3A_445 = arith.constant 40 : i32
    %dma_start3A_446 = arith.constant 0 : i32
    %dma_start3A_447 = tpu.memref_slice %arg15[%dma_start3A_445, %dma_start3A_446] : memref<64x24xf32, #tpu.memory_space<vmem>> -> memref<8x24xf32, #tpu.memory_space<vmem>>
    %dma_start3A_448 = arith.constant 0 : i32
    %dma_start3A_449 = arith.constant 0 : i32
    %dma_start3A_450 = tpu.memref_slice %arg3[%add3A_444, %dma_start3A_448, %dma_start3A_449] : memref<4096x8x24xf32, #tpu.memory_space<hbm>> -> memref<1x8x24xf32, #tpu.memory_space<hbm>>
    %dma_start3A_451 = tpu.memref_squeeze %dma_start3A_450 : memref<1x8x24xf32, #tpu.memory_space<hbm>> -> memref<8x24xf32, #tpu.memory_space<hbm>>
    %dma_start3A_452 = arith.constant 40 : i32
    %dma_start3A_453 = arith.constant 0 : i32
    %dma_start3A_454 = tpu.memref_slice %arg15[%dma_start3A_452, %dma_start3A_453] : memref<64x24xf32, #tpu.memory_space<vmem>> -> memref<8x24xf32, #tpu.memory_space<vmem>>
    %dma_start3A_455 = arith.constant 0 : i32
    %dma_start3A_456 = arith.constant 0 : i32
    %dma_start3A_457 = tpu.memref_slice %arg3[%add3A_444, %dma_start3A_455, %dma_start3A_456] : memref<4096x8x24xf32, #tpu.memory_space<hbm>> -> memref<1x8x24xf32, #tpu.memory_space<hbm>>
    %dma_start3A_458 = tpu.memref_squeeze %dma_start3A_457 : memref<1x8x24xf32, #tpu.memory_space<hbm>> -> memref<8x24xf32, #tpu.memory_space<hbm>>
    tpu.enqueue_dma source(%dma_start3A_458 : memref<8x24xf32, #tpu.memory_space<hbm>>) target(%dma_start3A_454 : memref<8x24xf32, #tpu.memory_space<vmem>>) target_semaphore(%arg19 : memref<!tpu.dma_semaphore, #tpu.memory_space<semaphore_mem>>)
    %add3A_459 = arith.constant 6 : i32
    %add3A_460 = arith.addi %add3A_266, %add3A_459 : i32
    %dma_start3A_461 = arith.constant 384 : i32
    %dma_start3A_462 = arith.constant 0 : i32
    %dma_start3A_463 = tpu.memref_slice %arg13[%dma_start3A_461, %dma_start3A_462] : memref<512x64xf32, #tpu.memory_space<vmem>> -> memref<64x64xf32, #tpu.memory_space<vmem>>
    %dma_start3A_464 = arith.constant 0 : i32
    %dma_start3A_465 = arith.constant 0 : i32
    %dma_start3A_466 = tpu.memref_slice %arg2[%add3A_460, %dma_start3A_464, %dma_start3A_465] : memref<4096x64x64xf32, #tpu.memory_space<hbm>> -> memref<1x64x64xf32, #tpu.memory_space<hbm>>
    %dma_start3A_467 = tpu.memref_squeeze %dma_start3A_466 : memref<1x64x64xf32, #tpu.memory_space<hbm>> -> memref<64x64xf32, #tpu.memory_space<hbm>>
    %dma_start3A_468 = arith.constant 384 : i32
    %dma_start3A_469 = arith.constant 0 : i32
    %dma_start3A_470 = tpu.memref_slice %arg13[%dma_start3A_468, %dma_start3A_469] : memref<512x64xf32, #tpu.memory_space<vmem>> -> memref<64x64xf32, #tpu.memory_space<vmem>>
    %dma_start3A_471 = arith.constant 0 : i32
    %dma_start3A_472 = arith.constant 0 : i32
    %dma_start3A_473 = tpu.memref_slice %arg2[%add3A_460, %dma_start3A_471, %dma_start3A_472] : memref<4096x64x64xf32, #tpu.memory_space<hbm>> -> memref<1x64x64xf32, #tpu.memory_space<hbm>>
    %dma_start3A_474 = tpu.memref_squeeze %dma_start3A_473 : memref<1x64x64xf32, #tpu.memory_space<hbm>> -> memref<64x64xf32, #tpu.memory_space<hbm>>
    tpu.enqueue_dma source(%dma_start3A_474 : memref<64x64xf32, #tpu.memory_space<hbm>>) target(%dma_start3A_470 : memref<64x64xf32, #tpu.memory_space<vmem>>) target_semaphore(%arg19 : memref<!tpu.dma_semaphore, #tpu.memory_space<semaphore_mem>>)
    %add3A_475 = arith.constant 6 : i32
    %add3A_476 = arith.addi %add3A_266, %add3A_475 : i32
    %dma_start3A_477 = arith.constant 48 : i32
    %dma_start3A_478 = arith.constant 0 : i32
    %dma_start3A_479 = tpu.memref_slice %arg15[%dma_start3A_477, %dma_start3A_478] : memref<64x24xf32, #tpu.memory_space<vmem>> -> memref<8x24xf32, #tpu.memory_space<vmem>>
    %dma_start3A_480 = arith.constant 0 : i32
    %dma_start3A_481 = arith.constant 0 : i32
    %dma_start3A_482 = tpu.memref_slice %arg3[%add3A_476, %dma_start3A_480, %dma_start3A_481] : memref<4096x8x24xf32, #tpu.memory_space<hbm>> -> memref<1x8x24xf32, #tpu.memory_space<hbm>>
    %dma_start3A_483 = tpu.memref_squeeze %dma_start3A_482 : memref<1x8x24xf32, #tpu.memory_space<hbm>> -> memref<8x24xf32, #tpu.memory_space<hbm>>
    %dma_start3A_484 = arith.constant 48 : i32
    %dma_start3A_485 = arith.constant 0 : i32
    %dma_start3A_486 = tpu.memref_slice %arg15[%dma_start3A_484, %dma_start3A_485] : memref<64x24xf32, #tpu.memory_space<vmem>> -> memref<8x24xf32, #tpu.memory_space<vmem>>
    %dma_start3A_487 = arith.constant 0 : i32
    %dma_start3A_488 = arith.constant 0 : i32
    %dma_start3A_489 = tpu.memref_slice %arg3[%add3A_476, %dma_start3A_487, %dma_start3A_488] : memref<4096x8x24xf32, #tpu.memory_space<hbm>> -> memref<1x8x24xf32, #tpu.memory_space<hbm>>
    %dma_start3A_490 = tpu.memref_squeeze %dma_start3A_489 : memref<1x8x24xf32, #tpu.memory_space<hbm>> -> memref<8x24xf32, #tpu.memory_space<hbm>>
    tpu.enqueue_dma source(%dma_start3A_490 : memref<8x24xf32, #tpu.memory_space<hbm>>) target(%dma_start3A_486 : memref<8x24xf32, #tpu.memory_space<vmem>>) target_semaphore(%arg19 : memref<!tpu.dma_semaphore, #tpu.memory_space<semaphore_mem>>)
    %add3A_491 = arith.constant 7 : i32
    %add3A_492 = arith.addi %add3A_266, %add3A_491 : i32
    %dma_start3A_493 = arith.constant 448 : i32
    %dma_start3A_494 = arith.constant 0 : i32
    %dma_start3A_495 = tpu.memref_slice %arg13[%dma_start3A_493, %dma_start3A_494] : memref<512x64xf32, #tpu.memory_space<vmem>> -> memref<64x64xf32, #tpu.memory_space<vmem>>
    %dma_start3A_496 = arith.constant 0 : i32
    %dma_start3A_497 = arith.constant 0 : i32
    %dma_start3A_498 = tpu.memref_slice %arg2[%add3A_492, %dma_start3A_496, %dma_start3A_497] : memref<4096x64x64xf32, #tpu.memory_space<hbm>> -> memref<1x64x64xf32, #tpu.memory_space<hbm>>
    %dma_start3A_499 = tpu.memref_squeeze %dma_start3A_498 : memref<1x64x64xf32, #tpu.memory_space<hbm>> -> memref<64x64xf32, #tpu.memory_space<hbm>>
    %dma_start3A_500 = arith.constant 448 : i32
    %dma_start3A_501 = arith.constant 0 : i32
    %dma_start3A_502 = tpu.memref_slice %arg13[%dma_start3A_500, %dma_start3A_501] : memref<512x64xf32, #tpu.memory_space<vmem>> -> memref<64x64xf32, #tpu.memory_space<vmem>>
    %dma_start3A_503 = arith.constant 0 : i32
    %dma_start3A_504 = arith.constant 0 : i32
    %dma_start3A_505 = tpu.memref_slice %arg2[%add3A_492, %dma_start3A_503, %dma_start3A_504] : memref<4096x64x64xf32, #tpu.memory_space<hbm>> -> memref<1x64x64xf32, #tpu.memory_space<hbm>>
    %dma_start3A_506 = tpu.memref_squeeze %dma_start3A_505 : memref<1x64x64xf32, #tpu.memory_space<hbm>> -> memref<64x64xf32, #tpu.memory_space<hbm>>
    tpu.enqueue_dma source(%dma_start3A_506 : memref<64x64xf32, #tpu.memory_space<hbm>>) target(%dma_start3A_502 : memref<64x64xf32, #tpu.memory_space<vmem>>) target_semaphore(%arg19 : memref<!tpu.dma_semaphore, #tpu.memory_space<semaphore_mem>>)
    %add3A_507 = arith.constant 7 : i32
    %add3A_508 = arith.addi %add3A_266, %add3A_507 : i32
    %dma_start3A_509 = arith.constant 56 : i32
    %dma_start3A_510 = arith.constant 0 : i32
    %dma_start3A_511 = tpu.memref_slice %arg15[%dma_start3A_509, %dma_start3A_510] : memref<64x24xf32, #tpu.memory_space<vmem>> -> memref<8x24xf32, #tpu.memory_space<vmem>>
    %dma_start3A_512 = arith.constant 0 : i32
    %dma_start3A_513 = arith.constant 0 : i32
    %dma_start3A_514 = tpu.memref_slice %arg3[%add3A_508, %dma_start3A_512, %dma_start3A_513] : memref<4096x8x24xf32, #tpu.memory_space<hbm>> -> memref<1x8x24xf32, #tpu.memory_space<hbm>>
    %dma_start3A_515 = tpu.memref_squeeze %dma_start3A_514 : memref<1x8x24xf32, #tpu.memory_space<hbm>> -> memref<8x24xf32, #tpu.memory_space<hbm>>
    %dma_start3A_516 = arith.constant 56 : i32
    %dma_start3A_517 = arith.constant 0 : i32
    %dma_start3A_518 = tpu.memref_slice %arg15[%dma_start3A_516, %dma_start3A_517] : memref<64x24xf32, #tpu.memory_space<vmem>> -> memref<8x24xf32, #tpu.memory_space<vmem>>
    %dma_start3A_519 = arith.constant 0 : i32
    %dma_start3A_520 = arith.constant 0 : i32
    %dma_start3A_521 = tpu.memref_slice %arg3[%add3A_508, %dma_start3A_519, %dma_start3A_520] : memref<4096x8x24xf32, #tpu.memory_space<hbm>> -> memref<1x8x24xf32, #tpu.memory_space<hbm>>
    %dma_start3A_522 = tpu.memref_squeeze %dma_start3A_521 : memref<1x8x24xf32, #tpu.memory_space<hbm>> -> memref<8x24xf32, #tpu.memory_space<hbm>>
    tpu.enqueue_dma source(%dma_start3A_522 : memref<8x24xf32, #tpu.memory_space<hbm>>) target(%dma_start3A_518 : memref<8x24xf32, #tpu.memory_space<vmem>>) target_semaphore(%arg19 : memref<!tpu.dma_semaphore, #tpu.memory_space<semaphore_mem>>)
    %scan3A_523 = arith.constant 0 : i32
    %scan3A_524 = arith.constant 0 : i32
    %scan3A_525 = arith.constant 8 : i32
    %scan3A_526 = arith.addi %scan3A_524, %scan3A_525 : i32
    %scan3A_527 = arith.constant 1 : i32
    scf.for %scan3A_540 = %scan3A_524 to %scan3A_526 step %scan3A_527  : i32 {
      %mul3A_541 = arith.constant 2 : i32
      %mul3A_542 = arith.muli %mul3A_541, %scan3A_540 : i32
      %dma_wait3A_543 = arith.constant 0 : i32
      %dma_wait3A_544 = arith.constant 0 : i32
      %dma_wait3A_545 = arith.constant 0 : i32
      %dma_wait3A_546 = tpu.memref_slice %arg12[%dma_wait3A_544, %dma_wait3A_545] : memref<512x64xf32, #tpu.memory_space<vmem>> -> memref<64x64xf32, #tpu.memory_space<vmem>>
      %dma_wait3A_547 = arith.constant 0 : i32
      %dma_wait3A_548 = arith.constant 0 : i32
      %dma_wait3A_549 = tpu.memref_slice %arg2[%dma_wait3A_543, %dma_wait3A_547, %dma_wait3A_548] : memref<4096x64x64xf32, #tpu.memory_space<hbm>> -> memref<1x64x64xf32, #tpu.memory_space<hbm>>
      %dma_wait3A_550 = tpu.memref_squeeze %dma_wait3A_549 : memref<1x64x64xf32, #tpu.memory_space<hbm>> -> memref<64x64xf32, #tpu.memory_space<hbm>>
      %dma_wait3A_551 = arith.constant 0 : i32
      %dma_wait3A_552 = arith.constant 0 : i32
      %dma_wait3A_553 = tpu.memref_slice %arg12[%dma_wait3A_551, %dma_wait3A_552] : memref<512x64xf32, #tpu.memory_space<vmem>> -> memref<64x64xf32, #tpu.memory_space<vmem>>
      %dma_wait3A_554 = arith.constant 0 : i32
      %dma_wait3A_555 = arith.constant 0 : i32
      %dma_wait3A_556 = tpu.memref_slice %arg2[%dma_wait3A_543, %dma_wait3A_554, %dma_wait3A_555] : memref<4096x64x64xf32, #tpu.memory_space<hbm>> -> memref<1x64x64xf32, #tpu.memory_space<hbm>>
      %dma_wait3A_557 = tpu.memref_squeeze %dma_wait3A_556 : memref<1x64x64xf32, #tpu.memory_space<hbm>> -> memref<64x64xf32, #tpu.memory_space<hbm>>
      tpu.wait_dma2 semaphore(%arg18 : memref<!tpu.dma_semaphore, #tpu.memory_space<semaphore_mem>>) src(%dma_wait3A_557 : memref<64x64xf32, #tpu.memory_space<hbm>>) dst(%dma_wait3A_553 : memref<64x64xf32, #tpu.memory_space<vmem>>)
      %dma_wait3A_558 = arith.constant 0 : i32
      %dma_wait3A_559 = arith.constant 0 : i32
      %dma_wait3A_560 = arith.constant 0 : i32
      %dma_wait3A_561 = tpu.memref_slice %arg14[%dma_wait3A_559, %dma_wait3A_560] : memref<64x24xf32, #tpu.memory_space<vmem>> -> memref<8x24xf32, #tpu.memory_space<vmem>>
      %dma_wait3A_562 = arith.constant 0 : i32
      %dma_wait3A_563 = arith.constant 0 : i32
      %dma_wait3A_564 = tpu.memref_slice %arg3[%dma_wait3A_558, %dma_wait3A_562, %dma_wait3A_563] : memref<4096x8x24xf32, #tpu.memory_space<hbm>> -> memref<1x8x24xf32, #tpu.memory_space<hbm>>
      %dma_wait3A_565 = tpu.memref_squeeze %dma_wait3A_564 : memref<1x8x24xf32, #tpu.memory_space<hbm>> -> memref<8x24xf32, #tpu.memory_space<hbm>>
      %dma_wait3A_566 = arith.constant 0 : i32
      %dma_wait3A_567 = arith.constant 0 : i32
      %dma_wait3A_568 = tpu.memref_slice %arg14[%dma_wait3A_566, %dma_wait3A_567] : memref<64x24xf32, #tpu.memory_space<vmem>> -> memref<8x24xf32, #tpu.memory_space<vmem>>
      %dma_wait3A_569 = arith.constant 0 : i32
      %dma_wait3A_570 = arith.constant 0 : i32
      %dma_wait3A_571 = tpu.memref_slice %arg3[%dma_wait3A_558, %dma_wait3A_569, %dma_wait3A_570] : memref<4096x8x24xf32, #tpu.memory_space<hbm>> -> memref<1x8x24xf32, #tpu.memory_space<hbm>>
      %dma_wait3A_572 = tpu.memref_squeeze %dma_wait3A_571 : memref<1x8x24xf32, #tpu.memory_space<hbm>> -> memref<8x24xf32, #tpu.memory_space<hbm>>
      tpu.wait_dma2 semaphore(%arg18 : memref<!tpu.dma_semaphore, #tpu.memory_space<semaphore_mem>>) src(%dma_wait3A_572 : memref<8x24xf32, #tpu.memory_space<hbm>>) dst(%dma_wait3A_568 : memref<8x24xf32, #tpu.memory_space<vmem>>)
      %dma_wait3A_573 = arith.constant 0 : i32
      %dma_wait3A_574 = arith.constant 64 : i32
      %dma_wait3A_575 = arith.constant 0 : i32
      %dma_wait3A_576 = tpu.memref_slice %arg12[%dma_wait3A_574, %dma_wait3A_575] : memref<512x64xf32, #tpu.memory_space<vmem>> -> memref<64x64xf32, #tpu.memory_space<vmem>>
      %dma_wait3A_577 = arith.constant 0 : i32
      %dma_wait3A_578 = arith.constant 0 : i32
      %dma_wait3A_579 = tpu.memref_slice %arg2[%dma_wait3A_573, %dma_wait3A_577, %dma_wait3A_578] : memref<4096x64x64xf32, #tpu.memory_space<hbm>> -> memref<1x64x64xf32, #tpu.memory_space<hbm>>
      %dma_wait3A_580 = tpu.memref_squeeze %dma_wait3A_579 : memref<1x64x64xf32, #tpu.memory_space<hbm>> -> memref<64x64xf32, #tpu.memory_space<hbm>>
      %dma_wait3A_581 = arith.constant 64 : i32
      %dma_wait3A_582 = arith.constant 0 : i32
      %dma_wait3A_583 = tpu.memref_slice %arg12[%dma_wait3A_581, %dma_wait3A_582] : memref<512x64xf32, #tpu.memory_space<vmem>> -> memref<64x64xf32, #tpu.memory_space<vmem>>
      %dma_wait3A_584 = arith.constant 0 : i32
      %dma_wait3A_585 = arith.constant 0 : i32
      %dma_wait3A_586 = tpu.memref_slice %arg2[%dma_wait3A_573, %dma_wait3A_584, %dma_wait3A_585] : memref<4096x64x64xf32, #tpu.memory_space<hbm>> -> memref<1x64x64xf32, #tpu.memory_space<hbm>>
      %dma_wait3A_587 = tpu.memref_squeeze %dma_wait3A_586 : memref<1x64x64xf32, #tpu.memory_space<hbm>> -> memref<64x64xf32, #tpu.memory_space<hbm>>
      tpu.wait_dma2 semaphore(%arg18 : memref<!tpu.dma_semaphore, #tpu.memory_space<semaphore_mem>>) src(%dma_wait3A_587 : memref<64x64xf32, #tpu.memory_space<hbm>>) dst(%dma_wait3A_583 : memref<64x64xf32, #tpu.memory_space<vmem>>)
      %dma_wait3A_588 = arith.constant 0 : i32
      %dma_wait3A_589 = arith.constant 8 : i32
      %dma_wait3A_590 = arith.constant 0 : i32
      %dma_wait3A_591 = tpu.memref_slice %arg14[%dma_wait3A_589, %dma_wait3A_590] : memref<64x24xf32, #tpu.memory_space<vmem>> -> memref<8x24xf32, #tpu.memory_space<vmem>>
      %dma_wait3A_592 = arith.constant 0 : i32
      %dma_wait3A_593 = arith.constant 0 : i32
      %dma_wait3A_594 = tpu.memref_slice %arg3[%dma_wait3A_588, %dma_wait3A_592, %dma_wait3A_593] : memref<4096x8x24xf32, #tpu.memory_space<hbm>> -> memref<1x8x24xf32, #tpu.memory_space<hbm>>
      %dma_wait3A_595 = tpu.memref_squeeze %dma_wait3A_594 : memref<1x8x24xf32, #tpu.memory_space<hbm>> -> memref<8x24xf32, #tpu.memory_space<hbm>>
      %dma_wait3A_596 = arith.constant 8 : i32
      %dma_wait3A_597 = arith.constant 0 : i32
      %dma_wait3A_598 = tpu.memref_slice %arg14[%dma_wait3A_596, %dma_wait3A_597] : memref<64x24xf32, #tpu.memory_space<vmem>> -> memref<8x24xf32, #tpu.memory_space<vmem>>
      %dma_wait3A_599 = arith.constant 0 : i32
      %dma_wait3A_600 = arith.constant 0 : i32
      %dma_wait3A_601 = tpu.memref_slice %arg3[%dma_wait3A_588, %dma_wait3A_599, %dma_wait3A_600] : memref<4096x8x24xf32, #tpu.memory_space<hbm>> -> memref<1x8x24xf32, #tpu.memory_space<hbm>>
      %dma_wait3A_602 = tpu.memref_squeeze %dma_wait3A_601 : memref<1x8x24xf32, #tpu.memory_space<hbm>> -> memref<8x24xf32, #tpu.memory_space<hbm>>
      tpu.wait_dma2 semaphore(%arg18 : memref<!tpu.dma_semaphore, #tpu.memory_space<semaphore_mem>>) src(%dma_wait3A_602 : memref<8x24xf32, #tpu.memory_space<hbm>>) dst(%dma_wait3A_598 : memref<8x24xf32, #tpu.memory_space<vmem>>)
      %dma_wait3A_603 = arith.constant 0 : i32
      %dma_wait3A_604 = arith.constant 128 : i32
      %dma_wait3A_605 = arith.constant 0 : i32
      %dma_wait3A_606 = tpu.memref_slice %arg12[%dma_wait3A_604, %dma_wait3A_605] : memref<512x64xf32, #tpu.memory_space<vmem>> -> memref<64x64xf32, #tpu.memory_space<vmem>>
      %dma_wait3A_607 = arith.constant 0 : i32
      %dma_wait3A_608 = arith.constant 0 : i32
      %dma_wait3A_609 = tpu.memref_slice %arg2[%dma_wait3A_603, %dma_wait3A_607, %dma_wait3A_608] : memref<4096x64x64xf32, #tpu.memory_space<hbm>> -> memref<1x64x64xf32, #tpu.memory_space<hbm>>
      %dma_wait3A_610 = tpu.memref_squeeze %dma_wait3A_609 : memref<1x64x64xf32, #tpu.memory_space<hbm>> -> memref<64x64xf32, #tpu.memory_space<hbm>>
      %dma_wait3A_611 = arith.constant 128 : i32
      %dma_wait3A_612 = arith.constant 0 : i32
      %dma_wait3A_613 = tpu.memref_slice %arg12[%dma_wait3A_611, %dma_wait3A_612] : memref<512x64xf32, #tpu.memory_space<vmem>> -> memref<64x64xf32, #tpu.memory_space<vmem>>
      %dma_wait3A_614 = arith.constant 0 : i32
      %dma_wait3A_615 = arith.constant 0 : i32
      %dma_wait3A_616 = tpu.memref_slice %arg2[%dma_wait3A_603, %dma_wait3A_614, %dma_wait3A_615] : memref<4096x64x64xf32, #tpu.memory_space<hbm>> -> memref<1x64x64xf32, #tpu.memory_space<hbm>>
      %dma_wait3A_617 = tpu.memref_squeeze %dma_wait3A_616 : memref<1x64x64xf32, #tpu.memory_space<hbm>> -> memref<64x64xf32, #tpu.memory_space<hbm>>
      tpu.wait_dma2 semaphore(%arg18 : memref<!tpu.dma_semaphore, #tpu.memory_space<semaphore_mem>>) src(%dma_wait3A_617 : memref<64x64xf32, #tpu.memory_space<hbm>>) dst(%dma_wait3A_613 : memref<64x64xf32, #tpu.memory_space<vmem>>)
      %dma_wait3A_618 = arith.constant 0 : i32
      %dma_wait3A_619 = arith.constant 16 : i32
      %dma_wait3A_620 = arith.constant 0 : i32
      %dma_wait3A_621 = tpu.memref_slice %arg14[%dma_wait3A_619, %dma_wait3A_620] : memref<64x24xf32, #tpu.memory_space<vmem>> -> memref<8x24xf32, #tpu.memory_space<vmem>>
      %dma_wait3A_622 = arith.constant 0 : i32
      %dma_wait3A_623 = arith.constant 0 : i32
      %dma_wait3A_624 = tpu.memref_slice %arg3[%dma_wait3A_618, %dma_wait3A_622, %dma_wait3A_623] : memref<4096x8x24xf32, #tpu.memory_space<hbm>> -> memref<1x8x24xf32, #tpu.memory_space<hbm>>
      %dma_wait3A_625 = tpu.memref_squeeze %dma_wait3A_624 : memref<1x8x24xf32, #tpu.memory_space<hbm>> -> memref<8x24xf32, #tpu.memory_space<hbm>>
      %dma_wait3A_626 = arith.constant 16 : i32
      %dma_wait3A_627 = arith.constant 0 : i32
      %dma_wait3A_628 = tpu.memref_slice %arg14[%dma_wait3A_626, %dma_wait3A_627] : memref<64x24xf32, #tpu.memory_space<vmem>> -> memref<8x24xf32, #tpu.memory_space<vmem>>
      %dma_wait3A_629 = arith.constant 0 : i32
      %dma_wait3A_630 = arith.constant 0 : i32
      %dma_wait3A_631 = tpu.memref_slice %arg3[%dma_wait3A_618, %dma_wait3A_629, %dma_wait3A_630] : memref<4096x8x24xf32, #tpu.memory_space<hbm>> -> memref<1x8x24xf32, #tpu.memory_space<hbm>>
      %dma_wait3A_632 = tpu.memref_squeeze %dma_wait3A_631 : memref<1x8x24xf32, #tpu.memory_space<hbm>> -> memref<8x24xf32, #tpu.memory_space<hbm>>
      tpu.wait_dma2 semaphore(%arg18 : memref<!tpu.dma_semaphore, #tpu.memory_space<semaphore_mem>>) src(%dma_wait3A_632 : memref<8x24xf32, #tpu.memory_space<hbm>>) dst(%dma_wait3A_628 : memref<8x24xf32, #tpu.memory_space<vmem>>)
      %dma_wait3A_633 = arith.constant 0 : i32
      %dma_wait3A_634 = arith.constant 192 : i32
      %dma_wait3A_635 = arith.constant 0 : i32
      %dma_wait3A_636 = tpu.memref_slice %arg12[%dma_wait3A_634, %dma_wait3A_635] : memref<512x64xf32, #tpu.memory_space<vmem>> -> memref<64x64xf32, #tpu.memory_space<vmem>>
      %dma_wait3A_637 = arith.constant 0 : i32
      %dma_wait3A_638 = arith.constant 0 : i32
      %dma_wait3A_639 = tpu.memref_slice %arg2[%dma_wait3A_633, %dma_wait3A_637, %dma_wait3A_638] : memref<4096x64x64xf32, #tpu.memory_space<hbm>> -> memref<1x64x64xf32, #tpu.memory_space<hbm>>
      %dma_wait3A_640 = tpu.memref_squeeze %dma_wait3A_639 : memref<1x64x64xf32, #tpu.memory_space<hbm>> -> memref<64x64xf32, #tpu.memory_space<hbm>>
      %dma_wait3A_641 = arith.constant 192 : i32
      %dma_wait3A_642 = arith.constant 0 : i32
      %dma_wait3A_643 = tpu.memref_slice %arg12[%dma_wait3A_641, %dma_wait3A_642] : memref<512x64xf32, #tpu.memory_space<vmem>> -> memref<64x64xf32, #tpu.memory_space<vmem>>
      %dma_wait3A_644 = arith.constant 0 : i32
      %dma_wait3A_645 = arith.constant 0 : i32
      %dma_wait3A_646 = tpu.memref_slice %arg2[%dma_wait3A_633, %dma_wait3A_644, %dma_wait3A_645] : memref<4096x64x64xf32, #tpu.memory_space<hbm>> -> memref<1x64x64xf32, #tpu.memory_space<hbm>>
      %dma_wait3A_647 = tpu.memref_squeeze %dma_wait3A_646 : memref<1x64x64xf32, #tpu.memory_space<hbm>> -> memref<64x64xf32, #tpu.memory_space<hbm>>
      tpu.wait_dma2 semaphore(%arg18 : memref<!tpu.dma_semaphore, #tpu.memory_space<semaphore_mem>>) src(%dma_wait3A_647 : memref<64x64xf32, #tpu.memory_space<hbm>>) dst(%dma_wait3A_643 : memref<64x64xf32, #tpu.memory_space<vmem>>)
      %dma_wait3A_648 = arith.constant 0 : i32
      %dma_wait3A_649 = arith.constant 24 : i32
      %dma_wait3A_650 = arith.constant 0 : i32
      %dma_wait3A_651 = tpu.memref_slice %arg14[%dma_wait3A_649, %dma_wait3A_650] : memref<64x24xf32, #tpu.memory_space<vmem>> -> memref<8x24xf32, #tpu.memory_space<vmem>>
      %dma_wait3A_652 = arith.constant 0 : i32
      %dma_wait3A_653 = arith.constant 0 : i32
      %dma_wait3A_654 = tpu.memref_slice %arg3[%dma_wait3A_648, %dma_wait3A_652, %dma_wait3A_653] : memref<4096x8x24xf32, #tpu.memory_space<hbm>> -> memref<1x8x24xf32, #tpu.memory_space<hbm>>
      %dma_wait3A_655 = tpu.memref_squeeze %dma_wait3A_654 : memref<1x8x24xf32, #tpu.memory_space<hbm>> -> memref<8x24xf32, #tpu.memory_space<hbm>>
      %dma_wait3A_656 = arith.constant 24 : i32
      %dma_wait3A_657 = arith.constant 0 : i32
      %dma_wait3A_658 = tpu.memref_slice %arg14[%dma_wait3A_656, %dma_wait3A_657] : memref<64x24xf32, #tpu.memory_space<vmem>> -> memref<8x24xf32, #tpu.memory_space<vmem>>
      %dma_wait3A_659 = arith.constant 0 : i32
      %dma_wait3A_660 = arith.constant 0 : i32
      %dma_wait3A_661 = tpu.memref_slice %arg3[%dma_wait3A_648, %dma_wait3A_659, %dma_wait3A_660] : memref<4096x8x24xf32, #tpu.memory_space<hbm>> -> memref<1x8x24xf32, #tpu.memory_space<hbm>>
      %dma_wait3A_662 = tpu.memref_squeeze %dma_wait3A_661 : memref<1x8x24xf32, #tpu.memory_space<hbm>> -> memref<8x24xf32, #tpu.memory_space<hbm>>
      tpu.wait_dma2 semaphore(%arg18 : memref<!tpu.dma_semaphore, #tpu.memory_space<semaphore_mem>>) src(%dma_wait3A_662 : memref<8x24xf32, #tpu.memory_space<hbm>>) dst(%dma_wait3A_658 : memref<8x24xf32, #tpu.memory_space<vmem>>)
      %dma_wait3A_663 = arith.constant 0 : i32
      %dma_wait3A_664 = arith.constant 256 : i32
      %dma_wait3A_665 = arith.constant 0 : i32
      %dma_wait3A_666 = tpu.memref_slice %arg12[%dma_wait3A_664, %dma_wait3A_665] : memref<512x64xf32, #tpu.memory_space<vmem>> -> memref<64x64xf32, #tpu.memory_space<vmem>>
      %dma_wait3A_667 = arith.constant 0 : i32
      %dma_wait3A_668 = arith.constant 0 : i32
      %dma_wait3A_669 = tpu.memref_slice %arg2[%dma_wait3A_663, %dma_wait3A_667, %dma_wait3A_668] : memref<4096x64x64xf32, #tpu.memory_space<hbm>> -> memref<1x64x64xf32, #tpu.memory_space<hbm>>
      %dma_wait3A_670 = tpu.memref_squeeze %dma_wait3A_669 : memref<1x64x64xf32, #tpu.memory_space<hbm>> -> memref<64x64xf32, #tpu.memory_space<hbm>>
      %dma_wait3A_671 = arith.constant 256 : i32
      %dma_wait3A_672 = arith.constant 0 : i32
      %dma_wait3A_673 = tpu.memref_slice %arg12[%dma_wait3A_671, %dma_wait3A_672] : memref<512x64xf32, #tpu.memory_space<vmem>> -> memref<64x64xf32, #tpu.memory_space<vmem>>
      %dma_wait3A_674 = arith.constant 0 : i32
      %dma_wait3A_675 = arith.constant 0 : i32
      %dma_wait3A_676 = tpu.memref_slice %arg2[%dma_wait3A_663, %dma_wait3A_674, %dma_wait3A_675] : memref<4096x64x64xf32, #tpu.memory_space<hbm>> -> memref<1x64x64xf32, #tpu.memory_space<hbm>>
      %dma_wait3A_677 = tpu.memref_squeeze %dma_wait3A_676 : memref<1x64x64xf32, #tpu.memory_space<hbm>> -> memref<64x64xf32, #tpu.memory_space<hbm>>
      tpu.wait_dma2 semaphore(%arg18 : memref<!tpu.dma_semaphore, #tpu.memory_space<semaphore_mem>>) src(%dma_wait3A_677 : memref<64x64xf32, #tpu.memory_space<hbm>>) dst(%dma_wait3A_673 : memref<64x64xf32, #tpu.memory_space<vmem>>)
      %dma_wait3A_678 = arith.constant 0 : i32
      %dma_wait3A_679 = arith.constant 32 : i32
      %dma_wait3A_680 = arith.constant 0 : i32
      %dma_wait3A_681 = tpu.memref_slice %arg14[%dma_wait3A_679, %dma_wait3A_680] : memref<64x24xf32, #tpu.memory_space<vmem>> -> memref<8x24xf32, #tpu.memory_space<vmem>>
      %dma_wait3A_682 = arith.constant 0 : i32
      %dma_wait3A_683 = arith.constant 0 : i32
      %dma_wait3A_684 = tpu.memref_slice %arg3[%dma_wait3A_678, %dma_wait3A_682, %dma_wait3A_683] : memref<4096x8x24xf32, #tpu.memory_space<hbm>> -> memref<1x8x24xf32, #tpu.memory_space<hbm>>
      %dma_wait3A_685 = tpu.memref_squeeze %dma_wait3A_684 : memref<1x8x24xf32, #tpu.memory_space<hbm>> -> memref<8x24xf32, #tpu.memory_space<hbm>>
      %dma_wait3A_686 = arith.constant 32 : i32
      %dma_wait3A_687 = arith.constant 0 : i32
      %dma_wait3A_688 = tpu.memref_slice %arg14[%dma_wait3A_686, %dma_wait3A_687] : memref<64x24xf32, #tpu.memory_space<vmem>> -> memref<8x24xf32, #tpu.memory_space<vmem>>
      %dma_wait3A_689 = arith.constant 0 : i32
      %dma_wait3A_690 = arith.constant 0 : i32
      %dma_wait3A_691 = tpu.memref_slice %arg3[%dma_wait3A_678, %dma_wait3A_689, %dma_wait3A_690] : memref<4096x8x24xf32, #tpu.memory_space<hbm>> -> memref<1x8x24xf32, #tpu.memory_space<hbm>>
      %dma_wait3A_692 = tpu.memref_squeeze %dma_wait3A_691 : memref<1x8x24xf32, #tpu.memory_space<hbm>> -> memref<8x24xf32, #tpu.memory_space<hbm>>
      tpu.wait_dma2 semaphore(%arg18 : memref<!tpu.dma_semaphore, #tpu.memory_space<semaphore_mem>>) src(%dma_wait3A_692 : memref<8x24xf32, #tpu.memory_space<hbm>>) dst(%dma_wait3A_688 : memref<8x24xf32, #tpu.memory_space<vmem>>)
      %dma_wait3A_693 = arith.constant 0 : i32
      %dma_wait3A_694 = arith.constant 320 : i32
      %dma_wait3A_695 = arith.constant 0 : i32
      %dma_wait3A_696 = tpu.memref_slice %arg12[%dma_wait3A_694, %dma_wait3A_695] : memref<512x64xf32, #tpu.memory_space<vmem>> -> memref<64x64xf32, #tpu.memory_space<vmem>>
      %dma_wait3A_697 = arith.constant 0 : i32
      %dma_wait3A_698 = arith.constant 0 : i32
      %dma_wait3A_699 = tpu.memref_slice %arg2[%dma_wait3A_693, %dma_wait3A_697, %dma_wait3A_698] : memref<4096x64x64xf32, #tpu.memory_space<hbm>> -> memref<1x64x64xf32, #tpu.memory_space<hbm>>
      %dma_wait3A_700 = tpu.memref_squeeze %dma_wait3A_699 : memref<1x64x64xf32, #tpu.memory_space<hbm>> -> memref<64x64xf32, #tpu.memory_space<hbm>>
      %dma_wait3A_701 = arith.constant 320 : i32
      %dma_wait3A_702 = arith.constant 0 : i32
      %dma_wait3A_703 = tpu.memref_slice %arg12[%dma_wait3A_701, %dma_wait3A_702] : memref<512x64xf32, #tpu.memory_space<vmem>> -> memref<64x64xf32, #tpu.memory_space<vmem>>
      %dma_wait3A_704 = arith.constant 0 : i32
      %dma_wait3A_705 = arith.constant 0 : i32
      %dma_wait3A_706 = tpu.memref_slice %arg2[%dma_wait3A_693, %dma_wait3A_704, %dma_wait3A_705] : memref<4096x64x64xf32, #tpu.memory_space<hbm>> -> memref<1x64x64xf32, #tpu.memory_space<hbm>>
      %dma_wait3A_707 = tpu.memref_squeeze %dma_wait3A_706 : memref<1x64x64xf32, #tpu.memory_space<hbm>> -> memref<64x64xf32, #tpu.memory_space<hbm>>
      tpu.wait_dma2 semaphore(%arg18 : memref<!tpu.dma_semaphore, #tpu.memory_space<semaphore_mem>>) src(%dma_wait3A_707 : memref<64x64xf32, #tpu.memory_space<hbm>>) dst(%dma_wait3A_703 : memref<64x64xf32, #tpu.memory_space<vmem>>)
      %dma_wait3A_708 = arith.constant 0 : i32
      %dma_wait3A_709 = arith.constant 40 : i32
      %dma_wait3A_710 = arith.constant 0 : i32
      %dma_wait3A_711 = tpu.memref_slice %arg14[%dma_wait3A_709, %dma_wait3A_710] : memref<64x24xf32, #tpu.memory_space<vmem>> -> memref<8x24xf32, #tpu.memory_space<vmem>>
      %dma_wait3A_712 = arith.constant 0 : i32
      %dma_wait3A_713 = arith.constant 0 : i32
      %dma_wait3A_714 = tpu.memref_slice %arg3[%dma_wait3A_708, %dma_wait3A_712, %dma_wait3A_713] : memref<4096x8x24xf32, #tpu.memory_space<hbm>> -> memref<1x8x24xf32, #tpu.memory_space<hbm>>
      %dma_wait3A_715 = tpu.memref_squeeze %dma_wait3A_714 : memref<1x8x24xf32, #tpu.memory_space<hbm>> -> memref<8x24xf32, #tpu.memory_space<hbm>>
      %dma_wait3A_716 = arith.constant 40 : i32
      %dma_wait3A_717 = arith.constant 0 : i32
      %dma_wait3A_718 = tpu.memref_slice %arg14[%dma_wait3A_716, %dma_wait3A_717] : memref<64x24xf32, #tpu.memory_space<vmem>> -> memref<8x24xf32, #tpu.memory_space<vmem>>
      %dma_wait3A_719 = arith.constant 0 : i32
      %dma_wait3A_720 = arith.constant 0 : i32
      %dma_wait3A_721 = tpu.memref_slice %arg3[%dma_wait3A_708, %dma_wait3A_719, %dma_wait3A_720] : memref<4096x8x24xf32, #tpu.memory_space<hbm>> -> memref<1x8x24xf32, #tpu.memory_space<hbm>>
      %dma_wait3A_722 = tpu.memref_squeeze %dma_wait3A_721 : memref<1x8x24xf32, #tpu.memory_space<hbm>> -> memref<8x24xf32, #tpu.memory_space<hbm>>
      tpu.wait_dma2 semaphore(%arg18 : memref<!tpu.dma_semaphore, #tpu.memory_space<semaphore_mem>>) src(%dma_wait3A_722 : memref<8x24xf32, #tpu.memory_space<hbm>>) dst(%dma_wait3A_718 : memref<8x24xf32, #tpu.memory_space<vmem>>)
      %dma_wait3A_723 = arith.constant 0 : i32
      %dma_wait3A_724 = arith.constant 384 : i32
      %dma_wait3A_725 = arith.constant 0 : i32
      %dma_wait3A_726 = tpu.memref_slice %arg12[%dma_wait3A_724, %dma_wait3A_725] : memref<512x64xf32, #tpu.memory_space<vmem>> -> memref<64x64xf32, #tpu.memory_space<vmem>>
      %dma_wait3A_727 = arith.constant 0 : i32
      %dma_wait3A_728 = arith.constant 0 : i32
      %dma_wait3A_729 = tpu.memref_slice %arg2[%dma_wait3A_723, %dma_wait3A_727, %dma_wait3A_728] : memref<4096x64x64xf32, #tpu.memory_space<hbm>> -> memref<1x64x64xf32, #tpu.memory_space<hbm>>
      %dma_wait3A_730 = tpu.memref_squeeze %dma_wait3A_729 : memref<1x64x64xf32, #tpu.memory_space<hbm>> -> memref<64x64xf32, #tpu.memory_space<hbm>>
      %dma_wait3A_731 = arith.constant 384 : i32
      %dma_wait3A_732 = arith.constant 0 : i32
      %dma_wait3A_733 = tpu.memref_slice %arg12[%dma_wait3A_731, %dma_wait3A_732] : memref<512x64xf32, #tpu.memory_space<vmem>> -> memref<64x64xf32, #tpu.memory_space<vmem>>
      %dma_wait3A_734 = arith.constant 0 : i32
      %dma_wait3A_735 = arith.constant 0 : i32
      %dma_wait3A_736 = tpu.memref_slice %arg2[%dma_wait3A_723, %dma_wait3A_734, %dma_wait3A_735] : memref<4096x64x64xf32, #tpu.memory_space<hbm>> -> memref<1x64x64xf32, #tpu.memory_space<hbm>>
      %dma_wait3A_737 = tpu.memref_squeeze %dma_wait3A_736 : memref<1x64x64xf32, #tpu.memory_space<hbm>> -> memref<64x64xf32, #tpu.memory_space<hbm>>
      tpu.wait_dma2 semaphore(%arg18 : memref<!tpu.dma_semaphore, #tpu.memory_space<semaphore_mem>>) src(%dma_wait3A_737 : memref<64x64xf32, #tpu.memory_space<hbm>>) dst(%dma_wait3A_733 : memref<64x64xf32, #tpu.memory_space<vmem>>)
      %dma_wait3A_738 = arith.constant 0 : i32
      %dma_wait3A_739 = arith.constant 48 : i32
      %dma_wait3A_740 = arith.constant 0 : i32
      %dma_wait3A_741 = tpu.memref_slice %arg14[%dma_wait3A_739, %dma_wait3A_740] : memref<64x24xf32, #tpu.memory_space<vmem>> -> memref<8x24xf32, #tpu.memory_space<vmem>>
      %dma_wait3A_742 = arith.constant 0 : i32
      %dma_wait3A_743 = arith.constant 0 : i32
      %dma_wait3A_744 = tpu.memref_slice %arg3[%dma_wait3A_738, %dma_wait3A_742, %dma_wait3A_743] : memref<4096x8x24xf32, #tpu.memory_space<hbm>> -> memref<1x8x24xf32, #tpu.memory_space<hbm>>
      %dma_wait3A_745 = tpu.memref_squeeze %dma_wait3A_744 : memref<1x8x24xf32, #tpu.memory_space<hbm>> -> memref<8x24xf32, #tpu.memory_space<hbm>>
      %dma_wait3A_746 = arith.constant 48 : i32
      %dma_wait3A_747 = arith.constant 0 : i32
      %dma_wait3A_748 = tpu.memref_slice %arg14[%dma_wait3A_746, %dma_wait3A_747] : memref<64x24xf32, #tpu.memory_space<vmem>> -> memref<8x24xf32, #tpu.memory_space<vmem>>
      %dma_wait3A_749 = arith.constant 0 : i32
      %dma_wait3A_750 = arith.constant 0 : i32
      %dma_wait3A_751 = tpu.memref_slice %arg3[%dma_wait3A_738, %dma_wait3A_749, %dma_wait3A_750] : memref<4096x8x24xf32, #tpu.memory_space<hbm>> -> memref<1x8x24xf32, #tpu.memory_space<hbm>>
      %dma_wait3A_752 = tpu.memref_squeeze %dma_wait3A_751 : memref<1x8x24xf32, #tpu.memory_space<hbm>> -> memref<8x24xf32, #tpu.memory_space<hbm>>
      tpu.wait_dma2 semaphore(%arg18 : memref<!tpu.dma_semaphore, #tpu.memory_space<semaphore_mem>>) src(%dma_wait3A_752 : memref<8x24xf32, #tpu.memory_space<hbm>>) dst(%dma_wait3A_748 : memref<8x24xf32, #tpu.memory_space<vmem>>)
      %dma_wait3A_753 = arith.constant 0 : i32
      %dma_wait3A_754 = arith.constant 448 : i32
      %dma_wait3A_755 = arith.constant 0 : i32
      %dma_wait3A_756 = tpu.memref_slice %arg12[%dma_wait3A_754, %dma_wait3A_755] : memref<512x64xf32, #tpu.memory_space<vmem>> -> memref<64x64xf32, #tpu.memory_space<vmem>>
      %dma_wait3A_757 = arith.constant 0 : i32
      %dma_wait3A_758 = arith.constant 0 : i32
      %dma_wait3A_759 = tpu.memref_slice %arg2[%dma_wait3A_753, %dma_wait3A_757, %dma_wait3A_758] : memref<4096x64x64xf32, #tpu.memory_space<hbm>> -> memref<1x64x64xf32, #tpu.memory_space<hbm>>
      %dma_wait3A_760 = tpu.memref_squeeze %dma_wait3A_759 : memref<1x64x64xf32, #tpu.memory_space<hbm>> -> memref<64x64xf32, #tpu.memory_space<hbm>>
      %dma_wait3A_761 = arith.constant 448 : i32
      %dma_wait3A_762 = arith.constant 0 : i32
      %dma_wait3A_763 = tpu.memref_slice %arg12[%dma_wait3A_761, %dma_wait3A_762] : memref<512x64xf32, #tpu.memory_space<vmem>> -> memref<64x64xf32, #tpu.memory_space<vmem>>
      %dma_wait3A_764 = arith.constant 0 : i32
      %dma_wait3A_765 = arith.constant 0 : i32
      %dma_wait3A_766 = tpu.memref_slice %arg2[%dma_wait3A_753, %dma_wait3A_764, %dma_wait3A_765] : memref<4096x64x64xf32, #tpu.memory_space<hbm>> -> memref<1x64x64xf32, #tpu.memory_space<hbm>>
      %dma_wait3A_767 = tpu.memref_squeeze %dma_wait3A_766 : memref<1x64x64xf32, #tpu.memory_space<hbm>> -> memref<64x64xf32, #tpu.memory_space<hbm>>
      tpu.wait_dma2 semaphore(%arg18 : memref<!tpu.dma_semaphore, #tpu.memory_space<semaphore_mem>>) src(%dma_wait3A_767 : memref<64x64xf32, #tpu.memory_space<hbm>>) dst(%dma_wait3A_763 : memref<64x64xf32, #tpu.memory_space<vmem>>)
      %dma_wait3A_768 = arith.constant 0 : i32
      %dma_wait3A_769 = arith.constant 56 : i32
      %dma_wait3A_770 = arith.constant 0 : i32
      %dma_wait3A_771 = tpu.memref_slice %arg14[%dma_wait3A_769, %dma_wait3A_770] : memref<64x24xf32, #tpu.memory_space<vmem>> -> memref<8x24xf32, #tpu.memory_space<vmem>>
      %dma_wait3A_772 = arith.constant 0 : i32
      %dma_wait3A_773 = arith.constant 0 : i32
      %dma_wait3A_774 = tpu.memref_slice %arg3[%dma_wait3A_768, %dma_wait3A_772, %dma_wait3A_773] : memref<4096x8x24xf32, #tpu.memory_space<hbm>> -> memref<1x8x24xf32, #tpu.memory_space<hbm>>
      %dma_wait3A_775 = tpu.memref_squeeze %dma_wait3A_774 : memref<1x8x24xf32, #tpu.memory_space<hbm>> -> memref<8x24xf32, #tpu.memory_space<hbm>>
      %dma_wait3A_776 = arith.constant 56 : i32
      %dma_wait3A_777 = arith.constant 0 : i32
      %dma_wait3A_778 = tpu.memref_slice %arg14[%dma_wait3A_776, %dma_wait3A_777] : memref<64x24xf32, #tpu.memory_space<vmem>> -> memref<8x24xf32, #tpu.memory_space<vmem>>
      %dma_wait3A_779 = arith.constant 0 : i32
      %dma_wait3A_780 = arith.constant 0 : i32
      %dma_wait3A_781 = tpu.memref_slice %arg3[%dma_wait3A_768, %dma_wait3A_779, %dma_wait3A_780] : memref<4096x8x24xf32, #tpu.memory_space<hbm>> -> memref<1x8x24xf32, #tpu.memory_space<hbm>>
      %dma_wait3A_782 = tpu.memref_squeeze %dma_wait3A_781 : memref<1x8x24xf32, #tpu.memory_space<hbm>> -> memref<8x24xf32, #tpu.memory_space<hbm>>
      tpu.wait_dma2 semaphore(%arg18 : memref<!tpu.dma_semaphore, #tpu.memory_space<semaphore_mem>>) src(%dma_wait3A_782 : memref<8x24xf32, #tpu.memory_space<hbm>>) dst(%dma_wait3A_778 : memref<8x24xf32, #tpu.memory_space<vmem>>)
      %gt3A = arith.constant 0 : i32
      %gt3A_783 = arith.cmpi sgt, %scan3A_540, %gt3A : i32
      %convert_element_type3A = arith.extui %gt3A_783 : i1 to i32
      %cond3A = arith.constant 0 : i32
      %cond3A_784 = arith.cmpi ne, %convert_element_type3A, %cond3A : i32
      scf.if %cond3A_784 {
        %dma_wait3A_1067 = arith.constant 0 : i32
        %dma_wait3A_1068 = arith.constant 0 : i32
        %dma_wait3A_1069 = tpu.memref_slice %arg5[%dma_wait3A_1067, %dma_wait3A_1068] : memref<4096x1858xf32, #tpu.memory_space<hbm>> -> memref<8x1858xf32, #tpu.memory_space<hbm>>
        %dma_wait3A_1070 = arith.constant 0 : i32
        %dma_wait3A_1071 = arith.constant 0 : i32
        %dma_wait3A_1072 = tpu.memref_slice %arg5[%dma_wait3A_1070, %dma_wait3A_1071] : memref<4096x1858xf32, #tpu.memory_space<hbm>> -> memref<8x1858xf32, #tpu.memory_space<hbm>>
        tpu.wait_dma2 semaphore(%arg20 : memref<!tpu.dma_semaphore, #tpu.memory_space<semaphore_mem>>) src(%arg16 : memref<8x1858xf32, #tpu.memory_space<vmem>>) dst(%dma_wait3A_1072 : memref<8x1858xf32, #tpu.memory_space<hbm>>)
      } else {
      }
      %scan3A_785 = arith.constant 0 : i32
      %scan3A_786 = arith.constant 0 : i32
      %scan3A_787 = arith.constant 117 : i32
      %scan3A_788 = arith.addi %scan3A_786, %scan3A_787 : i32
      %scan3A_789 = arith.constant 1 : i32
      scf.for %scan3A_1067 = %scan3A_786 to %scan3A_788 step %scan3A_789  : i32 {
        %mul3A_1068 = arith.constant 16 : i32
        %mul3A_1069 = arith.muli %scan3A_1067, %mul3A_1068 : i32
        %eq3A = arith.constant 116 : i32
        %eq3A_1070 = arith.cmpi eq, %scan3A_1067, %eq3A : i32
        %mul3A_1071 = arith.constant 16 : i32
        %mul3A_1072 = arith.muli %scan3A_1067, %mul3A_1071 : i32
        %jit3A = arith.constant 1842 : i32
        %select_n3A = arith.select %eq3A_1070, %jit3A, %mul3A_1072 : i32
        %get3A = arith.index_cast %mul3A_1069 : i32 to index
        %get3A_1073 = tpu.vector_load %arg7[%get3A] {strides = array<i32>} : memref<1872xi32, #tpu.memory_space<vmem>>, vector<16xi32>,
        %get3A_1074 = arith.index_cast %mul3A_1069 : i32 to index
        %get3A_1075 = tpu.vector_load %arg8[%get3A_1074] {strides = array<i32>} : memref<1872xi32, #tpu.memory_space<vmem>>, vector<16xi32>,
        %get3A_1076 = arith.index_cast %mul3A_1069 : i32 to index
        %get3A_1077 = tpu.vector_load %arg9[%get3A_1076] {strides = array<i32>} : memref<1872xi32, #tpu.memory_space<vmem>>, vector<16xi32>,
        %get3A_1078 = arith.index_cast %mul3A_1069 : i32 to index
        %get3A_1079 = tpu.vector_load %arg10[%get3A_1078] {strides = array<i32>} : memref<1872xi32, #tpu.memory_space<vmem>>, vector<16xi32>,
        %get3A_1080 = arith.index_cast %mul3A_1069 : i32 to index
        %get3A_1081 = tpu.vector_load %arg11[%get3A_1080] {strides = array<i32>} : memref<1872xi32, #tpu.memory_space<vmem>>, vector<16xi32>,
        %lt3A_1082 = arith.constant 4096 : i32
        %lt3A_1083 = vector.broadcast %lt3A_1082 : i32 to vector<16xi32>
        %lt3A_1084 = arith.cmpi slt, %get3A_1073, %lt3A_1083 : vector<16xi32>
        %broadcast_in_dim3A = arith.constant 0 : i32
        %broadcast_in_dim3A_1085 = vector.broadcast %broadcast_in_dim3A : i32 to vector<16xi32>
        %add3A_1086 = arith.addi %get3A_1075, %broadcast_in_dim3A_1085 : vector<16xi32>
        %gather3A = tpu.vector_load_idx %arg12[%add3A_1086, %get3A_1077] : memref<512x64xf32, #tpu.memory_space<vmem>>[vector<16xi32>, vector<16xi32>], vector<16xf32>,
        %broadcast_in_dim3A_1087 = arith.constant 0 : i32
        %broadcast_in_dim3A_1088 = vector.broadcast %broadcast_in_dim3A_1087 : i32 to vector<16xi32>
        %add3A_1089 = arith.addi %get3A_1079, %broadcast_in_dim3A_1088 : vector<16xi32>
        %gather3A_1090 = tpu.vector_load_idx %arg14[%add3A_1089, %get3A_1081] : memref<64x24xf32, #tpu.memory_space<vmem>>[vector<16xi32>, vector<16xi32>], vector<16xf32>,
        %select_n3A_1091 = arith.select %lt3A_1084, %gather3A, %gather3A_1090 : vector<16xi1>, vector<16xf32>
        %swap3A = arith.constant 0 : i32
        %swap3A_1092 = arith.index_cast %swap3A : i32 to index
        %swap3A_1093 = arith.index_cast %select_n3A : i32 to index
        %swap3A_1094 = tpu.vector_load %arg16[%swap3A_1092, %swap3A_1093] {strides = array<i32>} : memref<8x1858xf32, #tpu.memory_space<vmem>>, vector<16xf32>,
        tpu.vector_store %arg16[%swap3A_1092, %swap3A_1093], %select_n3A_1091 {strides = array<i32>} : memref<8x1858xf32, #tpu.memory_space<vmem>>, vector<16xf32>,
        %broadcast_in_dim3A_1095 = arith.constant 64 : i32
        %broadcast_in_dim3A_1096 = vector.broadcast %broadcast_in_dim3A_1095 : i32 to vector<16xi32>
        %add3A_1097 = arith.addi %get3A_1075, %broadcast_in_dim3A_1096 : vector<16xi32>
        %gather3A_1098 = tpu.vector_load_idx %arg12[%add3A_1097, %get3A_1077] : memref<512x64xf32, #tpu.memory_space<vmem>>[vector<16xi32>, vector<16xi32>], vector<16xf32>,
        %broadcast_in_dim3A_1099 = arith.constant 8 : i32
        %broadcast_in_dim3A_1100 = vector.broadcast %broadcast_in_dim3A_1099 : i32 to vector<16xi32>
        %add3A_1101 = arith.addi %get3A_1079, %broadcast_in_dim3A_1100 : vector<16xi32>
        %gather3A_1102 = tpu.vector_load_idx %arg14[%add3A_1101, %get3A_1081] : memref<64x24xf32, #tpu.memory_space<vmem>>[vector<16xi32>, vector<16xi32>], vector<16xf32>,
        %select_n3A_1103 = arith.select %lt3A_1084, %gather3A_1098, %gather3A_1102 : vector<16xi1>, vector<16xf32>
        %swap3A_1104 = arith.constant 1 : i32
        %swap3A_1105 = arith.index_cast %swap3A_1104 : i32 to index
        %swap3A_1106 = arith.index_cast %select_n3A : i32 to index
        %swap3A_1107 = tpu.vector_load %arg16[%swap3A_1105, %swap3A_1106] {strides = array<i32>} : memref<8x1858xf32, #tpu.memory_space<vmem>>, vector<16xf32>,
        tpu.vector_store %arg16[%swap3A_1105, %swap3A_1106], %select_n3A_1103 {strides = array<i32>} : memref<8x1858xf32, #tpu.memory_space<vmem>>, vector<16xf32>,
        %broadcast_in_dim3A_1108 = arith.constant 128 : i32
        %broadcast_in_dim3A_1109 = vector.broadcast %broadcast_in_dim3A_1108 : i32 to vector<16xi32>
        %add3A_1110 = arith.addi %get3A_1075, %broadcast_in_dim3A_1109 : vector<16xi32>
        %gather3A_1111 = tpu.vector_load_idx %arg12[%add3A_1110, %get3A_1077] : memref<512x64xf32, #tpu.memory_space<vmem>>[vector<16xi32>, vector<16xi32>], vector<16xf32>,
        %broadcast_in_dim3A_1112 = arith.constant 16 : i32
        %broadcast_in_dim3A_1113 = vector.broadcast %broadcast_in_dim3A_1112 : i32 to vector<16xi32>
        %add3A_1114 = arith.addi %get3A_1079, %broadcast_in_dim3A_1113 : vector<16xi32>
        %gather3A_1115 = tpu.vector_load_idx %arg14[%add3A_1114, %get3A_1081] : memref<64x24xf32, #tpu.memory_space<vmem>>[vector<16xi32>, vector<16xi32>], vector<16xf32>,
        %select_n3A_1116 = arith.select %lt3A_1084, %gather3A_1111, %gather3A_1115 : vector<16xi1>, vector<16xf32>
        %swap3A_1117 = arith.constant 2 : i32
        %swap3A_1118 = arith.index_cast %swap3A_1117 : i32 to index
        %swap3A_1119 = arith.index_cast %select_n3A : i32 to index
        %swap3A_1120 = tpu.vector_load %arg16[%swap3A_1118, %swap3A_1119] {strides = array<i32>} : memref<8x1858xf32, #tpu.memory_space<vmem>>, vector<16xf32>,
        tpu.vector_store %arg16[%swap3A_1118, %swap3A_1119], %select_n3A_1116 {strides = array<i32>} : memref<8x1858xf32, #tpu.memory_space<vmem>>, vector<16xf32>,
        %broadcast_in_dim3A_1121 = arith.constant 192 : i32
        %broadcast_in_dim3A_1122 = vector.broadcast %broadcast_in_dim3A_1121 : i32 to vector<16xi32>
        %add3A_1123 = arith.addi %get3A_1075, %broadcast_in_dim3A_1122 : vector<16xi32>
        %gather3A_1124 = tpu.vector_load_idx %arg12[%add3A_1123, %get3A_1077] : memref<512x64xf32, #tpu.memory_space<vmem>>[vector<16xi32>, vector<16xi32>], vector<16xf32>,
        %broadcast_in_dim3A_1125 = arith.constant 24 : i32
        %broadcast_in_dim3A_1126 = vector.broadcast %broadcast_in_dim3A_1125 : i32 to vector<16xi32>
        %add3A_1127 = arith.addi %get3A_1079, %broadcast_in_dim3A_1126 : vector<16xi32>
        %gather3A_1128 = tpu.vector_load_idx %arg14[%add3A_1127, %get3A_1081] : memref<64x24xf32, #tpu.memory_space<vmem>>[vector<16xi32>, vector<16xi32>], vector<16xf32>,
        %select_n3A_1129 = arith.select %lt3A_1084, %gather3A_1124, %gather3A_1128 : vector<16xi1>, vector<16xf32>
        %swap3A_1130 = arith.constant 3 : i32
        %swap3A_1131 = arith.index_cast %swap3A_1130 : i32 to index
        %swap3A_1132 = arith.index_cast %select_n3A : i32 to index
        %swap3A_1133 = tpu.vector_load %arg16[%swap3A_1131, %swap3A_1132] {strides = array<i32>} : memref<8x1858xf32, #tpu.memory_space<vmem>>, vector<16xf32>,
        tpu.vector_store %arg16[%swap3A_1131, %swap3A_1132], %select_n3A_1129 {strides = array<i32>} : memref<8x1858xf32, #tpu.memory_space<vmem>>, vector<16xf32>,
        %broadcast_in_dim3A_1134 = arith.constant 256 : i32
        %broadcast_in_dim3A_1135 = vector.broadcast %broadcast_in_dim3A_1134 : i32 to vector<16xi32>
        %add3A_1136 = arith.addi %get3A_1075, %broadcast_in_dim3A_1135 : vector<16xi32>
        %gather3A_1137 = tpu.vector_load_idx %arg12[%add3A_1136, %get3A_1077] : memref<512x64xf32, #tpu.memory_space<vmem>>[vector<16xi32>, vector<16xi32>], vector<16xf32>,
        %broadcast_in_dim3A_1138 = arith.constant 32 : i32
        %broadcast_in_dim3A_1139 = vector.broadcast %broadcast_in_dim3A_1138 : i32 to vector<16xi32>
        %add3A_1140 = arith.addi %get3A_1079, %broadcast_in_dim3A_1139 : vector<16xi32>
        %gather3A_1141 = tpu.vector_load_idx %arg14[%add3A_1140, %get3A_1081] : memref<64x24xf32, #tpu.memory_space<vmem>>[vector<16xi32>, vector<16xi32>], vector<16xf32>,
        %select_n3A_1142 = arith.select %lt3A_1084, %gather3A_1137, %gather3A_1141 : vector<16xi1>, vector<16xf32>
        %swap3A_1143 = arith.constant 4 : i32
        %swap3A_1144 = arith.index_cast %swap3A_1143 : i32 to index
        %swap3A_1145 = arith.index_cast %select_n3A : i32 to index
        %swap3A_1146 = tpu.vector_load %arg16[%swap3A_1144, %swap3A_1145] {strides = array<i32>} : memref<8x1858xf32, #tpu.memory_space<vmem>>, vector<16xf32>,
        tpu.vector_store %arg16[%swap3A_1144, %swap3A_1145], %select_n3A_1142 {strides = array<i32>} : memref<8x1858xf32, #tpu.memory_space<vmem>>, vector<16xf32>,
        %broadcast_in_dim3A_1147 = arith.constant 320 : i32
        %broadcast_in_dim3A_1148 = vector.broadcast %broadcast_in_dim3A_1147 : i32 to vector<16xi32>
        %add3A_1149 = arith.addi %get3A_1075, %broadcast_in_dim3A_1148 : vector<16xi32>
        %gather3A_1150 = tpu.vector_load_idx %arg12[%add3A_1149, %get3A_1077] : memref<512x64xf32, #tpu.memory_space<vmem>>[vector<16xi32>, vector<16xi32>], vector<16xf32>,
        %broadcast_in_dim3A_1151 = arith.constant 40 : i32
        %broadcast_in_dim3A_1152 = vector.broadcast %broadcast_in_dim3A_1151 : i32 to vector<16xi32>
        %add3A_1153 = arith.addi %get3A_1079, %broadcast_in_dim3A_1152 : vector<16xi32>
        %gather3A_1154 = tpu.vector_load_idx %arg14[%add3A_1153, %get3A_1081] : memref<64x24xf32, #tpu.memory_space<vmem>>[vector<16xi32>, vector<16xi32>], vector<16xf32>,
        %select_n3A_1155 = arith.select %lt3A_1084, %gather3A_1150, %gather3A_1154 : vector<16xi1>, vector<16xf32>
        %swap3A_1156 = arith.constant 5 : i32
        %swap3A_1157 = arith.index_cast %swap3A_1156 : i32 to index
        %swap3A_1158 = arith.index_cast %select_n3A : i32 to index
        %swap3A_1159 = tpu.vector_load %arg16[%swap3A_1157, %swap3A_1158] {strides = array<i32>} : memref<8x1858xf32, #tpu.memory_space<vmem>>, vector<16xf32>,
        tpu.vector_store %arg16[%swap3A_1157, %swap3A_1158], %select_n3A_1155 {strides = array<i32>} : memref<8x1858xf32, #tpu.memory_space<vmem>>, vector<16xf32>,
        %broadcast_in_dim3A_1160 = arith.constant 384 : i32
        %broadcast_in_dim3A_1161 = vector.broadcast %broadcast_in_dim3A_1160 : i32 to vector<16xi32>
        %add3A_1162 = arith.addi %get3A_1075, %broadcast_in_dim3A_1161 : vector<16xi32>
        %gather3A_1163 = tpu.vector_load_idx %arg12[%add3A_1162, %get3A_1077] : memref<512x64xf32, #tpu.memory_space<vmem>>[vector<16xi32>, vector<16xi32>], vector<16xf32>,
        %broadcast_in_dim3A_1164 = arith.constant 48 : i32
        %broadcast_in_dim3A_1165 = vector.broadcast %broadcast_in_dim3A_1164 : i32 to vector<16xi32>
        %add3A_1166 = arith.addi %get3A_1079, %broadcast_in_dim3A_1165 : vector<16xi32>
        %gather3A_1167 = tpu.vector_load_idx %arg14[%add3A_1166, %get3A_1081] : memref<64x24xf32, #tpu.memory_space<vmem>>[vector<16xi32>, vector<16xi32>], vector<16xf32>,
        %select_n3A_1168 = arith.select %lt3A_1084, %gather3A_1163, %gather3A_1167 : vector<16xi1>, vector<16xf32>
        %swap3A_1169 = arith.constant 6 : i32
        %swap3A_1170 = arith.index_cast %swap3A_1169 : i32 to index
        %swap3A_1171 = arith.index_cast %select_n3A : i32 to index
        %swap3A_1172 = tpu.vector_load %arg16[%swap3A_1170, %swap3A_1171] {strides = array<i32>} : memref<8x1858xf32, #tpu.memory_space<vmem>>, vector<16xf32>,
        tpu.vector_store %arg16[%swap3A_1170, %swap3A_1171], %select_n3A_1168 {strides = array<i32>} : memref<8x1858xf32, #tpu.memory_space<vmem>>, vector<16xf32>,
        %broadcast_in_dim3A_1173 = arith.constant 448 : i32
        %broadcast_in_dim3A_1174 = vector.broadcast %broadcast_in_dim3A_1173 : i32 to vector<16xi32>
        %add3A_1175 = arith.addi %get3A_1075, %broadcast_in_dim3A_1174 : vector<16xi32>
        %gather3A_1176 = tpu.vector_load_idx %arg12[%add3A_1175, %get3A_1077] : memref<512x64xf32, #tpu.memory_space<vmem>>[vector<16xi32>, vector<16xi32>], vector<16xf32>,
        %broadcast_in_dim3A_1177 = arith.constant 56 : i32
        %broadcast_in_dim3A_1178 = vector.broadcast %broadcast_in_dim3A_1177 : i32 to vector<16xi32>
        %add3A_1179 = arith.addi %get3A_1079, %broadcast_in_dim3A_1178 : vector<16xi32>
        %gather3A_1180 = tpu.vector_load_idx %arg14[%add3A_1179, %get3A_1081] : memref<64x24xf32, #tpu.memory_space<vmem>>[vector<16xi32>, vector<16xi32>], vector<16xf32>,
        %select_n3A_1181 = arith.select %lt3A_1084, %gather3A_1176, %gather3A_1180 : vector<16xi1>, vector<16xf32>
        %swap3A_1182 = arith.constant 7 : i32
        %swap3A_1183 = arith.index_cast %swap3A_1182 : i32 to index
        %swap3A_1184 = arith.index_cast %select_n3A : i32 to index
        %swap3A_1185 = tpu.vector_load %arg16[%swap3A_1183, %swap3A_1184] {strides = array<i32>} : memref<8x1858xf32, #tpu.memory_space<vmem>>, vector<16xf32>,
        tpu.vector_store %arg16[%swap3A_1183, %swap3A_1184], %select_n3A_1181 {strides = array<i32>} : memref<8x1858xf32, #tpu.memory_space<vmem>>, vector<16xf32>,
      }
      %scan3A_790 = arith.constant 117 : i32
      %mul3A_791 = arith.constant 8 : i32
      %mul3A_792 = arith.muli %mul3A_542, %mul3A_791 : i32
      %add3A_793 = arith.addi %mul3A_2, %mul3A_792 : i32
      %dma_start3A_794 = arith.constant 0 : i32
      %dma_start3A_795 = tpu.memref_slice %arg5[%add3A_793, %dma_start3A_794] : memref<4096x1858xf32, #tpu.memory_space<hbm>> -> memref<8x1858xf32, #tpu.memory_space<hbm>>
      %dma_start3A_796 = arith.constant 0 : i32
      %dma_start3A_797 = tpu.memref_slice %arg5[%add3A_793, %dma_start3A_796] : memref<4096x1858xf32, #tpu.memory_space<hbm>> -> memref<8x1858xf32, #tpu.memory_space<hbm>>
      tpu.enqueue_dma source(%arg16 : memref<8x1858xf32, #tpu.memory_space<vmem>>) target(%dma_start3A_797 : memref<8x1858xf32, #tpu.memory_space<hbm>>) target_semaphore(%arg20 : memref<!tpu.dma_semaphore, #tpu.memory_space<semaphore_mem>>)
      %lt3A = arith.constant 7 : i32
      %lt3A_798 = arith.cmpi slt, %scan3A_540, %lt3A : i32
      %convert_element_type3A_799 = arith.extui %lt3A_798 : i1 to i32
      %cond3A_800 = arith.constant 0 : i32
      %cond3A_801 = arith.cmpi ne, %convert_element_type3A_799, %cond3A_800 : i32
      scf.if %cond3A_801 {
        %add3A_1067 = arith.constant 2 : i32
        %add3A_1068 = arith.addi %mul3A_542, %add3A_1067 : i32
        %mul3A_1069 = arith.constant 8 : i32
        %mul3A_1070 = arith.muli %add3A_1068, %mul3A_1069 : i32
        %add3A_1071 = arith.addi %mul3A_2, %mul3A_1070 : i32
        %add3A_1072 = arith.constant 0 : i32
        %add3A_1073 = arith.addi %add3A_1071, %add3A_1072 : i32
        %dma_start3A_1074 = arith.constant 0 : i32
        %dma_start3A_1075 = arith.constant 0 : i32
        %dma_start3A_1076 = tpu.memref_slice %arg12[%dma_start3A_1074, %dma_start3A_1075] : memref<512x64xf32, #tpu.memory_space<vmem>> -> memref<64x64xf32, #tpu.memory_space<vmem>>
        %dma_start3A_1077 = arith.constant 0 : i32
        %dma_start3A_1078 = arith.constant 0 : i32
        %dma_start3A_1079 = tpu.memref_slice %arg2[%add3A_1073, %dma_start3A_1077, %dma_start3A_1078] : memref<4096x64x64xf32, #tpu.memory_space<hbm>> -> memref<1x64x64xf32, #tpu.memory_space<hbm>>
        %dma_start3A_1080 = tpu.memref_squeeze %dma_start3A_1079 : memref<1x64x64xf32, #tpu.memory_space<hbm>> -> memref<64x64xf32, #tpu.memory_space<hbm>>
        %dma_start3A_1081 = arith.constant 0 : i32
        %dma_start3A_1082 = arith.constant 0 : i32
        %dma_start3A_1083 = tpu.memref_slice %arg12[%dma_start3A_1081, %dma_start3A_1082] : memref<512x64xf32, #tpu.memory_space<vmem>> -> memref<64x64xf32, #tpu.memory_space<vmem>>
        %dma_start3A_1084 = arith.constant 0 : i32
        %dma_start3A_1085 = arith.constant 0 : i32
        %dma_start3A_1086 = tpu.memref_slice %arg2[%add3A_1073, %dma_start3A_1084, %dma_start3A_1085] : memref<4096x64x64xf32, #tpu.memory_space<hbm>> -> memref<1x64x64xf32, #tpu.memory_space<hbm>>
        %dma_start3A_1087 = tpu.memref_squeeze %dma_start3A_1086 : memref<1x64x64xf32, #tpu.memory_space<hbm>> -> memref<64x64xf32, #tpu.memory_space<hbm>>
        tpu.enqueue_dma source(%dma_start3A_1087 : memref<64x64xf32, #tpu.memory_space<hbm>>) target(%dma_start3A_1083 : memref<64x64xf32, #tpu.memory_space<vmem>>) target_semaphore(%arg18 : memref<!tpu.dma_semaphore, #tpu.memory_space<semaphore_mem>>)
        %add3A_1088 = arith.constant 0 : i32
        %add3A_1089 = arith.addi %add3A_1071, %add3A_1088 : i32
        %dma_start3A_1090 = arith.constant 0 : i32
        %dma_start3A_1091 = arith.constant 0 : i32
        %dma_start3A_1092 = tpu.memref_slice %arg14[%dma_start3A_1090, %dma_start3A_1091] : memref<64x24xf32, #tpu.memory_space<vmem>> -> memref<8x24xf32, #tpu.memory_space<vmem>>
        %dma_start3A_1093 = arith.constant 0 : i32
        %dma_start3A_1094 = arith.constant 0 : i32
        %dma_start3A_1095 = tpu.memref_slice %arg3[%add3A_1089, %dma_start3A_1093, %dma_start3A_1094] : memref<4096x8x24xf32, #tpu.memory_space<hbm>> -> memref<1x8x24xf32, #tpu.memory_space<hbm>>
        %dma_start3A_1096 = tpu.memref_squeeze %dma_start3A_1095 : memref<1x8x24xf32, #tpu.memory_space<hbm>> -> memref<8x24xf32, #tpu.memory_space<hbm>>
        %dma_start3A_1097 = arith.constant 0 : i32
        %dma_start3A_1098 = arith.constant 0 : i32
        %dma_start3A_1099 = tpu.memref_slice %arg14[%dma_start3A_1097, %dma_start3A_1098] : memref<64x24xf32, #tpu.memory_space<vmem>> -> memref<8x24xf32, #tpu.memory_space<vmem>>
        %dma_start3A_1100 = arith.constant 0 : i32
        %dma_start3A_1101 = arith.constant 0 : i32
        %dma_start3A_1102 = tpu.memref_slice %arg3[%add3A_1089, %dma_start3A_1100, %dma_start3A_1101] : memref<4096x8x24xf32, #tpu.memory_space<hbm>> -> memref<1x8x24xf32, #tpu.memory_space<hbm>>
        %dma_start3A_1103 = tpu.memref_squeeze %dma_start3A_1102 : memref<1x8x24xf32, #tpu.memory_space<hbm>> -> memref<8x24xf32, #tpu.memory_space<hbm>>
        tpu.enqueue_dma source(%dma_start3A_1103 : memref<8x24xf32, #tpu.memory_space<hbm>>) target(%dma_start3A_1099 : memref<8x24xf32, #tpu.memory_space<vmem>>) target_semaphore(%arg18 : memref<!tpu.dma_semaphore, #tpu.memory_space<semaphore_mem>>)
        %add3A_1104 = arith.constant 1 : i32
        %add3A_1105 = arith.addi %add3A_1071, %add3A_1104 : i32
        %dma_start3A_1106 = arith.constant 64 : i32
        %dma_start3A_1107 = arith.constant 0 : i32
        %dma_start3A_1108 = tpu.memref_slice %arg12[%dma_start3A_1106, %dma_start3A_1107] : memref<512x64xf32, #tpu.memory_space<vmem>> -> memref<64x64xf32, #tpu.memory_space<vmem>>
        %dma_start3A_1109 = arith.constant 0 : i32
        %dma_start3A_1110 = arith.constant 0 : i32
        %dma_start3A_1111 = tpu.memref_slice %arg2[%add3A_1105, %dma_start3A_1109, %dma_start3A_1110] : memref<4096x64x64xf32, #tpu.memory_space<hbm>> -> memref<1x64x64xf32, #tpu.memory_space<hbm>>
        %dma_start3A_1112 = tpu.memref_squeeze %dma_start3A_1111 : memref<1x64x64xf32, #tpu.memory_space<hbm>> -> memref<64x64xf32, #tpu.memory_space<hbm>>
        %dma_start3A_1113 = arith.constant 64 : i32
        %dma_start3A_1114 = arith.constant 0 : i32
        %dma_start3A_1115 = tpu.memref_slice %arg12[%dma_start3A_1113, %dma_start3A_1114] : memref<512x64xf32, #tpu.memory_space<vmem>> -> memref<64x64xf32, #tpu.memory_space<vmem>>
        %dma_start3A_1116 = arith.constant 0 : i32
        %dma_start3A_1117 = arith.constant 0 : i32
        %dma_start3A_1118 = tpu.memref_slice %arg2[%add3A_1105, %dma_start3A_1116, %dma_start3A_1117] : memref<4096x64x64xf32, #tpu.memory_space<hbm>> -> memref<1x64x64xf32, #tpu.memory_space<hbm>>
        %dma_start3A_1119 = tpu.memref_squeeze %dma_start3A_1118 : memref<1x64x64xf32, #tpu.memory_space<hbm>> -> memref<64x64xf32, #tpu.memory_space<hbm>>
        tpu.enqueue_dma source(%dma_start3A_1119 : memref<64x64xf32, #tpu.memory_space<hbm>>) target(%dma_start3A_1115 : memref<64x64xf32, #tpu.memory_space<vmem>>) target_semaphore(%arg18 : memref<!tpu.dma_semaphore, #tpu.memory_space<semaphore_mem>>)
        %add3A_1120 = arith.constant 1 : i32
        %add3A_1121 = arith.addi %add3A_1071, %add3A_1120 : i32
        %dma_start3A_1122 = arith.constant 8 : i32
        %dma_start3A_1123 = arith.constant 0 : i32
        %dma_start3A_1124 = tpu.memref_slice %arg14[%dma_start3A_1122, %dma_start3A_1123] : memref<64x24xf32, #tpu.memory_space<vmem>> -> memref<8x24xf32, #tpu.memory_space<vmem>>
        %dma_start3A_1125 = arith.constant 0 : i32
        %dma_start3A_1126 = arith.constant 0 : i32
        %dma_start3A_1127 = tpu.memref_slice %arg3[%add3A_1121, %dma_start3A_1125, %dma_start3A_1126] : memref<4096x8x24xf32, #tpu.memory_space<hbm>> -> memref<1x8x24xf32, #tpu.memory_space<hbm>>
        %dma_start3A_1128 = tpu.memref_squeeze %dma_start3A_1127 : memref<1x8x24xf32, #tpu.memory_space<hbm>> -> memref<8x24xf32, #tpu.memory_space<hbm>>
        %dma_start3A_1129 = arith.constant 8 : i32
        %dma_start3A_1130 = arith.constant 0 : i32
        %dma_start3A_1131 = tpu.memref_slice %arg14[%dma_start3A_1129, %dma_start3A_1130] : memref<64x24xf32, #tpu.memory_space<vmem>> -> memref<8x24xf32, #tpu.memory_space<vmem>>
        %dma_start3A_1132 = arith.constant 0 : i32
        %dma_start3A_1133 = arith.constant 0 : i32
        %dma_start3A_1134 = tpu.memref_slice %arg3[%add3A_1121, %dma_start3A_1132, %dma_start3A_1133] : memref<4096x8x24xf32, #tpu.memory_space<hbm>> -> memref<1x8x24xf32, #tpu.memory_space<hbm>>
        %dma_start3A_1135 = tpu.memref_squeeze %dma_start3A_1134 : memref<1x8x24xf32, #tpu.memory_space<hbm>> -> memref<8x24xf32, #tpu.memory_space<hbm>>
        tpu.enqueue_dma source(%dma_start3A_1135 : memref<8x24xf32, #tpu.memory_space<hbm>>) target(%dma_start3A_1131 : memref<8x24xf32, #tpu.memory_space<vmem>>) target_semaphore(%arg18 : memref<!tpu.dma_semaphore, #tpu.memory_space<semaphore_mem>>)
        %add3A_1136 = arith.constant 2 : i32
        %add3A_1137 = arith.addi %add3A_1071, %add3A_1136 : i32
        %dma_start3A_1138 = arith.constant 128 : i32
        %dma_start3A_1139 = arith.constant 0 : i32
        %dma_start3A_1140 = tpu.memref_slice %arg12[%dma_start3A_1138, %dma_start3A_1139] : memref<512x64xf32, #tpu.memory_space<vmem>> -> memref<64x64xf32, #tpu.memory_space<vmem>>
        %dma_start3A_1141 = arith.constant 0 : i32
        %dma_start3A_1142 = arith.constant 0 : i32
        %dma_start3A_1143 = tpu.memref_slice %arg2[%add3A_1137, %dma_start3A_1141, %dma_start3A_1142] : memref<4096x64x64xf32, #tpu.memory_space<hbm>> -> memref<1x64x64xf32, #tpu.memory_space<hbm>>
        %dma_start3A_1144 = tpu.memref_squeeze %dma_start3A_1143 : memref<1x64x64xf32, #tpu.memory_space<hbm>> -> memref<64x64xf32, #tpu.memory_space<hbm>>
        %dma_start3A_1145 = arith.constant 128 : i32
        %dma_start3A_1146 = arith.constant 0 : i32
        %dma_start3A_1147 = tpu.memref_slice %arg12[%dma_start3A_1145, %dma_start3A_1146] : memref<512x64xf32, #tpu.memory_space<vmem>> -> memref<64x64xf32, #tpu.memory_space<vmem>>
        %dma_start3A_1148 = arith.constant 0 : i32
        %dma_start3A_1149 = arith.constant 0 : i32
        %dma_start3A_1150 = tpu.memref_slice %arg2[%add3A_1137, %dma_start3A_1148, %dma_start3A_1149] : memref<4096x64x64xf32, #tpu.memory_space<hbm>> -> memref<1x64x64xf32, #tpu.memory_space<hbm>>
        %dma_start3A_1151 = tpu.memref_squeeze %dma_start3A_1150 : memref<1x64x64xf32, #tpu.memory_space<hbm>> -> memref<64x64xf32, #tpu.memory_space<hbm>>
        tpu.enqueue_dma source(%dma_start3A_1151 : memref<64x64xf32, #tpu.memory_space<hbm>>) target(%dma_start3A_1147 : memref<64x64xf32, #tpu.memory_space<vmem>>) target_semaphore(%arg18 : memref<!tpu.dma_semaphore, #tpu.memory_space<semaphore_mem>>)
        %add3A_1152 = arith.constant 2 : i32
        %add3A_1153 = arith.addi %add3A_1071, %add3A_1152 : i32
        %dma_start3A_1154 = arith.constant 16 : i32
        %dma_start3A_1155 = arith.constant 0 : i32
        %dma_start3A_1156 = tpu.memref_slice %arg14[%dma_start3A_1154, %dma_start3A_1155] : memref<64x24xf32, #tpu.memory_space<vmem>> -> memref<8x24xf32, #tpu.memory_space<vmem>>
        %dma_start3A_1157 = arith.constant 0 : i32
        %dma_start3A_1158 = arith.constant 0 : i32
        %dma_start3A_1159 = tpu.memref_slice %arg3[%add3A_1153, %dma_start3A_1157, %dma_start3A_1158] : memref<4096x8x24xf32, #tpu.memory_space<hbm>> -> memref<1x8x24xf32, #tpu.memory_space<hbm>>
        %dma_start3A_1160 = tpu.memref_squeeze %dma_start3A_1159 : memref<1x8x24xf32, #tpu.memory_space<hbm>> -> memref<8x24xf32, #tpu.memory_space<hbm>>
        %dma_start3A_1161 = arith.constant 16 : i32
        %dma_start3A_1162 = arith.constant 0 : i32
        %dma_start3A_1163 = tpu.memref_slice %arg14[%dma_start3A_1161, %dma_start3A_1162] : memref<64x24xf32, #tpu.memory_space<vmem>> -> memref<8x24xf32, #tpu.memory_space<vmem>>
        %dma_start3A_1164 = arith.constant 0 : i32
        %dma_start3A_1165 = arith.constant 0 : i32
        %dma_start3A_1166 = tpu.memref_slice %arg3[%add3A_1153, %dma_start3A_1164, %dma_start3A_1165] : memref<4096x8x24xf32, #tpu.memory_space<hbm>> -> memref<1x8x24xf32, #tpu.memory_space<hbm>>
        %dma_start3A_1167 = tpu.memref_squeeze %dma_start3A_1166 : memref<1x8x24xf32, #tpu.memory_space<hbm>> -> memref<8x24xf32, #tpu.memory_space<hbm>>
        tpu.enqueue_dma source(%dma_start3A_1167 : memref<8x24xf32, #tpu.memory_space<hbm>>) target(%dma_start3A_1163 : memref<8x24xf32, #tpu.memory_space<vmem>>) target_semaphore(%arg18 : memref<!tpu.dma_semaphore, #tpu.memory_space<semaphore_mem>>)
        %add3A_1168 = arith.constant 3 : i32
        %add3A_1169 = arith.addi %add3A_1071, %add3A_1168 : i32
        %dma_start3A_1170 = arith.constant 192 : i32
        %dma_start3A_1171 = arith.constant 0 : i32
        %dma_start3A_1172 = tpu.memref_slice %arg12[%dma_start3A_1170, %dma_start3A_1171] : memref<512x64xf32, #tpu.memory_space<vmem>> -> memref<64x64xf32, #tpu.memory_space<vmem>>
        %dma_start3A_1173 = arith.constant 0 : i32
        %dma_start3A_1174 = arith.constant 0 : i32
        %dma_start3A_1175 = tpu.memref_slice %arg2[%add3A_1169, %dma_start3A_1173, %dma_start3A_1174] : memref<4096x64x64xf32, #tpu.memory_space<hbm>> -> memref<1x64x64xf32, #tpu.memory_space<hbm>>
        %dma_start3A_1176 = tpu.memref_squeeze %dma_start3A_1175 : memref<1x64x64xf32, #tpu.memory_space<hbm>> -> memref<64x64xf32, #tpu.memory_space<hbm>>
        %dma_start3A_1177 = arith.constant 192 : i32
        %dma_start3A_1178 = arith.constant 0 : i32
        %dma_start3A_1179 = tpu.memref_slice %arg12[%dma_start3A_1177, %dma_start3A_1178] : memref<512x64xf32, #tpu.memory_space<vmem>> -> memref<64x64xf32, #tpu.memory_space<vmem>>
        %dma_start3A_1180 = arith.constant 0 : i32
        %dma_start3A_1181 = arith.constant 0 : i32
        %dma_start3A_1182 = tpu.memref_slice %arg2[%add3A_1169, %dma_start3A_1180, %dma_start3A_1181] : memref<4096x64x64xf32, #tpu.memory_space<hbm>> -> memref<1x64x64xf32, #tpu.memory_space<hbm>>
        %dma_start3A_1183 = tpu.memref_squeeze %dma_start3A_1182 : memref<1x64x64xf32, #tpu.memory_space<hbm>> -> memref<64x64xf32, #tpu.memory_space<hbm>>
        tpu.enqueue_dma source(%dma_start3A_1183 : memref<64x64xf32, #tpu.memory_space<hbm>>) target(%dma_start3A_1179 : memref<64x64xf32, #tpu.memory_space<vmem>>) target_semaphore(%arg18 : memref<!tpu.dma_semaphore, #tpu.memory_space<semaphore_mem>>)
        %add3A_1184 = arith.constant 3 : i32
        %add3A_1185 = arith.addi %add3A_1071, %add3A_1184 : i32
        %dma_start3A_1186 = arith.constant 24 : i32
        %dma_start3A_1187 = arith.constant 0 : i32
        %dma_start3A_1188 = tpu.memref_slice %arg14[%dma_start3A_1186, %dma_start3A_1187] : memref<64x24xf32, #tpu.memory_space<vmem>> -> memref<8x24xf32, #tpu.memory_space<vmem>>
        %dma_start3A_1189 = arith.constant 0 : i32
        %dma_start3A_1190 = arith.constant 0 : i32
        %dma_start3A_1191 = tpu.memref_slice %arg3[%add3A_1185, %dma_start3A_1189, %dma_start3A_1190] : memref<4096x8x24xf32, #tpu.memory_space<hbm>> -> memref<1x8x24xf32, #tpu.memory_space<hbm>>
        %dma_start3A_1192 = tpu.memref_squeeze %dma_start3A_1191 : memref<1x8x24xf32, #tpu.memory_space<hbm>> -> memref<8x24xf32, #tpu.memory_space<hbm>>
        %dma_start3A_1193 = arith.constant 24 : i32
        %dma_start3A_1194 = arith.constant 0 : i32
        %dma_start3A_1195 = tpu.memref_slice %arg14[%dma_start3A_1193, %dma_start3A_1194] : memref<64x24xf32, #tpu.memory_space<vmem>> -> memref<8x24xf32, #tpu.memory_space<vmem>>
        %dma_start3A_1196 = arith.constant 0 : i32
        %dma_start3A_1197 = arith.constant 0 : i32
        %dma_start3A_1198 = tpu.memref_slice %arg3[%add3A_1185, %dma_start3A_1196, %dma_start3A_1197] : memref<4096x8x24xf32, #tpu.memory_space<hbm>> -> memref<1x8x24xf32, #tpu.memory_space<hbm>>
        %dma_start3A_1199 = tpu.memref_squeeze %dma_start3A_1198 : memref<1x8x24xf32, #tpu.memory_space<hbm>> -> memref<8x24xf32, #tpu.memory_space<hbm>>
        tpu.enqueue_dma source(%dma_start3A_1199 : memref<8x24xf32, #tpu.memory_space<hbm>>) target(%dma_start3A_1195 : memref<8x24xf32, #tpu.memory_space<vmem>>) target_semaphore(%arg18 : memref<!tpu.dma_semaphore, #tpu.memory_space<semaphore_mem>>)
        %add3A_1200 = arith.constant 4 : i32
        %add3A_1201 = arith.addi %add3A_1071, %add3A_1200 : i32
        %dma_start3A_1202 = arith.constant 256 : i32
        %dma_start3A_1203 = arith.constant 0 : i32
        %dma_start3A_1204 = tpu.memref_slice %arg12[%dma_start3A_1202, %dma_start3A_1203] : memref<512x64xf32, #tpu.memory_space<vmem>> -> memref<64x64xf32, #tpu.memory_space<vmem>>
        %dma_start3A_1205 = arith.constant 0 : i32
        %dma_start3A_1206 = arith.constant 0 : i32
        %dma_start3A_1207 = tpu.memref_slice %arg2[%add3A_1201, %dma_start3A_1205, %dma_start3A_1206] : memref<4096x64x64xf32, #tpu.memory_space<hbm>> -> memref<1x64x64xf32, #tpu.memory_space<hbm>>
        %dma_start3A_1208 = tpu.memref_squeeze %dma_start3A_1207 : memref<1x64x64xf32, #tpu.memory_space<hbm>> -> memref<64x64xf32, #tpu.memory_space<hbm>>
        %dma_start3A_1209 = arith.constant 256 : i32
        %dma_start3A_1210 = arith.constant 0 : i32
        %dma_start3A_1211 = tpu.memref_slice %arg12[%dma_start3A_1209, %dma_start3A_1210] : memref<512x64xf32, #tpu.memory_space<vmem>> -> memref<64x64xf32, #tpu.memory_space<vmem>>
        %dma_start3A_1212 = arith.constant 0 : i32
        %dma_start3A_1213 = arith.constant 0 : i32
        %dma_start3A_1214 = tpu.memref_slice %arg2[%add3A_1201, %dma_start3A_1212, %dma_start3A_1213] : memref<4096x64x64xf32, #tpu.memory_space<hbm>> -> memref<1x64x64xf32, #tpu.memory_space<hbm>>
        %dma_start3A_1215 = tpu.memref_squeeze %dma_start3A_1214 : memref<1x64x64xf32, #tpu.memory_space<hbm>> -> memref<64x64xf32, #tpu.memory_space<hbm>>
        tpu.enqueue_dma source(%dma_start3A_1215 : memref<64x64xf32, #tpu.memory_space<hbm>>) target(%dma_start3A_1211 : memref<64x64xf32, #tpu.memory_space<vmem>>) target_semaphore(%arg18 : memref<!tpu.dma_semaphore, #tpu.memory_space<semaphore_mem>>)
        %add3A_1216 = arith.constant 4 : i32
        %add3A_1217 = arith.addi %add3A_1071, %add3A_1216 : i32
        %dma_start3A_1218 = arith.constant 32 : i32
        %dma_start3A_1219 = arith.constant 0 : i32
        %dma_start3A_1220 = tpu.memref_slice %arg14[%dma_start3A_1218, %dma_start3A_1219] : memref<64x24xf32, #tpu.memory_space<vmem>> -> memref<8x24xf32, #tpu.memory_space<vmem>>
        %dma_start3A_1221 = arith.constant 0 : i32
        %dma_start3A_1222 = arith.constant 0 : i32
        %dma_start3A_1223 = tpu.memref_slice %arg3[%add3A_1217, %dma_start3A_1221, %dma_start3A_1222] : memref<4096x8x24xf32, #tpu.memory_space<hbm>> -> memref<1x8x24xf32, #tpu.memory_space<hbm>>
        %dma_start3A_1224 = tpu.memref_squeeze %dma_start3A_1223 : memref<1x8x24xf32, #tpu.memory_space<hbm>> -> memref<8x24xf32, #tpu.memory_space<hbm>>
        %dma_start3A_1225 = arith.constant 32 : i32
        %dma_start3A_1226 = arith.constant 0 : i32
        %dma_start3A_1227 = tpu.memref_slice %arg14[%dma_start3A_1225, %dma_start3A_1226] : memref<64x24xf32, #tpu.memory_space<vmem>> -> memref<8x24xf32, #tpu.memory_space<vmem>>
        %dma_start3A_1228 = arith.constant 0 : i32
        %dma_start3A_1229 = arith.constant 0 : i32
        %dma_start3A_1230 = tpu.memref_slice %arg3[%add3A_1217, %dma_start3A_1228, %dma_start3A_1229] : memref<4096x8x24xf32, #tpu.memory_space<hbm>> -> memref<1x8x24xf32, #tpu.memory_space<hbm>>
        %dma_start3A_1231 = tpu.memref_squeeze %dma_start3A_1230 : memref<1x8x24xf32, #tpu.memory_space<hbm>> -> memref<8x24xf32, #tpu.memory_space<hbm>>
        tpu.enqueue_dma source(%dma_start3A_1231 : memref<8x24xf32, #tpu.memory_space<hbm>>) target(%dma_start3A_1227 : memref<8x24xf32, #tpu.memory_space<vmem>>) target_semaphore(%arg18 : memref<!tpu.dma_semaphore, #tpu.memory_space<semaphore_mem>>)
        %add3A_1232 = arith.constant 5 : i32
        %add3A_1233 = arith.addi %add3A_1071, %add3A_1232 : i32
        %dma_start3A_1234 = arith.constant 320 : i32
        %dma_start3A_1235 = arith.constant 0 : i32
        %dma_start3A_1236 = tpu.memref_slice %arg12[%dma_start3A_1234, %dma_start3A_1235] : memref<512x64xf32, #tpu.memory_space<vmem>> -> memref<64x64xf32, #tpu.memory_space<vmem>>
        %dma_start3A_1237 = arith.constant 0 : i32
        %dma_start3A_1238 = arith.constant 0 : i32
        %dma_start3A_1239 = tpu.memref_slice %arg2[%add3A_1233, %dma_start3A_1237, %dma_start3A_1238] : memref<4096x64x64xf32, #tpu.memory_space<hbm>> -> memref<1x64x64xf32, #tpu.memory_space<hbm>>
        %dma_start3A_1240 = tpu.memref_squeeze %dma_start3A_1239 : memref<1x64x64xf32, #tpu.memory_space<hbm>> -> memref<64x64xf32, #tpu.memory_space<hbm>>
        %dma_start3A_1241 = arith.constant 320 : i32
        %dma_start3A_1242 = arith.constant 0 : i32
        %dma_start3A_1243 = tpu.memref_slice %arg12[%dma_start3A_1241, %dma_start3A_1242] : memref<512x64xf32, #tpu.memory_space<vmem>> -> memref<64x64xf32, #tpu.memory_space<vmem>>
        %dma_start3A_1244 = arith.constant 0 : i32
        %dma_start3A_1245 = arith.constant 0 : i32
        %dma_start3A_1246 = tpu.memref_slice %arg2[%add3A_1233, %dma_start3A_1244, %dma_start3A_1245] : memref<4096x64x64xf32, #tpu.memory_space<hbm>> -> memref<1x64x64xf32, #tpu.memory_space<hbm>>
        %dma_start3A_1247 = tpu.memref_squeeze %dma_start3A_1246 : memref<1x64x64xf32, #tpu.memory_space<hbm>> -> memref<64x64xf32, #tpu.memory_space<hbm>>
        tpu.enqueue_dma source(%dma_start3A_1247 : memref<64x64xf32, #tpu.memory_space<hbm>>) target(%dma_start3A_1243 : memref<64x64xf32, #tpu.memory_space<vmem>>) target_semaphore(%arg18 : memref<!tpu.dma_semaphore, #tpu.memory_space<semaphore_mem>>)
        %add3A_1248 = arith.constant 5 : i32
        %add3A_1249 = arith.addi %add3A_1071, %add3A_1248 : i32
        %dma_start3A_1250 = arith.constant 40 : i32
        %dma_start3A_1251 = arith.constant 0 : i32
        %dma_start3A_1252 = tpu.memref_slice %arg14[%dma_start3A_1250, %dma_start3A_1251] : memref<64x24xf32, #tpu.memory_space<vmem>> -> memref<8x24xf32, #tpu.memory_space<vmem>>
        %dma_start3A_1253 = arith.constant 0 : i32
        %dma_start3A_1254 = arith.constant 0 : i32
        %dma_start3A_1255 = tpu.memref_slice %arg3[%add3A_1249, %dma_start3A_1253, %dma_start3A_1254] : memref<4096x8x24xf32, #tpu.memory_space<hbm>> -> memref<1x8x24xf32, #tpu.memory_space<hbm>>
        %dma_start3A_1256 = tpu.memref_squeeze %dma_start3A_1255 : memref<1x8x24xf32, #tpu.memory_space<hbm>> -> memref<8x24xf32, #tpu.memory_space<hbm>>
        %dma_start3A_1257 = arith.constant 40 : i32
        %dma_start3A_1258 = arith.constant 0 : i32
        %dma_start3A_1259 = tpu.memref_slice %arg14[%dma_start3A_1257, %dma_start3A_1258] : memref<64x24xf32, #tpu.memory_space<vmem>> -> memref<8x24xf32, #tpu.memory_space<vmem>>
        %dma_start3A_1260 = arith.constant 0 : i32
        %dma_start3A_1261 = arith.constant 0 : i32
        %dma_start3A_1262 = tpu.memref_slice %arg3[%add3A_1249, %dma_start3A_1260, %dma_start3A_1261] : memref<4096x8x24xf32, #tpu.memory_space<hbm>> -> memref<1x8x24xf32, #tpu.memory_space<hbm>>
        %dma_start3A_1263 = tpu.memref_squeeze %dma_start3A_1262 : memref<1x8x24xf32, #tpu.memory_space<hbm>> -> memref<8x24xf32, #tpu.memory_space<hbm>>
        tpu.enqueue_dma source(%dma_start3A_1263 : memref<8x24xf32, #tpu.memory_space<hbm>>) target(%dma_start3A_1259 : memref<8x24xf32, #tpu.memory_space<vmem>>) target_semaphore(%arg18 : memref<!tpu.dma_semaphore, #tpu.memory_space<semaphore_mem>>)
        %add3A_1264 = arith.constant 6 : i32
        %add3A_1265 = arith.addi %add3A_1071, %add3A_1264 : i32
        %dma_start3A_1266 = arith.constant 384 : i32
        %dma_start3A_1267 = arith.constant 0 : i32
        %dma_start3A_1268 = tpu.memref_slice %arg12[%dma_start3A_1266, %dma_start3A_1267] : memref<512x64xf32, #tpu.memory_space<vmem>> -> memref<64x64xf32, #tpu.memory_space<vmem>>
        %dma_start3A_1269 = arith.constant 0 : i32
        %dma_start3A_1270 = arith.constant 0 : i32
        %dma_start3A_1271 = tpu.memref_slice %arg2[%add3A_1265, %dma_start3A_1269, %dma_start3A_1270] : memref<4096x64x64xf32, #tpu.memory_space<hbm>> -> memref<1x64x64xf32, #tpu.memory_space<hbm>>
        %dma_start3A_1272 = tpu.memref_squeeze %dma_start3A_1271 : memref<1x64x64xf32, #tpu.memory_space<hbm>> -> memref<64x64xf32, #tpu.memory_space<hbm>>
        %dma_start3A_1273 = arith.constant 384 : i32
        %dma_start3A_1274 = arith.constant 0 : i32
        %dma_start3A_1275 = tpu.memref_slice %arg12[%dma_start3A_1273, %dma_start3A_1274] : memref<512x64xf32, #tpu.memory_space<vmem>> -> memref<64x64xf32, #tpu.memory_space<vmem>>
        %dma_start3A_1276 = arith.constant 0 : i32
        %dma_start3A_1277 = arith.constant 0 : i32
        %dma_start3A_1278 = tpu.memref_slice %arg2[%add3A_1265, %dma_start3A_1276, %dma_start3A_1277] : memref<4096x64x64xf32, #tpu.memory_space<hbm>> -> memref<1x64x64xf32, #tpu.memory_space<hbm>>
        %dma_start3A_1279 = tpu.memref_squeeze %dma_start3A_1278 : memref<1x64x64xf32, #tpu.memory_space<hbm>> -> memref<64x64xf32, #tpu.memory_space<hbm>>
        tpu.enqueue_dma source(%dma_start3A_1279 : memref<64x64xf32, #tpu.memory_space<hbm>>) target(%dma_start3A_1275 : memref<64x64xf32, #tpu.memory_space<vmem>>) target_semaphore(%arg18 : memref<!tpu.dma_semaphore, #tpu.memory_space<semaphore_mem>>)
        %add3A_1280 = arith.constant 6 : i32
        %add3A_1281 = arith.addi %add3A_1071, %add3A_1280 : i32
        %dma_start3A_1282 = arith.constant 48 : i32
        %dma_start3A_1283 = arith.constant 0 : i32
        %dma_start3A_1284 = tpu.memref_slice %arg14[%dma_start3A_1282, %dma_start3A_1283] : memref<64x24xf32, #tpu.memory_space<vmem>> -> memref<8x24xf32, #tpu.memory_space<vmem>>
        %dma_start3A_1285 = arith.constant 0 : i32
        %dma_start3A_1286 = arith.constant 0 : i32
        %dma_start3A_1287 = tpu.memref_slice %arg3[%add3A_1281, %dma_start3A_1285, %dma_start3A_1286] : memref<4096x8x24xf32, #tpu.memory_space<hbm>> -> memref<1x8x24xf32, #tpu.memory_space<hbm>>
        %dma_start3A_1288 = tpu.memref_squeeze %dma_start3A_1287 : memref<1x8x24xf32, #tpu.memory_space<hbm>> -> memref<8x24xf32, #tpu.memory_space<hbm>>
        %dma_start3A_1289 = arith.constant 48 : i32
        %dma_start3A_1290 = arith.constant 0 : i32
        %dma_start3A_1291 = tpu.memref_slice %arg14[%dma_start3A_1289, %dma_start3A_1290] : memref<64x24xf32, #tpu.memory_space<vmem>> -> memref<8x24xf32, #tpu.memory_space<vmem>>
        %dma_start3A_1292 = arith.constant 0 : i32
        %dma_start3A_1293 = arith.constant 0 : i32
        %dma_start3A_1294 = tpu.memref_slice %arg3[%add3A_1281, %dma_start3A_1292, %dma_start3A_1293] : memref<4096x8x24xf32, #tpu.memory_space<hbm>> -> memref<1x8x24xf32, #tpu.memory_space<hbm>>
        %dma_start3A_1295 = tpu.memref_squeeze %dma_start3A_1294 : memref<1x8x24xf32, #tpu.memory_space<hbm>> -> memref<8x24xf32, #tpu.memory_space<hbm>>
        tpu.enqueue_dma source(%dma_start3A_1295 : memref<8x24xf32, #tpu.memory_space<hbm>>) target(%dma_start3A_1291 : memref<8x24xf32, #tpu.memory_space<vmem>>) target_semaphore(%arg18 : memref<!tpu.dma_semaphore, #tpu.memory_space<semaphore_mem>>)
        %add3A_1296 = arith.constant 7 : i32
        %add3A_1297 = arith.addi %add3A_1071, %add3A_1296 : i32
        %dma_start3A_1298 = arith.constant 448 : i32
        %dma_start3A_1299 = arith.constant 0 : i32
        %dma_start3A_1300 = tpu.memref_slice %arg12[%dma_start3A_1298, %dma_start3A_1299] : memref<512x64xf32, #tpu.memory_space<vmem>> -> memref<64x64xf32, #tpu.memory_space<vmem>>
        %dma_start3A_1301 = arith.constant 0 : i32
        %dma_start3A_1302 = arith.constant 0 : i32
        %dma_start3A_1303 = tpu.memref_slice %arg2[%add3A_1297, %dma_start3A_1301, %dma_start3A_1302] : memref<4096x64x64xf32, #tpu.memory_space<hbm>> -> memref<1x64x64xf32, #tpu.memory_space<hbm>>
        %dma_start3A_1304 = tpu.memref_squeeze %dma_start3A_1303 : memref<1x64x64xf32, #tpu.memory_space<hbm>> -> memref<64x64xf32, #tpu.memory_space<hbm>>
        %dma_start3A_1305 = arith.constant 448 : i32
        %dma_start3A_1306 = arith.constant 0 : i32
        %dma_start3A_1307 = tpu.memref_slice %arg12[%dma_start3A_1305, %dma_start3A_1306] : memref<512x64xf32, #tpu.memory_space<vmem>> -> memref<64x64xf32, #tpu.memory_space<vmem>>
        %dma_start3A_1308 = arith.constant 0 : i32
        %dma_start3A_1309 = arith.constant 0 : i32
        %dma_start3A_1310 = tpu.memref_slice %arg2[%add3A_1297, %dma_start3A_1308, %dma_start3A_1309] : memref<4096x64x64xf32, #tpu.memory_space<hbm>> -> memref<1x64x64xf32, #tpu.memory_space<hbm>>
        %dma_start3A_1311 = tpu.memref_squeeze %dma_start3A_1310 : memref<1x64x64xf32, #tpu.memory_space<hbm>> -> memref<64x64xf32, #tpu.memory_space<hbm>>
        tpu.enqueue_dma source(%dma_start3A_1311 : memref<64x64xf32, #tpu.memory_space<hbm>>) target(%dma_start3A_1307 : memref<64x64xf32, #tpu.memory_space<vmem>>) target_semaphore(%arg18 : memref<!tpu.dma_semaphore, #tpu.memory_space<semaphore_mem>>)
        %add3A_1312 = arith.constant 7 : i32
        %add3A_1313 = arith.addi %add3A_1071, %add3A_1312 : i32
        %dma_start3A_1314 = arith.constant 56 : i32
        %dma_start3A_1315 = arith.constant 0 : i32
        %dma_start3A_1316 = tpu.memref_slice %arg14[%dma_start3A_1314, %dma_start3A_1315] : memref<64x24xf32, #tpu.memory_space<vmem>> -> memref<8x24xf32, #tpu.memory_space<vmem>>
        %dma_start3A_1317 = arith.constant 0 : i32
        %dma_start3A_1318 = arith.constant 0 : i32
        %dma_start3A_1319 = tpu.memref_slice %arg3[%add3A_1313, %dma_start3A_1317, %dma_start3A_1318] : memref<4096x8x24xf32, #tpu.memory_space<hbm>> -> memref<1x8x24xf32, #tpu.memory_space<hbm>>
        %dma_start3A_1320 = tpu.memref_squeeze %dma_start3A_1319 : memref<1x8x24xf32, #tpu.memory_space<hbm>> -> memref<8x24xf32, #tpu.memory_space<hbm>>
        %dma_start3A_1321 = arith.constant 56 : i32
        %dma_start3A_1322 = arith.constant 0 : i32
        %dma_start3A_1323 = tpu.memref_slice %arg14[%dma_start3A_1321, %dma_start3A_1322] : memref<64x24xf32, #tpu.memory_space<vmem>> -> memref<8x24xf32, #tpu.memory_space<vmem>>
        %dma_start3A_1324 = arith.constant 0 : i32
        %dma_start3A_1325 = arith.constant 0 : i32
        %dma_start3A_1326 = tpu.memref_slice %arg3[%add3A_1313, %dma_start3A_1324, %dma_start3A_1325] : memref<4096x8x24xf32, #tpu.memory_space<hbm>> -> memref<1x8x24xf32, #tpu.memory_space<hbm>>
        %dma_start3A_1327 = tpu.memref_squeeze %dma_start3A_1326 : memref<1x8x24xf32, #tpu.memory_space<hbm>> -> memref<8x24xf32, #tpu.memory_space<hbm>>
        tpu.enqueue_dma source(%dma_start3A_1327 : memref<8x24xf32, #tpu.memory_space<hbm>>) target(%dma_start3A_1323 : memref<8x24xf32, #tpu.memory_space<vmem>>) target_semaphore(%arg18 : memref<!tpu.dma_semaphore, #tpu.memory_space<semaphore_mem>>)
      } else {
      }
      %dma_wait3A_802 = arith.constant 0 : i32
      %dma_wait3A_803 = arith.constant 0 : i32
      %dma_wait3A_804 = arith.constant 0 : i32
      %dma_wait3A_805 = tpu.memref_slice %arg13[%dma_wait3A_803, %dma_wait3A_804] : memref<512x64xf32, #tpu.memory_space<vmem>> -> memref<64x64xf32, #tpu.memory_space<vmem>>
      %dma_wait3A_806 = arith.constant 0 : i32
      %dma_wait3A_807 = arith.constant 0 : i32
      %dma_wait3A_808 = tpu.memref_slice %arg2[%dma_wait3A_802, %dma_wait3A_806, %dma_wait3A_807] : memref<4096x64x64xf32, #tpu.memory_space<hbm>> -> memref<1x64x64xf32, #tpu.memory_space<hbm>>
      %dma_wait3A_809 = tpu.memref_squeeze %dma_wait3A_808 : memref<1x64x64xf32, #tpu.memory_space<hbm>> -> memref<64x64xf32, #tpu.memory_space<hbm>>
      %dma_wait3A_810 = arith.constant 0 : i32
      %dma_wait3A_811 = arith.constant 0 : i32
      %dma_wait3A_812 = tpu.memref_slice %arg13[%dma_wait3A_810, %dma_wait3A_811] : memref<512x64xf32, #tpu.memory_space<vmem>> -> memref<64x64xf32, #tpu.memory_space<vmem>>
      %dma_wait3A_813 = arith.constant 0 : i32
      %dma_wait3A_814 = arith.constant 0 : i32
      %dma_wait3A_815 = tpu.memref_slice %arg2[%dma_wait3A_802, %dma_wait3A_813, %dma_wait3A_814] : memref<4096x64x64xf32, #tpu.memory_space<hbm>> -> memref<1x64x64xf32, #tpu.memory_space<hbm>>
      %dma_wait3A_816 = tpu.memref_squeeze %dma_wait3A_815 : memref<1x64x64xf32, #tpu.memory_space<hbm>> -> memref<64x64xf32, #tpu.memory_space<hbm>>
      tpu.wait_dma2 semaphore(%arg19 : memref<!tpu.dma_semaphore, #tpu.memory_space<semaphore_mem>>) src(%dma_wait3A_816 : memref<64x64xf32, #tpu.memory_space<hbm>>) dst(%dma_wait3A_812 : memref<64x64xf32, #tpu.memory_space<vmem>>)
      %dma_wait3A_817 = arith.constant 0 : i32
      %dma_wait3A_818 = arith.constant 0 : i32
      %dma_wait3A_819 = arith.constant 0 : i32
      %dma_wait3A_820 = tpu.memref_slice %arg15[%dma_wait3A_818, %dma_wait3A_819] : memref<64x24xf32, #tpu.memory_space<vmem>> -> memref<8x24xf32, #tpu.memory_space<vmem>>
      %dma_wait3A_821 = arith.constant 0 : i32
      %dma_wait3A_822 = arith.constant 0 : i32
      %dma_wait3A_823 = tpu.memref_slice %arg3[%dma_wait3A_817, %dma_wait3A_821, %dma_wait3A_822] : memref<4096x8x24xf32, #tpu.memory_space<hbm>> -> memref<1x8x24xf32, #tpu.memory_space<hbm>>
      %dma_wait3A_824 = tpu.memref_squeeze %dma_wait3A_823 : memref<1x8x24xf32, #tpu.memory_space<hbm>> -> memref<8x24xf32, #tpu.memory_space<hbm>>
      %dma_wait3A_825 = arith.constant 0 : i32
      %dma_wait3A_826 = arith.constant 0 : i32
      %dma_wait3A_827 = tpu.memref_slice %arg15[%dma_wait3A_825, %dma_wait3A_826] : memref<64x24xf32, #tpu.memory_space<vmem>> -> memref<8x24xf32, #tpu.memory_space<vmem>>
      %dma_wait3A_828 = arith.constant 0 : i32
      %dma_wait3A_829 = arith.constant 0 : i32
      %dma_wait3A_830 = tpu.memref_slice %arg3[%dma_wait3A_817, %dma_wait3A_828, %dma_wait3A_829] : memref<4096x8x24xf32, #tpu.memory_space<hbm>> -> memref<1x8x24xf32, #tpu.memory_space<hbm>>
      %dma_wait3A_831 = tpu.memref_squeeze %dma_wait3A_830 : memref<1x8x24xf32, #tpu.memory_space<hbm>> -> memref<8x24xf32, #tpu.memory_space<hbm>>
      tpu.wait_dma2 semaphore(%arg19 : memref<!tpu.dma_semaphore, #tpu.memory_space<semaphore_mem>>) src(%dma_wait3A_831 : memref<8x24xf32, #tpu.memory_space<hbm>>) dst(%dma_wait3A_827 : memref<8x24xf32, #tpu.memory_space<vmem>>)
      %dma_wait3A_832 = arith.constant 0 : i32
      %dma_wait3A_833 = arith.constant 64 : i32
      %dma_wait3A_834 = arith.constant 0 : i32
      %dma_wait3A_835 = tpu.memref_slice %arg13[%dma_wait3A_833, %dma_wait3A_834] : memref<512x64xf32, #tpu.memory_space<vmem>> -> memref<64x64xf32, #tpu.memory_space<vmem>>
      %dma_wait3A_836 = arith.constant 0 : i32
      %dma_wait3A_837 = arith.constant 0 : i32
      %dma_wait3A_838 = tpu.memref_slice %arg2[%dma_wait3A_832, %dma_wait3A_836, %dma_wait3A_837] : memref<4096x64x64xf32, #tpu.memory_space<hbm>> -> memref<1x64x64xf32, #tpu.memory_space<hbm>>
      %dma_wait3A_839 = tpu.memref_squeeze %dma_wait3A_838 : memref<1x64x64xf32, #tpu.memory_space<hbm>> -> memref<64x64xf32, #tpu.memory_space<hbm>>
      %dma_wait3A_840 = arith.constant 64 : i32
      %dma_wait3A_841 = arith.constant 0 : i32
      %dma_wait3A_842 = tpu.memref_slice %arg13[%dma_wait3A_840, %dma_wait3A_841] : memref<512x64xf32, #tpu.memory_space<vmem>> -> memref<64x64xf32, #tpu.memory_space<vmem>>
      %dma_wait3A_843 = arith.constant 0 : i32
      %dma_wait3A_844 = arith.constant 0 : i32
      %dma_wait3A_845 = tpu.memref_slice %arg2[%dma_wait3A_832, %dma_wait3A_843, %dma_wait3A_844] : memref<4096x64x64xf32, #tpu.memory_space<hbm>> -> memref<1x64x64xf32, #tpu.memory_space<hbm>>
      %dma_wait3A_846 = tpu.memref_squeeze %dma_wait3A_845 : memref<1x64x64xf32, #tpu.memory_space<hbm>> -> memref<64x64xf32, #tpu.memory_space<hbm>>
      tpu.wait_dma2 semaphore(%arg19 : memref<!tpu.dma_semaphore, #tpu.memory_space<semaphore_mem>>) src(%dma_wait3A_846 : memref<64x64xf32, #tpu.memory_space<hbm>>) dst(%dma_wait3A_842 : memref<64x64xf32, #tpu.memory_space<vmem>>)
      %dma_wait3A_847 = arith.constant 0 : i32
      %dma_wait3A_848 = arith.constant 8 : i32
      %dma_wait3A_849 = arith.constant 0 : i32
      %dma_wait3A_850 = tpu.memref_slice %arg15[%dma_wait3A_848, %dma_wait3A_849] : memref<64x24xf32, #tpu.memory_space<vmem>> -> memref<8x24xf32, #tpu.memory_space<vmem>>
      %dma_wait3A_851 = arith.constant 0 : i32
      %dma_wait3A_852 = arith.constant 0 : i32
      %dma_wait3A_853 = tpu.memref_slice %arg3[%dma_wait3A_847, %dma_wait3A_851, %dma_wait3A_852] : memref<4096x8x24xf32, #tpu.memory_space<hbm>> -> memref<1x8x24xf32, #tpu.memory_space<hbm>>
      %dma_wait3A_854 = tpu.memref_squeeze %dma_wait3A_853 : memref<1x8x24xf32, #tpu.memory_space<hbm>> -> memref<8x24xf32, #tpu.memory_space<hbm>>
      %dma_wait3A_855 = arith.constant 8 : i32
      %dma_wait3A_856 = arith.constant 0 : i32
      %dma_wait3A_857 = tpu.memref_slice %arg15[%dma_wait3A_855, %dma_wait3A_856] : memref<64x24xf32, #tpu.memory_space<vmem>> -> memref<8x24xf32, #tpu.memory_space<vmem>>
      %dma_wait3A_858 = arith.constant 0 : i32
      %dma_wait3A_859 = arith.constant 0 : i32
      %dma_wait3A_860 = tpu.memref_slice %arg3[%dma_wait3A_847, %dma_wait3A_858, %dma_wait3A_859] : memref<4096x8x24xf32, #tpu.memory_space<hbm>> -> memref<1x8x24xf32, #tpu.memory_space<hbm>>
      %dma_wait3A_861 = tpu.memref_squeeze %dma_wait3A_860 : memref<1x8x24xf32, #tpu.memory_space<hbm>> -> memref<8x24xf32, #tpu.memory_space<hbm>>
      tpu.wait_dma2 semaphore(%arg19 : memref<!tpu.dma_semaphore, #tpu.memory_space<semaphore_mem>>) src(%dma_wait3A_861 : memref<8x24xf32, #tpu.memory_space<hbm>>) dst(%dma_wait3A_857 : memref<8x24xf32, #tpu.memory_space<vmem>>)
      %dma_wait3A_862 = arith.constant 0 : i32
      %dma_wait3A_863 = arith.constant 128 : i32
      %dma_wait3A_864 = arith.constant 0 : i32
      %dma_wait3A_865 = tpu.memref_slice %arg13[%dma_wait3A_863, %dma_wait3A_864] : memref<512x64xf32, #tpu.memory_space<vmem>> -> memref<64x64xf32, #tpu.memory_space<vmem>>
      %dma_wait3A_866 = arith.constant 0 : i32
      %dma_wait3A_867 = arith.constant 0 : i32
      %dma_wait3A_868 = tpu.memref_slice %arg2[%dma_wait3A_862, %dma_wait3A_866, %dma_wait3A_867] : memref<4096x64x64xf32, #tpu.memory_space<hbm>> -> memref<1x64x64xf32, #tpu.memory_space<hbm>>
      %dma_wait3A_869 = tpu.memref_squeeze %dma_wait3A_868 : memref<1x64x64xf32, #tpu.memory_space<hbm>> -> memref<64x64xf32, #tpu.memory_space<hbm>>
      %dma_wait3A_870 = arith.constant 128 : i32
      %dma_wait3A_871 = arith.constant 0 : i32
      %dma_wait3A_872 = tpu.memref_slice %arg13[%dma_wait3A_870, %dma_wait3A_871] : memref<512x64xf32, #tpu.memory_space<vmem>> -> memref<64x64xf32, #tpu.memory_space<vmem>>
      %dma_wait3A_873 = arith.constant 0 : i32
      %dma_wait3A_874 = arith.constant 0 : i32
      %dma_wait3A_875 = tpu.memref_slice %arg2[%dma_wait3A_862, %dma_wait3A_873, %dma_wait3A_874] : memref<4096x64x64xf32, #tpu.memory_space<hbm>> -> memref<1x64x64xf32, #tpu.memory_space<hbm>>
      %dma_wait3A_876 = tpu.memref_squeeze %dma_wait3A_875 : memref<1x64x64xf32, #tpu.memory_space<hbm>> -> memref<64x64xf32, #tpu.memory_space<hbm>>
      tpu.wait_dma2 semaphore(%arg19 : memref<!tpu.dma_semaphore, #tpu.memory_space<semaphore_mem>>) src(%dma_wait3A_876 : memref<64x64xf32, #tpu.memory_space<hbm>>) dst(%dma_wait3A_872 : memref<64x64xf32, #tpu.memory_space<vmem>>)
      %dma_wait3A_877 = arith.constant 0 : i32
      %dma_wait3A_878 = arith.constant 16 : i32
      %dma_wait3A_879 = arith.constant 0 : i32
      %dma_wait3A_880 = tpu.memref_slice %arg15[%dma_wait3A_878, %dma_wait3A_879] : memref<64x24xf32, #tpu.memory_space<vmem>> -> memref<8x24xf32, #tpu.memory_space<vmem>>
      %dma_wait3A_881 = arith.constant 0 : i32
      %dma_wait3A_882 = arith.constant 0 : i32
      %dma_wait3A_883 = tpu.memref_slice %arg3[%dma_wait3A_877, %dma_wait3A_881, %dma_wait3A_882] : memref<4096x8x24xf32, #tpu.memory_space<hbm>> -> memref<1x8x24xf32, #tpu.memory_space<hbm>>
      %dma_wait3A_884 = tpu.memref_squeeze %dma_wait3A_883 : memref<1x8x24xf32, #tpu.memory_space<hbm>> -> memref<8x24xf32, #tpu.memory_space<hbm>>
      %dma_wait3A_885 = arith.constant 16 : i32
      %dma_wait3A_886 = arith.constant 0 : i32
      %dma_wait3A_887 = tpu.memref_slice %arg15[%dma_wait3A_885, %dma_wait3A_886] : memref<64x24xf32, #tpu.memory_space<vmem>> -> memref<8x24xf32, #tpu.memory_space<vmem>>
      %dma_wait3A_888 = arith.constant 0 : i32
      %dma_wait3A_889 = arith.constant 0 : i32
      %dma_wait3A_890 = tpu.memref_slice %arg3[%dma_wait3A_877, %dma_wait3A_888, %dma_wait3A_889] : memref<4096x8x24xf32, #tpu.memory_space<hbm>> -> memref<1x8x24xf32, #tpu.memory_space<hbm>>
      %dma_wait3A_891 = tpu.memref_squeeze %dma_wait3A_890 : memref<1x8x24xf32, #tpu.memory_space<hbm>> -> memref<8x24xf32, #tpu.memory_space<hbm>>
      tpu.wait_dma2 semaphore(%arg19 : memref<!tpu.dma_semaphore, #tpu.memory_space<semaphore_mem>>) src(%dma_wait3A_891 : memref<8x24xf32, #tpu.memory_space<hbm>>) dst(%dma_wait3A_887 : memref<8x24xf32, #tpu.memory_space<vmem>>)
      %dma_wait3A_892 = arith.constant 0 : i32
      %dma_wait3A_893 = arith.constant 192 : i32
      %dma_wait3A_894 = arith.constant 0 : i32
      %dma_wait3A_895 = tpu.memref_slice %arg13[%dma_wait3A_893, %dma_wait3A_894] : memref<512x64xf32, #tpu.memory_space<vmem>> -> memref<64x64xf32, #tpu.memory_space<vmem>>
      %dma_wait3A_896 = arith.constant 0 : i32
      %dma_wait3A_897 = arith.constant 0 : i32
      %dma_wait3A_898 = tpu.memref_slice %arg2[%dma_wait3A_892, %dma_wait3A_896, %dma_wait3A_897] : memref<4096x64x64xf32, #tpu.memory_space<hbm>> -> memref<1x64x64xf32, #tpu.memory_space<hbm>>
      %dma_wait3A_899 = tpu.memref_squeeze %dma_wait3A_898 : memref<1x64x64xf32, #tpu.memory_space<hbm>> -> memref<64x64xf32, #tpu.memory_space<hbm>>
      %dma_wait3A_900 = arith.constant 192 : i32
      %dma_wait3A_901 = arith.constant 0 : i32
      %dma_wait3A_902 = tpu.memref_slice %arg13[%dma_wait3A_900, %dma_wait3A_901] : memref<512x64xf32, #tpu.memory_space<vmem>> -> memref<64x64xf32, #tpu.memory_space<vmem>>
      %dma_wait3A_903 = arith.constant 0 : i32
      %dma_wait3A_904 = arith.constant 0 : i32
      %dma_wait3A_905 = tpu.memref_slice %arg2[%dma_wait3A_892, %dma_wait3A_903, %dma_wait3A_904] : memref<4096x64x64xf32, #tpu.memory_space<hbm>> -> memref<1x64x64xf32, #tpu.memory_space<hbm>>
      %dma_wait3A_906 = tpu.memref_squeeze %dma_wait3A_905 : memref<1x64x64xf32, #tpu.memory_space<hbm>> -> memref<64x64xf32, #tpu.memory_space<hbm>>
      tpu.wait_dma2 semaphore(%arg19 : memref<!tpu.dma_semaphore, #tpu.memory_space<semaphore_mem>>) src(%dma_wait3A_906 : memref<64x64xf32, #tpu.memory_space<hbm>>) dst(%dma_wait3A_902 : memref<64x64xf32, #tpu.memory_space<vmem>>)
      %dma_wait3A_907 = arith.constant 0 : i32
      %dma_wait3A_908 = arith.constant 24 : i32
      %dma_wait3A_909 = arith.constant 0 : i32
      %dma_wait3A_910 = tpu.memref_slice %arg15[%dma_wait3A_908, %dma_wait3A_909] : memref<64x24xf32, #tpu.memory_space<vmem>> -> memref<8x24xf32, #tpu.memory_space<vmem>>
      %dma_wait3A_911 = arith.constant 0 : i32
      %dma_wait3A_912 = arith.constant 0 : i32
      %dma_wait3A_913 = tpu.memref_slice %arg3[%dma_wait3A_907, %dma_wait3A_911, %dma_wait3A_912] : memref<4096x8x24xf32, #tpu.memory_space<hbm>> -> memref<1x8x24xf32, #tpu.memory_space<hbm>>
      %dma_wait3A_914 = tpu.memref_squeeze %dma_wait3A_913 : memref<1x8x24xf32, #tpu.memory_space<hbm>> -> memref<8x24xf32, #tpu.memory_space<hbm>>
      %dma_wait3A_915 = arith.constant 24 : i32
      %dma_wait3A_916 = arith.constant 0 : i32
      %dma_wait3A_917 = tpu.memref_slice %arg15[%dma_wait3A_915, %dma_wait3A_916] : memref<64x24xf32, #tpu.memory_space<vmem>> -> memref<8x24xf32, #tpu.memory_space<vmem>>
      %dma_wait3A_918 = arith.constant 0 : i32
      %dma_wait3A_919 = arith.constant 0 : i32
      %dma_wait3A_920 = tpu.memref_slice %arg3[%dma_wait3A_907, %dma_wait3A_918, %dma_wait3A_919] : memref<4096x8x24xf32, #tpu.memory_space<hbm>> -> memref<1x8x24xf32, #tpu.memory_space<hbm>>
      %dma_wait3A_921 = tpu.memref_squeeze %dma_wait3A_920 : memref<1x8x24xf32, #tpu.memory_space<hbm>> -> memref<8x24xf32, #tpu.memory_space<hbm>>
      tpu.wait_dma2 semaphore(%arg19 : memref<!tpu.dma_semaphore, #tpu.memory_space<semaphore_mem>>) src(%dma_wait3A_921 : memref<8x24xf32, #tpu.memory_space<hbm>>) dst(%dma_wait3A_917 : memref<8x24xf32, #tpu.memory_space<vmem>>)
      %dma_wait3A_922 = arith.constant 0 : i32
      %dma_wait3A_923 = arith.constant 256 : i32
      %dma_wait3A_924 = arith.constant 0 : i32
      %dma_wait3A_925 = tpu.memref_slice %arg13[%dma_wait3A_923, %dma_wait3A_924] : memref<512x64xf32, #tpu.memory_space<vmem>> -> memref<64x64xf32, #tpu.memory_space<vmem>>
      %dma_wait3A_926 = arith.constant 0 : i32
      %dma_wait3A_927 = arith.constant 0 : i32
      %dma_wait3A_928 = tpu.memref_slice %arg2[%dma_wait3A_922, %dma_wait3A_926, %dma_wait3A_927] : memref<4096x64x64xf32, #tpu.memory_space<hbm>> -> memref<1x64x64xf32, #tpu.memory_space<hbm>>
      %dma_wait3A_929 = tpu.memref_squeeze %dma_wait3A_928 : memref<1x64x64xf32, #tpu.memory_space<hbm>> -> memref<64x64xf32, #tpu.memory_space<hbm>>
      %dma_wait3A_930 = arith.constant 256 : i32
      %dma_wait3A_931 = arith.constant 0 : i32
      %dma_wait3A_932 = tpu.memref_slice %arg13[%dma_wait3A_930, %dma_wait3A_931] : memref<512x64xf32, #tpu.memory_space<vmem>> -> memref<64x64xf32, #tpu.memory_space<vmem>>
      %dma_wait3A_933 = arith.constant 0 : i32
      %dma_wait3A_934 = arith.constant 0 : i32
      %dma_wait3A_935 = tpu.memref_slice %arg2[%dma_wait3A_922, %dma_wait3A_933, %dma_wait3A_934] : memref<4096x64x64xf32, #tpu.memory_space<hbm>> -> memref<1x64x64xf32, #tpu.memory_space<hbm>>
      %dma_wait3A_936 = tpu.memref_squeeze %dma_wait3A_935 : memref<1x64x64xf32, #tpu.memory_space<hbm>> -> memref<64x64xf32, #tpu.memory_space<hbm>>
      tpu.wait_dma2 semaphore(%arg19 : memref<!tpu.dma_semaphore, #tpu.memory_space<semaphore_mem>>) src(%dma_wait3A_936 : memref<64x64xf32, #tpu.memory_space<hbm>>) dst(%dma_wait3A_932 : memref<64x64xf32, #tpu.memory_space<vmem>>)
      %dma_wait3A_937 = arith.constant 0 : i32
      %dma_wait3A_938 = arith.constant 32 : i32
      %dma_wait3A_939 = arith.constant 0 : i32
      %dma_wait3A_940 = tpu.memref_slice %arg15[%dma_wait3A_938, %dma_wait3A_939] : memref<64x24xf32, #tpu.memory_space<vmem>> -> memref<8x24xf32, #tpu.memory_space<vmem>>
      %dma_wait3A_941 = arith.constant 0 : i32
      %dma_wait3A_942 = arith.constant 0 : i32
      %dma_wait3A_943 = tpu.memref_slice %arg3[%dma_wait3A_937, %dma_wait3A_941, %dma_wait3A_942] : memref<4096x8x24xf32, #tpu.memory_space<hbm>> -> memref<1x8x24xf32, #tpu.memory_space<hbm>>
      %dma_wait3A_944 = tpu.memref_squeeze %dma_wait3A_943 : memref<1x8x24xf32, #tpu.memory_space<hbm>> -> memref<8x24xf32, #tpu.memory_space<hbm>>
      %dma_wait3A_945 = arith.constant 32 : i32
      %dma_wait3A_946 = arith.constant 0 : i32
      %dma_wait3A_947 = tpu.memref_slice %arg15[%dma_wait3A_945, %dma_wait3A_946] : memref<64x24xf32, #tpu.memory_space<vmem>> -> memref<8x24xf32, #tpu.memory_space<vmem>>
      %dma_wait3A_948 = arith.constant 0 : i32
      %dma_wait3A_949 = arith.constant 0 : i32
      %dma_wait3A_950 = tpu.memref_slice %arg3[%dma_wait3A_937, %dma_wait3A_948, %dma_wait3A_949] : memref<4096x8x24xf32, #tpu.memory_space<hbm>> -> memref<1x8x24xf32, #tpu.memory_space<hbm>>
      %dma_wait3A_951 = tpu.memref_squeeze %dma_wait3A_950 : memref<1x8x24xf32, #tpu.memory_space<hbm>> -> memref<8x24xf32, #tpu.memory_space<hbm>>
      tpu.wait_dma2 semaphore(%arg19 : memref<!tpu.dma_semaphore, #tpu.memory_space<semaphore_mem>>) src(%dma_wait3A_951 : memref<8x24xf32, #tpu.memory_space<hbm>>) dst(%dma_wait3A_947 : memref<8x24xf32, #tpu.memory_space<vmem>>)
      %dma_wait3A_952 = arith.constant 0 : i32
      %dma_wait3A_953 = arith.constant 320 : i32
      %dma_wait3A_954 = arith.constant 0 : i32
      %dma_wait3A_955 = tpu.memref_slice %arg13[%dma_wait3A_953, %dma_wait3A_954] : memref<512x64xf32, #tpu.memory_space<vmem>> -> memref<64x64xf32, #tpu.memory_space<vmem>>
      %dma_wait3A_956 = arith.constant 0 : i32
      %dma_wait3A_957 = arith.constant 0 : i32
      %dma_wait3A_958 = tpu.memref_slice %arg2[%dma_wait3A_952, %dma_wait3A_956, %dma_wait3A_957] : memref<4096x64x64xf32, #tpu.memory_space<hbm>> -> memref<1x64x64xf32, #tpu.memory_space<hbm>>
      %dma_wait3A_959 = tpu.memref_squeeze %dma_wait3A_958 : memref<1x64x64xf32, #tpu.memory_space<hbm>> -> memref<64x64xf32, #tpu.memory_space<hbm>>
      %dma_wait3A_960 = arith.constant 320 : i32
      %dma_wait3A_961 = arith.constant 0 : i32
      %dma_wait3A_962 = tpu.memref_slice %arg13[%dma_wait3A_960, %dma_wait3A_961] : memref<512x64xf32, #tpu.memory_space<vmem>> -> memref<64x64xf32, #tpu.memory_space<vmem>>
      %dma_wait3A_963 = arith.constant 0 : i32
      %dma_wait3A_964 = arith.constant 0 : i32
      %dma_wait3A_965 = tpu.memref_slice %arg2[%dma_wait3A_952, %dma_wait3A_963, %dma_wait3A_964] : memref<4096x64x64xf32, #tpu.memory_space<hbm>> -> memref<1x64x64xf32, #tpu.memory_space<hbm>>
      %dma_wait3A_966 = tpu.memref_squeeze %dma_wait3A_965 : memref<1x64x64xf32, #tpu.memory_space<hbm>> -> memref<64x64xf32, #tpu.memory_space<hbm>>
      tpu.wait_dma2 semaphore(%arg19 : memref<!tpu.dma_semaphore, #tpu.memory_space<semaphore_mem>>) src(%dma_wait3A_966 : memref<64x64xf32, #tpu.memory_space<hbm>>) dst(%dma_wait3A_962 : memref<64x64xf32, #tpu.memory_space<vmem>>)
      %dma_wait3A_967 = arith.constant 0 : i32
      %dma_wait3A_968 = arith.constant 40 : i32
      %dma_wait3A_969 = arith.constant 0 : i32
      %dma_wait3A_970 = tpu.memref_slice %arg15[%dma_wait3A_968, %dma_wait3A_969] : memref<64x24xf32, #tpu.memory_space<vmem>> -> memref<8x24xf32, #tpu.memory_space<vmem>>
      %dma_wait3A_971 = arith.constant 0 : i32
      %dma_wait3A_972 = arith.constant 0 : i32
      %dma_wait3A_973 = tpu.memref_slice %arg3[%dma_wait3A_967, %dma_wait3A_971, %dma_wait3A_972] : memref<4096x8x24xf32, #tpu.memory_space<hbm>> -> memref<1x8x24xf32, #tpu.memory_space<hbm>>
      %dma_wait3A_974 = tpu.memref_squeeze %dma_wait3A_973 : memref<1x8x24xf32, #tpu.memory_space<hbm>> -> memref<8x24xf32, #tpu.memory_space<hbm>>
      %dma_wait3A_975 = arith.constant 40 : i32
      %dma_wait3A_976 = arith.constant 0 : i32
      %dma_wait3A_977 = tpu.memref_slice %arg15[%dma_wait3A_975, %dma_wait3A_976] : memref<64x24xf32, #tpu.memory_space<vmem>> -> memref<8x24xf32, #tpu.memory_space<vmem>>
      %dma_wait3A_978 = arith.constant 0 : i32
      %dma_wait3A_979 = arith.constant 0 : i32
      %dma_wait3A_980 = tpu.memref_slice %arg3[%dma_wait3A_967, %dma_wait3A_978, %dma_wait3A_979] : memref<4096x8x24xf32, #tpu.memory_space<hbm>> -> memref<1x8x24xf32, #tpu.memory_space<hbm>>
      %dma_wait3A_981 = tpu.memref_squeeze %dma_wait3A_980 : memref<1x8x24xf32, #tpu.memory_space<hbm>> -> memref<8x24xf32, #tpu.memory_space<hbm>>
      tpu.wait_dma2 semaphore(%arg19 : memref<!tpu.dma_semaphore, #tpu.memory_space<semaphore_mem>>) src(%dma_wait3A_981 : memref<8x24xf32, #tpu.memory_space<hbm>>) dst(%dma_wait3A_977 : memref<8x24xf32, #tpu.memory_space<vmem>>)
      %dma_wait3A_982 = arith.constant 0 : i32
      %dma_wait3A_983 = arith.constant 384 : i32
      %dma_wait3A_984 = arith.constant 0 : i32
      %dma_wait3A_985 = tpu.memref_slice %arg13[%dma_wait3A_983, %dma_wait3A_984] : memref<512x64xf32, #tpu.memory_space<vmem>> -> memref<64x64xf32, #tpu.memory_space<vmem>>
      %dma_wait3A_986 = arith.constant 0 : i32
      %dma_wait3A_987 = arith.constant 0 : i32
      %dma_wait3A_988 = tpu.memref_slice %arg2[%dma_wait3A_982, %dma_wait3A_986, %dma_wait3A_987] : memref<4096x64x64xf32, #tpu.memory_space<hbm>> -> memref<1x64x64xf32, #tpu.memory_space<hbm>>
      %dma_wait3A_989 = tpu.memref_squeeze %dma_wait3A_988 : memref<1x64x64xf32, #tpu.memory_space<hbm>> -> memref<64x64xf32, #tpu.memory_space<hbm>>
      %dma_wait3A_990 = arith.constant 384 : i32
      %dma_wait3A_991 = arith.constant 0 : i32
      %dma_wait3A_992 = tpu.memref_slice %arg13[%dma_wait3A_990, %dma_wait3A_991] : memref<512x64xf32, #tpu.memory_space<vmem>> -> memref<64x64xf32, #tpu.memory_space<vmem>>
      %dma_wait3A_993 = arith.constant 0 : i32
      %dma_wait3A_994 = arith.constant 0 : i32
      %dma_wait3A_995 = tpu.memref_slice %arg2[%dma_wait3A_982, %dma_wait3A_993, %dma_wait3A_994] : memref<4096x64x64xf32, #tpu.memory_space<hbm>> -> memref<1x64x64xf32, #tpu.memory_space<hbm>>
      %dma_wait3A_996 = tpu.memref_squeeze %dma_wait3A_995 : memref<1x64x64xf32, #tpu.memory_space<hbm>> -> memref<64x64xf32, #tpu.memory_space<hbm>>
      tpu.wait_dma2 semaphore(%arg19 : memref<!tpu.dma_semaphore, #tpu.memory_space<semaphore_mem>>) src(%dma_wait3A_996 : memref<64x64xf32, #tpu.memory_space<hbm>>) dst(%dma_wait3A_992 : memref<64x64xf32, #tpu.memory_space<vmem>>)
      %dma_wait3A_997 = arith.constant 0 : i32
      %dma_wait3A_998 = arith.constant 48 : i32
      %dma_wait3A_999 = arith.constant 0 : i32
      %dma_wait3A_1000 = tpu.memref_slice %arg15[%dma_wait3A_998, %dma_wait3A_999] : memref<64x24xf32, #tpu.memory_space<vmem>> -> memref<8x24xf32, #tpu.memory_space<vmem>>
      %dma_wait3A_1001 = arith.constant 0 : i32
      %dma_wait3A_1002 = arith.constant 0 : i32
      %dma_wait3A_1003 = tpu.memref_slice %arg3[%dma_wait3A_997, %dma_wait3A_1001, %dma_wait3A_1002] : memref<4096x8x24xf32, #tpu.memory_space<hbm>> -> memref<1x8x24xf32, #tpu.memory_space<hbm>>
      %dma_wait3A_1004 = tpu.memref_squeeze %dma_wait3A_1003 : memref<1x8x24xf32, #tpu.memory_space<hbm>> -> memref<8x24xf32, #tpu.memory_space<hbm>>
      %dma_wait3A_1005 = arith.constant 48 : i32
      %dma_wait3A_1006 = arith.constant 0 : i32
      %dma_wait3A_1007 = tpu.memref_slice %arg15[%dma_wait3A_1005, %dma_wait3A_1006] : memref<64x24xf32, #tpu.memory_space<vmem>> -> memref<8x24xf32, #tpu.memory_space<vmem>>
      %dma_wait3A_1008 = arith.constant 0 : i32
      %dma_wait3A_1009 = arith.constant 0 : i32
      %dma_wait3A_1010 = tpu.memref_slice %arg3[%dma_wait3A_997, %dma_wait3A_1008, %dma_wait3A_1009] : memref<4096x8x24xf32, #tpu.memory_space<hbm>> -> memref<1x8x24xf32, #tpu.memory_space<hbm>>
      %dma_wait3A_1011 = tpu.memref_squeeze %dma_wait3A_1010 : memref<1x8x24xf32, #tpu.memory_space<hbm>> -> memref<8x24xf32, #tpu.memory_space<hbm>>
      tpu.wait_dma2 semaphore(%arg19 : memref<!tpu.dma_semaphore, #tpu.memory_space<semaphore_mem>>) src(%dma_wait3A_1011 : memref<8x24xf32, #tpu.memory_space<hbm>>) dst(%dma_wait3A_1007 : memref<8x24xf32, #tpu.memory_space<vmem>>)
      %dma_wait3A_1012 = arith.constant 0 : i32
      %dma_wait3A_1013 = arith.constant 448 : i32
      %dma_wait3A_1014 = arith.constant 0 : i32
      %dma_wait3A_1015 = tpu.memref_slice %arg13[%dma_wait3A_1013, %dma_wait3A_1014] : memref<512x64xf32, #tpu.memory_space<vmem>> -> memref<64x64xf32, #tpu.memory_space<vmem>>
      %dma_wait3A_1016 = arith.constant 0 : i32
      %dma_wait3A_1017 = arith.constant 0 : i32
      %dma_wait3A_1018 = tpu.memref_slice %arg2[%dma_wait3A_1012, %dma_wait3A_1016, %dma_wait3A_1017] : memref<4096x64x64xf32, #tpu.memory_space<hbm>> -> memref<1x64x64xf32, #tpu.memory_space<hbm>>
      %dma_wait3A_1019 = tpu.memref_squeeze %dma_wait3A_1018 : memref<1x64x64xf32, #tpu.memory_space<hbm>> -> memref<64x64xf32, #tpu.memory_space<hbm>>
      %dma_wait3A_1020 = arith.constant 448 : i32
      %dma_wait3A_1021 = arith.constant 0 : i32
      %dma_wait3A_1022 = tpu.memref_slice %arg13[%dma_wait3A_1020, %dma_wait3A_1021] : memref<512x64xf32, #tpu.memory_space<vmem>> -> memref<64x64xf32, #tpu.memory_space<vmem>>
      %dma_wait3A_1023 = arith.constant 0 : i32
      %dma_wait3A_1024 = arith.constant 0 : i32
      %dma_wait3A_1025 = tpu.memref_slice %arg2[%dma_wait3A_1012, %dma_wait3A_1023, %dma_wait3A_1024] : memref<4096x64x64xf32, #tpu.memory_space<hbm>> -> memref<1x64x64xf32, #tpu.memory_space<hbm>>
      %dma_wait3A_1026 = tpu.memref_squeeze %dma_wait3A_1025 : memref<1x64x64xf32, #tpu.memory_space<hbm>> -> memref<64x64xf32, #tpu.memory_space<hbm>>
      tpu.wait_dma2 semaphore(%arg19 : memref<!tpu.dma_semaphore, #tpu.memory_space<semaphore_mem>>) src(%dma_wait3A_1026 : memref<64x64xf32, #tpu.memory_space<hbm>>) dst(%dma_wait3A_1022 : memref<64x64xf32, #tpu.memory_space<vmem>>)
      %dma_wait3A_1027 = arith.constant 0 : i32
      %dma_wait3A_1028 = arith.constant 56 : i32
      %dma_wait3A_1029 = arith.constant 0 : i32
      %dma_wait3A_1030 = tpu.memref_slice %arg15[%dma_wait3A_1028, %dma_wait3A_1029] : memref<64x24xf32, #tpu.memory_space<vmem>> -> memref<8x24xf32, #tpu.memory_space<vmem>>
      %dma_wait3A_1031 = arith.constant 0 : i32
      %dma_wait3A_1032 = arith.constant 0 : i32
      %dma_wait3A_1033 = tpu.memref_slice %arg3[%dma_wait3A_1027, %dma_wait3A_1031, %dma_wait3A_1032] : memref<4096x8x24xf32, #tpu.memory_space<hbm>> -> memref<1x8x24xf32, #tpu.memory_space<hbm>>
      %dma_wait3A_1034 = tpu.memref_squeeze %dma_wait3A_1033 : memref<1x8x24xf32, #tpu.memory_space<hbm>> -> memref<8x24xf32, #tpu.memory_space<hbm>>
      %dma_wait3A_1035 = arith.constant 56 : i32
      %dma_wait3A_1036 = arith.constant 0 : i32
      %dma_wait3A_1037 = tpu.memref_slice %arg15[%dma_wait3A_1035, %dma_wait3A_1036] : memref<64x24xf32, #tpu.memory_space<vmem>> -> memref<8x24xf32, #tpu.memory_space<vmem>>
      %dma_wait3A_1038 = arith.constant 0 : i32
      %dma_wait3A_1039 = arith.constant 0 : i32
      %dma_wait3A_1040 = tpu.memref_slice %arg3[%dma_wait3A_1027, %dma_wait3A_1038, %dma_wait3A_1039] : memref<4096x8x24xf32, #tpu.memory_space<hbm>> -> memref<1x8x24xf32, #tpu.memory_space<hbm>>
      %dma_wait3A_1041 = tpu.memref_squeeze %dma_wait3A_1040 : memref<1x8x24xf32, #tpu.memory_space<hbm>> -> memref<8x24xf32, #tpu.memory_space<hbm>>
      tpu.wait_dma2 semaphore(%arg19 : memref<!tpu.dma_semaphore, #tpu.memory_space<semaphore_mem>>) src(%dma_wait3A_1041 : memref<8x24xf32, #tpu.memory_space<hbm>>) dst(%dma_wait3A_1037 : memref<8x24xf32, #tpu.memory_space<vmem>>)
      %gt3A_1042 = arith.constant 0 : i32
      %gt3A_1043 = arith.cmpi sgt, %scan3A_540, %gt3A_1042 : i32
      %convert_element_type3A_1044 = arith.extui %gt3A_1043 : i1 to i32
      %cond3A_1045 = arith.constant 0 : i32
      %cond3A_1046 = arith.cmpi ne, %convert_element_type3A_1044, %cond3A_1045 : i32
      scf.if %cond3A_1046 {
        %dma_wait3A_1067 = arith.constant 0 : i32
        %dma_wait3A_1068 = arith.constant 0 : i32
        %dma_wait3A_1069 = tpu.memref_slice %arg5[%dma_wait3A_1067, %dma_wait3A_1068] : memref<4096x1858xf32, #tpu.memory_space<hbm>> -> memref<8x1858xf32, #tpu.memory_space<hbm>>
        %dma_wait3A_1070 = arith.constant 0 : i32
        %dma_wait3A_1071 = arith.constant 0 : i32
        %dma_wait3A_1072 = tpu.memref_slice %arg5[%dma_wait3A_1070, %dma_wait3A_1071] : memref<4096x1858xf32, #tpu.memory_space<hbm>> -> memref<8x1858xf32, #tpu.memory_space<hbm>>
        tpu.wait_dma2 semaphore(%arg21 : memref<!tpu.dma_semaphore, #tpu.memory_space<semaphore_mem>>) src(%arg17 : memref<8x1858xf32, #tpu.memory_space<vmem>>) dst(%dma_wait3A_1072 : memref<8x1858xf32, #tpu.memory_space<hbm>>)
      } else {
      }
      %scan3A_1047 = arith.constant 0 : i32
      %scan3A_1048 = arith.constant 0 : i32
      %scan3A_1049 = arith.constant 117 : i32
      %scan3A_1050 = arith.addi %scan3A_1048, %scan3A_1049 : i32
      %scan3A_1051 = arith.constant 1 : i32
      scf.for %scan3A_1067 = %scan3A_1048 to %scan3A_1050 step %scan3A_1051  : i32 {
        %mul3A_1068 = arith.constant 16 : i32
        %mul3A_1069 = arith.muli %scan3A_1067, %mul3A_1068 : i32
        %eq3A = arith.constant 116 : i32
        %eq3A_1070 = arith.cmpi eq, %scan3A_1067, %eq3A : i32
        %mul3A_1071 = arith.constant 16 : i32
        %mul3A_1072 = arith.muli %scan3A_1067, %mul3A_1071 : i32
        %jit3A = arith.constant 1842 : i32
        %select_n3A = arith.select %eq3A_1070, %jit3A, %mul3A_1072 : i32
        %get3A = arith.index_cast %mul3A_1069 : i32 to index
        %get3A_1073 = tpu.vector_load %arg7[%get3A] {strides = array<i32>} : memref<1872xi32, #tpu.memory_space<vmem>>, vector<16xi32>,
        %get3A_1074 = arith.index_cast %mul3A_1069 : i32 to index
        %get3A_1075 = tpu.vector_load %arg8[%get3A_1074] {strides = array<i32>} : memref<1872xi32, #tpu.memory_space<vmem>>, vector<16xi32>,
        %get3A_1076 = arith.index_cast %mul3A_1069 : i32 to index
        %get3A_1077 = tpu.vector_load %arg9[%get3A_1076] {strides = array<i32>} : memref<1872xi32, #tpu.memory_space<vmem>>, vector<16xi32>,
        %get3A_1078 = arith.index_cast %mul3A_1069 : i32 to index
        %get3A_1079 = tpu.vector_load %arg10[%get3A_1078] {strides = array<i32>} : memref<1872xi32, #tpu.memory_space<vmem>>, vector<16xi32>,
        %get3A_1080 = arith.index_cast %mul3A_1069 : i32 to index
        %get3A_1081 = tpu.vector_load %arg11[%get3A_1080] {strides = array<i32>} : memref<1872xi32, #tpu.memory_space<vmem>>, vector<16xi32>,
        %lt3A_1082 = arith.constant 4096 : i32
        %lt3A_1083 = vector.broadcast %lt3A_1082 : i32 to vector<16xi32>
        %lt3A_1084 = arith.cmpi slt, %get3A_1073, %lt3A_1083 : vector<16xi32>
        %broadcast_in_dim3A = arith.constant 0 : i32
        %broadcast_in_dim3A_1085 = vector.broadcast %broadcast_in_dim3A : i32 to vector<16xi32>
        %add3A_1086 = arith.addi %get3A_1075, %broadcast_in_dim3A_1085 : vector<16xi32>
        %gather3A = tpu.vector_load_idx %arg13[%add3A_1086, %get3A_1077] : memref<512x64xf32, #tpu.memory_space<vmem>>[vector<16xi32>, vector<16xi32>], vector<16xf32>,
        %broadcast_in_dim3A_1087 = arith.constant 0 : i32
        %broadcast_in_dim3A_1088 = vector.broadcast %broadcast_in_dim3A_1087 : i32 to vector<16xi32>
        %add3A_1089 = arith.addi %get3A_1079, %broadcast_in_dim3A_1088 : vector<16xi32>
        %gather3A_1090 = tpu.vector_load_idx %arg15[%add3A_1089, %get3A_1081] : memref<64x24xf32, #tpu.memory_space<vmem>>[vector<16xi32>, vector<16xi32>], vector<16xf32>,
        %select_n3A_1091 = arith.select %lt3A_1084, %gather3A, %gather3A_1090 : vector<16xi1>, vector<16xf32>
        %swap3A = arith.constant 0 : i32
        %swap3A_1092 = arith.index_cast %swap3A : i32 to index
        %swap3A_1093 = arith.index_cast %select_n3A : i32 to index
        %swap3A_1094 = tpu.vector_load %arg17[%swap3A_1092, %swap3A_1093] {strides = array<i32>} : memref<8x1858xf32, #tpu.memory_space<vmem>>, vector<16xf32>,
        tpu.vector_store %arg17[%swap3A_1092, %swap3A_1093], %select_n3A_1091 {strides = array<i32>} : memref<8x1858xf32, #tpu.memory_space<vmem>>, vector<16xf32>,
        %broadcast_in_dim3A_1095 = arith.constant 64 : i32
        %broadcast_in_dim3A_1096 = vector.broadcast %broadcast_in_dim3A_1095 : i32 to vector<16xi32>
        %add3A_1097 = arith.addi %get3A_1075, %broadcast_in_dim3A_1096 : vector<16xi32>
        %gather3A_1098 = tpu.vector_load_idx %arg13[%add3A_1097, %get3A_1077] : memref<512x64xf32, #tpu.memory_space<vmem>>[vector<16xi32>, vector<16xi32>], vector<16xf32>,
        %broadcast_in_dim3A_1099 = arith.constant 8 : i32
        %broadcast_in_dim3A_1100 = vector.broadcast %broadcast_in_dim3A_1099 : i32 to vector<16xi32>
        %add3A_1101 = arith.addi %get3A_1079, %broadcast_in_dim3A_1100 : vector<16xi32>
        %gather3A_1102 = tpu.vector_load_idx %arg15[%add3A_1101, %get3A_1081] : memref<64x24xf32, #tpu.memory_space<vmem>>[vector<16xi32>, vector<16xi32>], vector<16xf32>,
        %select_n3A_1103 = arith.select %lt3A_1084, %gather3A_1098, %gather3A_1102 : vector<16xi1>, vector<16xf32>
        %swap3A_1104 = arith.constant 1 : i32
        %swap3A_1105 = arith.index_cast %swap3A_1104 : i32 to index
        %swap3A_1106 = arith.index_cast %select_n3A : i32 to index
        %swap3A_1107 = tpu.vector_load %arg17[%swap3A_1105, %swap3A_1106] {strides = array<i32>} : memref<8x1858xf32, #tpu.memory_space<vmem>>, vector<16xf32>,
        tpu.vector_store %arg17[%swap3A_1105, %swap3A_1106], %select_n3A_1103 {strides = array<i32>} : memref<8x1858xf32, #tpu.memory_space<vmem>>, vector<16xf32>,
        %broadcast_in_dim3A_1108 = arith.constant 128 : i32
        %broadcast_in_dim3A_1109 = vector.broadcast %broadcast_in_dim3A_1108 : i32 to vector<16xi32>
        %add3A_1110 = arith.addi %get3A_1075, %broadcast_in_dim3A_1109 : vector<16xi32>
        %gather3A_1111 = tpu.vector_load_idx %arg13[%add3A_1110, %get3A_1077] : memref<512x64xf32, #tpu.memory_space<vmem>>[vector<16xi32>, vector<16xi32>], vector<16xf32>,
        %broadcast_in_dim3A_1112 = arith.constant 16 : i32
        %broadcast_in_dim3A_1113 = vector.broadcast %broadcast_in_dim3A_1112 : i32 to vector<16xi32>
        %add3A_1114 = arith.addi %get3A_1079, %broadcast_in_dim3A_1113 : vector<16xi32>
        %gather3A_1115 = tpu.vector_load_idx %arg15[%add3A_1114, %get3A_1081] : memref<64x24xf32, #tpu.memory_space<vmem>>[vector<16xi32>, vector<16xi32>], vector<16xf32>,
        %select_n3A_1116 = arith.select %lt3A_1084, %gather3A_1111, %gather3A_1115 : vector<16xi1>, vector<16xf32>
        %swap3A_1117 = arith.constant 2 : i32
        %swap3A_1118 = arith.index_cast %swap3A_1117 : i32 to index
        %swap3A_1119 = arith.index_cast %select_n3A : i32 to index
        %swap3A_1120 = tpu.vector_load %arg17[%swap3A_1118, %swap3A_1119] {strides = array<i32>} : memref<8x1858xf32, #tpu.memory_space<vmem>>, vector<16xf32>,
        tpu.vector_store %arg17[%swap3A_1118, %swap3A_1119], %select_n3A_1116 {strides = array<i32>} : memref<8x1858xf32, #tpu.memory_space<vmem>>, vector<16xf32>,
        %broadcast_in_dim3A_1121 = arith.constant 192 : i32
        %broadcast_in_dim3A_1122 = vector.broadcast %broadcast_in_dim3A_1121 : i32 to vector<16xi32>
        %add3A_1123 = arith.addi %get3A_1075, %broadcast_in_dim3A_1122 : vector<16xi32>
        %gather3A_1124 = tpu.vector_load_idx %arg13[%add3A_1123, %get3A_1077] : memref<512x64xf32, #tpu.memory_space<vmem>>[vector<16xi32>, vector<16xi32>], vector<16xf32>,
        %broadcast_in_dim3A_1125 = arith.constant 24 : i32
        %broadcast_in_dim3A_1126 = vector.broadcast %broadcast_in_dim3A_1125 : i32 to vector<16xi32>
        %add3A_1127 = arith.addi %get3A_1079, %broadcast_in_dim3A_1126 : vector<16xi32>
        %gather3A_1128 = tpu.vector_load_idx %arg15[%add3A_1127, %get3A_1081] : memref<64x24xf32, #tpu.memory_space<vmem>>[vector<16xi32>, vector<16xi32>], vector<16xf32>,
        %select_n3A_1129 = arith.select %lt3A_1084, %gather3A_1124, %gather3A_1128 : vector<16xi1>, vector<16xf32>
        %swap3A_1130 = arith.constant 3 : i32
        %swap3A_1131 = arith.index_cast %swap3A_1130 : i32 to index
        %swap3A_1132 = arith.index_cast %select_n3A : i32 to index
        %swap3A_1133 = tpu.vector_load %arg17[%swap3A_1131, %swap3A_1132] {strides = array<i32>} : memref<8x1858xf32, #tpu.memory_space<vmem>>, vector<16xf32>,
        tpu.vector_store %arg17[%swap3A_1131, %swap3A_1132], %select_n3A_1129 {strides = array<i32>} : memref<8x1858xf32, #tpu.memory_space<vmem>>, vector<16xf32>,
        %broadcast_in_dim3A_1134 = arith.constant 256 : i32
        %broadcast_in_dim3A_1135 = vector.broadcast %broadcast_in_dim3A_1134 : i32 to vector<16xi32>
        %add3A_1136 = arith.addi %get3A_1075, %broadcast_in_dim3A_1135 : vector<16xi32>
        %gather3A_1137 = tpu.vector_load_idx %arg13[%add3A_1136, %get3A_1077] : memref<512x64xf32, #tpu.memory_space<vmem>>[vector<16xi32>, vector<16xi32>], vector<16xf32>,
        %broadcast_in_dim3A_1138 = arith.constant 32 : i32
        %broadcast_in_dim3A_1139 = vector.broadcast %broadcast_in_dim3A_1138 : i32 to vector<16xi32>
        %add3A_1140 = arith.addi %get3A_1079, %broadcast_in_dim3A_1139 : vector<16xi32>
        %gather3A_1141 = tpu.vector_load_idx %arg15[%add3A_1140, %get3A_1081] : memref<64x24xf32, #tpu.memory_space<vmem>>[vector<16xi32>, vector<16xi32>], vector<16xf32>,
        %select_n3A_1142 = arith.select %lt3A_1084, %gather3A_1137, %gather3A_1141 : vector<16xi1>, vector<16xf32>
        %swap3A_1143 = arith.constant 4 : i32
        %swap3A_1144 = arith.index_cast %swap3A_1143 : i32 to index
        %swap3A_1145 = arith.index_cast %select_n3A : i32 to index
        %swap3A_1146 = tpu.vector_load %arg17[%swap3A_1144, %swap3A_1145] {strides = array<i32>} : memref<8x1858xf32, #tpu.memory_space<vmem>>, vector<16xf32>,
        tpu.vector_store %arg17[%swap3A_1144, %swap3A_1145], %select_n3A_1142 {strides = array<i32>} : memref<8x1858xf32, #tpu.memory_space<vmem>>, vector<16xf32>,
        %broadcast_in_dim3A_1147 = arith.constant 320 : i32
        %broadcast_in_dim3A_1148 = vector.broadcast %broadcast_in_dim3A_1147 : i32 to vector<16xi32>
        %add3A_1149 = arith.addi %get3A_1075, %broadcast_in_dim3A_1148 : vector<16xi32>
        %gather3A_1150 = tpu.vector_load_idx %arg13[%add3A_1149, %get3A_1077] : memref<512x64xf32, #tpu.memory_space<vmem>>[vector<16xi32>, vector<16xi32>], vector<16xf32>,
        %broadcast_in_dim3A_1151 = arith.constant 40 : i32
        %broadcast_in_dim3A_1152 = vector.broadcast %broadcast_in_dim3A_1151 : i32 to vector<16xi32>
        %add3A_1153 = arith.addi %get3A_1079, %broadcast_in_dim3A_1152 : vector<16xi32>
        %gather3A_1154 = tpu.vector_load_idx %arg15[%add3A_1153, %get3A_1081] : memref<64x24xf32, #tpu.memory_space<vmem>>[vector<16xi32>, vector<16xi32>], vector<16xf32>,
        %select_n3A_1155 = arith.select %lt3A_1084, %gather3A_1150, %gather3A_1154 : vector<16xi1>, vector<16xf32>
        %swap3A_1156 = arith.constant 5 : i32
        %swap3A_1157 = arith.index_cast %swap3A_1156 : i32 to index
        %swap3A_1158 = arith.index_cast %select_n3A : i32 to index
        %swap3A_1159 = tpu.vector_load %arg17[%swap3A_1157, %swap3A_1158] {strides = array<i32>} : memref<8x1858xf32, #tpu.memory_space<vmem>>, vector<16xf32>,
        tpu.vector_store %arg17[%swap3A_1157, %swap3A_1158], %select_n3A_1155 {strides = array<i32>} : memref<8x1858xf32, #tpu.memory_space<vmem>>, vector<16xf32>,
        %broadcast_in_dim3A_1160 = arith.constant 384 : i32
        %broadcast_in_dim3A_1161 = vector.broadcast %broadcast_in_dim3A_1160 : i32 to vector<16xi32>
        %add3A_1162 = arith.addi %get3A_1075, %broadcast_in_dim3A_1161 : vector<16xi32>
        %gather3A_1163 = tpu.vector_load_idx %arg13[%add3A_1162, %get3A_1077] : memref<512x64xf32, #tpu.memory_space<vmem>>[vector<16xi32>, vector<16xi32>], vector<16xf32>,
        %broadcast_in_dim3A_1164 = arith.constant 48 : i32
        %broadcast_in_dim3A_1165 = vector.broadcast %broadcast_in_dim3A_1164 : i32 to vector<16xi32>
        %add3A_1166 = arith.addi %get3A_1079, %broadcast_in_dim3A_1165 : vector<16xi32>
        %gather3A_1167 = tpu.vector_load_idx %arg15[%add3A_1166, %get3A_1081] : memref<64x24xf32, #tpu.memory_space<vmem>>[vector<16xi32>, vector<16xi32>], vector<16xf32>,
        %select_n3A_1168 = arith.select %lt3A_1084, %gather3A_1163, %gather3A_1167 : vector<16xi1>, vector<16xf32>
        %swap3A_1169 = arith.constant 6 : i32
        %swap3A_1170 = arith.index_cast %swap3A_1169 : i32 to index
        %swap3A_1171 = arith.index_cast %select_n3A : i32 to index
        %swap3A_1172 = tpu.vector_load %arg17[%swap3A_1170, %swap3A_1171] {strides = array<i32>} : memref<8x1858xf32, #tpu.memory_space<vmem>>, vector<16xf32>,
        tpu.vector_store %arg17[%swap3A_1170, %swap3A_1171], %select_n3A_1168 {strides = array<i32>} : memref<8x1858xf32, #tpu.memory_space<vmem>>, vector<16xf32>,
        %broadcast_in_dim3A_1173 = arith.constant 448 : i32
        %broadcast_in_dim3A_1174 = vector.broadcast %broadcast_in_dim3A_1173 : i32 to vector<16xi32>
        %add3A_1175 = arith.addi %get3A_1075, %broadcast_in_dim3A_1174 : vector<16xi32>
        %gather3A_1176 = tpu.vector_load_idx %arg13[%add3A_1175, %get3A_1077] : memref<512x64xf32, #tpu.memory_space<vmem>>[vector<16xi32>, vector<16xi32>], vector<16xf32>,
        %broadcast_in_dim3A_1177 = arith.constant 56 : i32
        %broadcast_in_dim3A_1178 = vector.broadcast %broadcast_in_dim3A_1177 : i32 to vector<16xi32>
        %add3A_1179 = arith.addi %get3A_1079, %broadcast_in_dim3A_1178 : vector<16xi32>
        %gather3A_1180 = tpu.vector_load_idx %arg15[%add3A_1179, %get3A_1081] : memref<64x24xf32, #tpu.memory_space<vmem>>[vector<16xi32>, vector<16xi32>], vector<16xf32>,
        %select_n3A_1181 = arith.select %lt3A_1084, %gather3A_1176, %gather3A_1180 : vector<16xi1>, vector<16xf32>
        %swap3A_1182 = arith.constant 7 : i32
        %swap3A_1183 = arith.index_cast %swap3A_1182 : i32 to index
        %swap3A_1184 = arith.index_cast %select_n3A : i32 to index
        %swap3A_1185 = tpu.vector_load %arg17[%swap3A_1183, %swap3A_1184] {strides = array<i32>} : memref<8x1858xf32, #tpu.memory_space<vmem>>, vector<16xf32>,
        tpu.vector_store %arg17[%swap3A_1183, %swap3A_1184], %select_n3A_1181 {strides = array<i32>} : memref<8x1858xf32, #tpu.memory_space<vmem>>, vector<16xf32>,
      }
      %scan3A_1052 = arith.constant 117 : i32
      %add3A_1053 = arith.constant 1 : i32
      %add3A_1054 = arith.addi %mul3A_542, %add3A_1053 : i32
      %mul3A_1055 = arith.constant 8 : i32
      %mul3A_1056 = arith.muli %add3A_1054, %mul3A_1055 : i32
      %add3A_1057 = arith.addi %mul3A_2, %mul3A_1056 : i32
      %dma_start3A_1058 = arith.constant 0 : i32
      %dma_start3A_1059 = tpu.memref_slice %arg5[%add3A_1057, %dma_start3A_1058] : memref<4096x1858xf32, #tpu.memory_space<hbm>> -> memref<8x1858xf32, #tpu.memory_space<hbm>>
      %dma_start3A_1060 = arith.constant 0 : i32
      %dma_start3A_1061 = tpu.memref_slice %arg5[%add3A_1057, %dma_start3A_1060] : memref<4096x1858xf32, #tpu.memory_space<hbm>> -> memref<8x1858xf32, #tpu.memory_space<hbm>>
      tpu.enqueue_dma source(%arg17 : memref<8x1858xf32, #tpu.memory_space<vmem>>) target(%dma_start3A_1061 : memref<8x1858xf32, #tpu.memory_space<hbm>>) target_semaphore(%arg21 : memref<!tpu.dma_semaphore, #tpu.memory_space<semaphore_mem>>)
      %lt3A_1062 = arith.constant 7 : i32
      %lt3A_1063 = arith.cmpi slt, %scan3A_540, %lt3A_1062 : i32
      %convert_element_type3A_1064 = arith.extui %lt3A_1063 : i1 to i32
      %cond3A_1065 = arith.constant 0 : i32
      %cond3A_1066 = arith.cmpi ne, %convert_element_type3A_1064, %cond3A_1065 : i32
      scf.if %cond3A_1066 {
        %add3A_1067 = arith.constant 3 : i32
        %add3A_1068 = arith.addi %mul3A_542, %add3A_1067 : i32
        %mul3A_1069 = arith.constant 8 : i32
        %mul3A_1070 = arith.muli %add3A_1068, %mul3A_1069 : i32
        %add3A_1071 = arith.addi %mul3A_2, %mul3A_1070 : i32
        %add3A_1072 = arith.constant 0 : i32
        %add3A_1073 = arith.addi %add3A_1071, %add3A_1072 : i32
        %dma_start3A_1074 = arith.constant 0 : i32
        %dma_start3A_1075 = arith.constant 0 : i32
        %dma_start3A_1076 = tpu.memref_slice %arg13[%dma_start3A_1074, %dma_start3A_1075] : memref<512x64xf32, #tpu.memory_space<vmem>> -> memref<64x64xf32, #tpu.memory_space<vmem>>
        %dma_start3A_1077 = arith.constant 0 : i32
        %dma_start3A_1078 = arith.constant 0 : i32
        %dma_start3A_1079 = tpu.memref_slice %arg2[%add3A_1073, %dma_start3A_1077, %dma_start3A_1078] : memref<4096x64x64xf32, #tpu.memory_space<hbm>> -> memref<1x64x64xf32, #tpu.memory_space<hbm>>
        %dma_start3A_1080 = tpu.memref_squeeze %dma_start3A_1079 : memref<1x64x64xf32, #tpu.memory_space<hbm>> -> memref<64x64xf32, #tpu.memory_space<hbm>>
        %dma_start3A_1081 = arith.constant 0 : i32
        %dma_start3A_1082 = arith.constant 0 : i32
        %dma_start3A_1083 = tpu.memref_slice %arg13[%dma_start3A_1081, %dma_start3A_1082] : memref<512x64xf32, #tpu.memory_space<vmem>> -> memref<64x64xf32, #tpu.memory_space<vmem>>
        %dma_start3A_1084 = arith.constant 0 : i32
        %dma_start3A_1085 = arith.constant 0 : i32
        %dma_start3A_1086 = tpu.memref_slice %arg2[%add3A_1073, %dma_start3A_1084, %dma_start3A_1085] : memref<4096x64x64xf32, #tpu.memory_space<hbm>> -> memref<1x64x64xf32, #tpu.memory_space<hbm>>
        %dma_start3A_1087 = tpu.memref_squeeze %dma_start3A_1086 : memref<1x64x64xf32, #tpu.memory_space<hbm>> -> memref<64x64xf32, #tpu.memory_space<hbm>>
        tpu.enqueue_dma source(%dma_start3A_1087 : memref<64x64xf32, #tpu.memory_space<hbm>>) target(%dma_start3A_1083 : memref<64x64xf32, #tpu.memory_space<vmem>>) target_semaphore(%arg19 : memref<!tpu.dma_semaphore, #tpu.memory_space<semaphore_mem>>)
        %add3A_1088 = arith.constant 0 : i32
        %add3A_1089 = arith.addi %add3A_1071, %add3A_1088 : i32
        %dma_start3A_1090 = arith.constant 0 : i32
        %dma_start3A_1091 = arith.constant 0 : i32
        %dma_start3A_1092 = tpu.memref_slice %arg15[%dma_start3A_1090, %dma_start3A_1091] : memref<64x24xf32, #tpu.memory_space<vmem>> -> memref<8x24xf32, #tpu.memory_space<vmem>>
        %dma_start3A_1093 = arith.constant 0 : i32
        %dma_start3A_1094 = arith.constant 0 : i32
        %dma_start3A_1095 = tpu.memref_slice %arg3[%add3A_1089, %dma_start3A_1093, %dma_start3A_1094] : memref<4096x8x24xf32, #tpu.memory_space<hbm>> -> memref<1x8x24xf32, #tpu.memory_space<hbm>>
        %dma_start3A_1096 = tpu.memref_squeeze %dma_start3A_1095 : memref<1x8x24xf32, #tpu.memory_space<hbm>> -> memref<8x24xf32, #tpu.memory_space<hbm>>
        %dma_start3A_1097 = arith.constant 0 : i32
        %dma_start3A_1098 = arith.constant 0 : i32
        %dma_start3A_1099 = tpu.memref_slice %arg15[%dma_start3A_1097, %dma_start3A_1098] : memref<64x24xf32, #tpu.memory_space<vmem>> -> memref<8x24xf32, #tpu.memory_space<vmem>>
        %dma_start3A_1100 = arith.constant 0 : i32
        %dma_start3A_1101 = arith.constant 0 : i32
        %dma_start3A_1102 = tpu.memref_slice %arg3[%add3A_1089, %dma_start3A_1100, %dma_start3A_1101] : memref<4096x8x24xf32, #tpu.memory_space<hbm>> -> memref<1x8x24xf32, #tpu.memory_space<hbm>>
        %dma_start3A_1103 = tpu.memref_squeeze %dma_start3A_1102 : memref<1x8x24xf32, #tpu.memory_space<hbm>> -> memref<8x24xf32, #tpu.memory_space<hbm>>
        tpu.enqueue_dma source(%dma_start3A_1103 : memref<8x24xf32, #tpu.memory_space<hbm>>) target(%dma_start3A_1099 : memref<8x24xf32, #tpu.memory_space<vmem>>) target_semaphore(%arg19 : memref<!tpu.dma_semaphore, #tpu.memory_space<semaphore_mem>>)
        %add3A_1104 = arith.constant 1 : i32
        %add3A_1105 = arith.addi %add3A_1071, %add3A_1104 : i32
        %dma_start3A_1106 = arith.constant 64 : i32
        %dma_start3A_1107 = arith.constant 0 : i32
        %dma_start3A_1108 = tpu.memref_slice %arg13[%dma_start3A_1106, %dma_start3A_1107] : memref<512x64xf32, #tpu.memory_space<vmem>> -> memref<64x64xf32, #tpu.memory_space<vmem>>
        %dma_start3A_1109 = arith.constant 0 : i32
        %dma_start3A_1110 = arith.constant 0 : i32
        %dma_start3A_1111 = tpu.memref_slice %arg2[%add3A_1105, %dma_start3A_1109, %dma_start3A_1110] : memref<4096x64x64xf32, #tpu.memory_space<hbm>> -> memref<1x64x64xf32, #tpu.memory_space<hbm>>
        %dma_start3A_1112 = tpu.memref_squeeze %dma_start3A_1111 : memref<1x64x64xf32, #tpu.memory_space<hbm>> -> memref<64x64xf32, #tpu.memory_space<hbm>>
        %dma_start3A_1113 = arith.constant 64 : i32
        %dma_start3A_1114 = arith.constant 0 : i32
        %dma_start3A_1115 = tpu.memref_slice %arg13[%dma_start3A_1113, %dma_start3A_1114] : memref<512x64xf32, #tpu.memory_space<vmem>> -> memref<64x64xf32, #tpu.memory_space<vmem>>
        %dma_start3A_1116 = arith.constant 0 : i32
        %dma_start3A_1117 = arith.constant 0 : i32
        %dma_start3A_1118 = tpu.memref_slice %arg2[%add3A_1105, %dma_start3A_1116, %dma_start3A_1117] : memref<4096x64x64xf32, #tpu.memory_space<hbm>> -> memref<1x64x64xf32, #tpu.memory_space<hbm>>
        %dma_start3A_1119 = tpu.memref_squeeze %dma_start3A_1118 : memref<1x64x64xf32, #tpu.memory_space<hbm>> -> memref<64x64xf32, #tpu.memory_space<hbm>>
        tpu.enqueue_dma source(%dma_start3A_1119 : memref<64x64xf32, #tpu.memory_space<hbm>>) target(%dma_start3A_1115 : memref<64x64xf32, #tpu.memory_space<vmem>>) target_semaphore(%arg19 : memref<!tpu.dma_semaphore, #tpu.memory_space<semaphore_mem>>)
        %add3A_1120 = arith.constant 1 : i32
        %add3A_1121 = arith.addi %add3A_1071, %add3A_1120 : i32
        %dma_start3A_1122 = arith.constant 8 : i32
        %dma_start3A_1123 = arith.constant 0 : i32
        %dma_start3A_1124 = tpu.memref_slice %arg15[%dma_start3A_1122, %dma_start3A_1123] : memref<64x24xf32, #tpu.memory_space<vmem>> -> memref<8x24xf32, #tpu.memory_space<vmem>>
        %dma_start3A_1125 = arith.constant 0 : i32
        %dma_start3A_1126 = arith.constant 0 : i32
        %dma_start3A_1127 = tpu.memref_slice %arg3[%add3A_1121, %dma_start3A_1125, %dma_start3A_1126] : memref<4096x8x24xf32, #tpu.memory_space<hbm>> -> memref<1x8x24xf32, #tpu.memory_space<hbm>>
        %dma_start3A_1128 = tpu.memref_squeeze %dma_start3A_1127 : memref<1x8x24xf32, #tpu.memory_space<hbm>> -> memref<8x24xf32, #tpu.memory_space<hbm>>
        %dma_start3A_1129 = arith.constant 8 : i32
        %dma_start3A_1130 = arith.constant 0 : i32
        %dma_start3A_1131 = tpu.memref_slice %arg15[%dma_start3A_1129, %dma_start3A_1130] : memref<64x24xf32, #tpu.memory_space<vmem>> -> memref<8x24xf32, #tpu.memory_space<vmem>>
        %dma_start3A_1132 = arith.constant 0 : i32
        %dma_start3A_1133 = arith.constant 0 : i32
        %dma_start3A_1134 = tpu.memref_slice %arg3[%add3A_1121, %dma_start3A_1132, %dma_start3A_1133] : memref<4096x8x24xf32, #tpu.memory_space<hbm>> -> memref<1x8x24xf32, #tpu.memory_space<hbm>>
        %dma_start3A_1135 = tpu.memref_squeeze %dma_start3A_1134 : memref<1x8x24xf32, #tpu.memory_space<hbm>> -> memref<8x24xf32, #tpu.memory_space<hbm>>
        tpu.enqueue_dma source(%dma_start3A_1135 : memref<8x24xf32, #tpu.memory_space<hbm>>) target(%dma_start3A_1131 : memref<8x24xf32, #tpu.memory_space<vmem>>) target_semaphore(%arg19 : memref<!tpu.dma_semaphore, #tpu.memory_space<semaphore_mem>>)
        %add3A_1136 = arith.constant 2 : i32
        %add3A_1137 = arith.addi %add3A_1071, %add3A_1136 : i32
        %dma_start3A_1138 = arith.constant 128 : i32
        %dma_start3A_1139 = arith.constant 0 : i32
        %dma_start3A_1140 = tpu.memref_slice %arg13[%dma_start3A_1138, %dma_start3A_1139] : memref<512x64xf32, #tpu.memory_space<vmem>> -> memref<64x64xf32, #tpu.memory_space<vmem>>
        %dma_start3A_1141 = arith.constant 0 : i32
        %dma_start3A_1142 = arith.constant 0 : i32
        %dma_start3A_1143 = tpu.memref_slice %arg2[%add3A_1137, %dma_start3A_1141, %dma_start3A_1142] : memref<4096x64x64xf32, #tpu.memory_space<hbm>> -> memref<1x64x64xf32, #tpu.memory_space<hbm>>
        %dma_start3A_1144 = tpu.memref_squeeze %dma_start3A_1143 : memref<1x64x64xf32, #tpu.memory_space<hbm>> -> memref<64x64xf32, #tpu.memory_space<hbm>>
        %dma_start3A_1145 = arith.constant 128 : i32
        %dma_start3A_1146 = arith.constant 0 : i32
        %dma_start3A_1147 = tpu.memref_slice %arg13[%dma_start3A_1145, %dma_start3A_1146] : memref<512x64xf32, #tpu.memory_space<vmem>> -> memref<64x64xf32, #tpu.memory_space<vmem>>
        %dma_start3A_1148 = arith.constant 0 : i32
        %dma_start3A_1149 = arith.constant 0 : i32
        %dma_start3A_1150 = tpu.memref_slice %arg2[%add3A_1137, %dma_start3A_1148, %dma_start3A_1149] : memref<4096x64x64xf32, #tpu.memory_space<hbm>> -> memref<1x64x64xf32, #tpu.memory_space<hbm>>
        %dma_start3A_1151 = tpu.memref_squeeze %dma_start3A_1150 : memref<1x64x64xf32, #tpu.memory_space<hbm>> -> memref<64x64xf32, #tpu.memory_space<hbm>>
        tpu.enqueue_dma source(%dma_start3A_1151 : memref<64x64xf32, #tpu.memory_space<hbm>>) target(%dma_start3A_1147 : memref<64x64xf32, #tpu.memory_space<vmem>>) target_semaphore(%arg19 : memref<!tpu.dma_semaphore, #tpu.memory_space<semaphore_mem>>)
        %add3A_1152 = arith.constant 2 : i32
        %add3A_1153 = arith.addi %add3A_1071, %add3A_1152 : i32
        %dma_start3A_1154 = arith.constant 16 : i32
        %dma_start3A_1155 = arith.constant 0 : i32
        %dma_start3A_1156 = tpu.memref_slice %arg15[%dma_start3A_1154, %dma_start3A_1155] : memref<64x24xf32, #tpu.memory_space<vmem>> -> memref<8x24xf32, #tpu.memory_space<vmem>>
        %dma_start3A_1157 = arith.constant 0 : i32
        %dma_start3A_1158 = arith.constant 0 : i32
        %dma_start3A_1159 = tpu.memref_slice %arg3[%add3A_1153, %dma_start3A_1157, %dma_start3A_1158] : memref<4096x8x24xf32, #tpu.memory_space<hbm>> -> memref<1x8x24xf32, #tpu.memory_space<hbm>>
        %dma_start3A_1160 = tpu.memref_squeeze %dma_start3A_1159 : memref<1x8x24xf32, #tpu.memory_space<hbm>> -> memref<8x24xf32, #tpu.memory_space<hbm>>
        %dma_start3A_1161 = arith.constant 16 : i32
        %dma_start3A_1162 = arith.constant 0 : i32
        %dma_start3A_1163 = tpu.memref_slice %arg15[%dma_start3A_1161, %dma_start3A_1162] : memref<64x24xf32, #tpu.memory_space<vmem>> -> memref<8x24xf32, #tpu.memory_space<vmem>>
        %dma_start3A_1164 = arith.constant 0 : i32
        %dma_start3A_1165 = arith.constant 0 : i32
        %dma_start3A_1166 = tpu.memref_slice %arg3[%add3A_1153, %dma_start3A_1164, %dma_start3A_1165] : memref<4096x8x24xf32, #tpu.memory_space<hbm>> -> memref<1x8x24xf32, #tpu.memory_space<hbm>>
        %dma_start3A_1167 = tpu.memref_squeeze %dma_start3A_1166 : memref<1x8x24xf32, #tpu.memory_space<hbm>> -> memref<8x24xf32, #tpu.memory_space<hbm>>
        tpu.enqueue_dma source(%dma_start3A_1167 : memref<8x24xf32, #tpu.memory_space<hbm>>) target(%dma_start3A_1163 : memref<8x24xf32, #tpu.memory_space<vmem>>) target_semaphore(%arg19 : memref<!tpu.dma_semaphore, #tpu.memory_space<semaphore_mem>>)
        %add3A_1168 = arith.constant 3 : i32
        %add3A_1169 = arith.addi %add3A_1071, %add3A_1168 : i32
        %dma_start3A_1170 = arith.constant 192 : i32
        %dma_start3A_1171 = arith.constant 0 : i32
        %dma_start3A_1172 = tpu.memref_slice %arg13[%dma_start3A_1170, %dma_start3A_1171] : memref<512x64xf32, #tpu.memory_space<vmem>> -> memref<64x64xf32, #tpu.memory_space<vmem>>
        %dma_start3A_1173 = arith.constant 0 : i32
        %dma_start3A_1174 = arith.constant 0 : i32
        %dma_start3A_1175 = tpu.memref_slice %arg2[%add3A_1169, %dma_start3A_1173, %dma_start3A_1174] : memref<4096x64x64xf32, #tpu.memory_space<hbm>> -> memref<1x64x64xf32, #tpu.memory_space<hbm>>
        %dma_start3A_1176 = tpu.memref_squeeze %dma_start3A_1175 : memref<1x64x64xf32, #tpu.memory_space<hbm>> -> memref<64x64xf32, #tpu.memory_space<hbm>>
        %dma_start3A_1177 = arith.constant 192 : i32
        %dma_start3A_1178 = arith.constant 0 : i32
        %dma_start3A_1179 = tpu.memref_slice %arg13[%dma_start3A_1177, %dma_start3A_1178] : memref<512x64xf32, #tpu.memory_space<vmem>> -> memref<64x64xf32, #tpu.memory_space<vmem>>
        %dma_start3A_1180 = arith.constant 0 : i32
        %dma_start3A_1181 = arith.constant 0 : i32
        %dma_start3A_1182 = tpu.memref_slice %arg2[%add3A_1169, %dma_start3A_1180, %dma_start3A_1181] : memref<4096x64x64xf32, #tpu.memory_space<hbm>> -> memref<1x64x64xf32, #tpu.memory_space<hbm>>
        %dma_start3A_1183 = tpu.memref_squeeze %dma_start3A_1182 : memref<1x64x64xf32, #tpu.memory_space<hbm>> -> memref<64x64xf32, #tpu.memory_space<hbm>>
        tpu.enqueue_dma source(%dma_start3A_1183 : memref<64x64xf32, #tpu.memory_space<hbm>>) target(%dma_start3A_1179 : memref<64x64xf32, #tpu.memory_space<vmem>>) target_semaphore(%arg19 : memref<!tpu.dma_semaphore, #tpu.memory_space<semaphore_mem>>)
        %add3A_1184 = arith.constant 3 : i32
        %add3A_1185 = arith.addi %add3A_1071, %add3A_1184 : i32
        %dma_start3A_1186 = arith.constant 24 : i32
        %dma_start3A_1187 = arith.constant 0 : i32
        %dma_start3A_1188 = tpu.memref_slice %arg15[%dma_start3A_1186, %dma_start3A_1187] : memref<64x24xf32, #tpu.memory_space<vmem>> -> memref<8x24xf32, #tpu.memory_space<vmem>>
        %dma_start3A_1189 = arith.constant 0 : i32
        %dma_start3A_1190 = arith.constant 0 : i32
        %dma_start3A_1191 = tpu.memref_slice %arg3[%add3A_1185, %dma_start3A_1189, %dma_start3A_1190] : memref<4096x8x24xf32, #tpu.memory_space<hbm>> -> memref<1x8x24xf32, #tpu.memory_space<hbm>>
        %dma_start3A_1192 = tpu.memref_squeeze %dma_start3A_1191 : memref<1x8x24xf32, #tpu.memory_space<hbm>> -> memref<8x24xf32, #tpu.memory_space<hbm>>
        %dma_start3A_1193 = arith.constant 24 : i32
        %dma_start3A_1194 = arith.constant 0 : i32
        %dma_start3A_1195 = tpu.memref_slice %arg15[%dma_start3A_1193, %dma_start3A_1194] : memref<64x24xf32, #tpu.memory_space<vmem>> -> memref<8x24xf32, #tpu.memory_space<vmem>>
        %dma_start3A_1196 = arith.constant 0 : i32
        %dma_start3A_1197 = arith.constant 0 : i32
        %dma_start3A_1198 = tpu.memref_slice %arg3[%add3A_1185, %dma_start3A_1196, %dma_start3A_1197] : memref<4096x8x24xf32, #tpu.memory_space<hbm>> -> memref<1x8x24xf32, #tpu.memory_space<hbm>>
        %dma_start3A_1199 = tpu.memref_squeeze %dma_start3A_1198 : memref<1x8x24xf32, #tpu.memory_space<hbm>> -> memref<8x24xf32, #tpu.memory_space<hbm>>
        tpu.enqueue_dma source(%dma_start3A_1199 : memref<8x24xf32, #tpu.memory_space<hbm>>) target(%dma_start3A_1195 : memref<8x24xf32, #tpu.memory_space<vmem>>) target_semaphore(%arg19 : memref<!tpu.dma_semaphore, #tpu.memory_space<semaphore_mem>>)
        %add3A_1200 = arith.constant 4 : i32
        %add3A_1201 = arith.addi %add3A_1071, %add3A_1200 : i32
        %dma_start3A_1202 = arith.constant 256 : i32
        %dma_start3A_1203 = arith.constant 0 : i32
        %dma_start3A_1204 = tpu.memref_slice %arg13[%dma_start3A_1202, %dma_start3A_1203] : memref<512x64xf32, #tpu.memory_space<vmem>> -> memref<64x64xf32, #tpu.memory_space<vmem>>
        %dma_start3A_1205 = arith.constant 0 : i32
        %dma_start3A_1206 = arith.constant 0 : i32
        %dma_start3A_1207 = tpu.memref_slice %arg2[%add3A_1201, %dma_start3A_1205, %dma_start3A_1206] : memref<4096x64x64xf32, #tpu.memory_space<hbm>> -> memref<1x64x64xf32, #tpu.memory_space<hbm>>
        %dma_start3A_1208 = tpu.memref_squeeze %dma_start3A_1207 : memref<1x64x64xf32, #tpu.memory_space<hbm>> -> memref<64x64xf32, #tpu.memory_space<hbm>>
        %dma_start3A_1209 = arith.constant 256 : i32
        %dma_start3A_1210 = arith.constant 0 : i32
        %dma_start3A_1211 = tpu.memref_slice %arg13[%dma_start3A_1209, %dma_start3A_1210] : memref<512x64xf32, #tpu.memory_space<vmem>> -> memref<64x64xf32, #tpu.memory_space<vmem>>
        %dma_start3A_1212 = arith.constant 0 : i32
        %dma_start3A_1213 = arith.constant 0 : i32
        %dma_start3A_1214 = tpu.memref_slice %arg2[%add3A_1201, %dma_start3A_1212, %dma_start3A_1213] : memref<4096x64x64xf32, #tpu.memory_space<hbm>> -> memref<1x64x64xf32, #tpu.memory_space<hbm>>
        %dma_start3A_1215 = tpu.memref_squeeze %dma_start3A_1214 : memref<1x64x64xf32, #tpu.memory_space<hbm>> -> memref<64x64xf32, #tpu.memory_space<hbm>>
        tpu.enqueue_dma source(%dma_start3A_1215 : memref<64x64xf32, #tpu.memory_space<hbm>>) target(%dma_start3A_1211 : memref<64x64xf32, #tpu.memory_space<vmem>>) target_semaphore(%arg19 : memref<!tpu.dma_semaphore, #tpu.memory_space<semaphore_mem>>)
        %add3A_1216 = arith.constant 4 : i32
        %add3A_1217 = arith.addi %add3A_1071, %add3A_1216 : i32
        %dma_start3A_1218 = arith.constant 32 : i32
        %dma_start3A_1219 = arith.constant 0 : i32
        %dma_start3A_1220 = tpu.memref_slice %arg15[%dma_start3A_1218, %dma_start3A_1219] : memref<64x24xf32, #tpu.memory_space<vmem>> -> memref<8x24xf32, #tpu.memory_space<vmem>>
        %dma_start3A_1221 = arith.constant 0 : i32
        %dma_start3A_1222 = arith.constant 0 : i32
        %dma_start3A_1223 = tpu.memref_slice %arg3[%add3A_1217, %dma_start3A_1221, %dma_start3A_1222] : memref<4096x8x24xf32, #tpu.memory_space<hbm>> -> memref<1x8x24xf32, #tpu.memory_space<hbm>>
        %dma_start3A_1224 = tpu.memref_squeeze %dma_start3A_1223 : memref<1x8x24xf32, #tpu.memory_space<hbm>> -> memref<8x24xf32, #tpu.memory_space<hbm>>
        %dma_start3A_1225 = arith.constant 32 : i32
        %dma_start3A_1226 = arith.constant 0 : i32
        %dma_start3A_1227 = tpu.memref_slice %arg15[%dma_start3A_1225, %dma_start3A_1226] : memref<64x24xf32, #tpu.memory_space<vmem>> -> memref<8x24xf32, #tpu.memory_space<vmem>>
        %dma_start3A_1228 = arith.constant 0 : i32
        %dma_start3A_1229 = arith.constant 0 : i32
        %dma_start3A_1230 = tpu.memref_slice %arg3[%add3A_1217, %dma_start3A_1228, %dma_start3A_1229] : memref<4096x8x24xf32, #tpu.memory_space<hbm>> -> memref<1x8x24xf32, #tpu.memory_space<hbm>>
        %dma_start3A_1231 = tpu.memref_squeeze %dma_start3A_1230 : memref<1x8x24xf32, #tpu.memory_space<hbm>> -> memref<8x24xf32, #tpu.memory_space<hbm>>
        tpu.enqueue_dma source(%dma_start3A_1231 : memref<8x24xf32, #tpu.memory_space<hbm>>) target(%dma_start3A_1227 : memref<8x24xf32, #tpu.memory_space<vmem>>) target_semaphore(%arg19 : memref<!tpu.dma_semaphore, #tpu.memory_space<semaphore_mem>>)
        %add3A_1232 = arith.constant 5 : i32
        %add3A_1233 = arith.addi %add3A_1071, %add3A_1232 : i32
        %dma_start3A_1234 = arith.constant 320 : i32
        %dma_start3A_1235 = arith.constant 0 : i32
        %dma_start3A_1236 = tpu.memref_slice %arg13[%dma_start3A_1234, %dma_start3A_1235] : memref<512x64xf32, #tpu.memory_space<vmem>> -> memref<64x64xf32, #tpu.memory_space<vmem>>
        %dma_start3A_1237 = arith.constant 0 : i32
        %dma_start3A_1238 = arith.constant 0 : i32
        %dma_start3A_1239 = tpu.memref_slice %arg2[%add3A_1233, %dma_start3A_1237, %dma_start3A_1238] : memref<4096x64x64xf32, #tpu.memory_space<hbm>> -> memref<1x64x64xf32, #tpu.memory_space<hbm>>
        %dma_start3A_1240 = tpu.memref_squeeze %dma_start3A_1239 : memref<1x64x64xf32, #tpu.memory_space<hbm>> -> memref<64x64xf32, #tpu.memory_space<hbm>>
        %dma_start3A_1241 = arith.constant 320 : i32
        %dma_start3A_1242 = arith.constant 0 : i32
        %dma_start3A_1243 = tpu.memref_slice %arg13[%dma_start3A_1241, %dma_start3A_1242] : memref<512x64xf32, #tpu.memory_space<vmem>> -> memref<64x64xf32, #tpu.memory_space<vmem>>
        %dma_start3A_1244 = arith.constant 0 : i32
        %dma_start3A_1245 = arith.constant 0 : i32
        %dma_start3A_1246 = tpu.memref_slice %arg2[%add3A_1233, %dma_start3A_1244, %dma_start3A_1245] : memref<4096x64x64xf32, #tpu.memory_space<hbm>> -> memref<1x64x64xf32, #tpu.memory_space<hbm>>
        %dma_start3A_1247 = tpu.memref_squeeze %dma_start3A_1246 : memref<1x64x64xf32, #tpu.memory_space<hbm>> -> memref<64x64xf32, #tpu.memory_space<hbm>>
        tpu.enqueue_dma source(%dma_start3A_1247 : memref<64x64xf32, #tpu.memory_space<hbm>>) target(%dma_start3A_1243 : memref<64x64xf32, #tpu.memory_space<vmem>>) target_semaphore(%arg19 : memref<!tpu.dma_semaphore, #tpu.memory_space<semaphore_mem>>)
        %add3A_1248 = arith.constant 5 : i32
        %add3A_1249 = arith.addi %add3A_1071, %add3A_1248 : i32
        %dma_start3A_1250 = arith.constant 40 : i32
        %dma_start3A_1251 = arith.constant 0 : i32
        %dma_start3A_1252 = tpu.memref_slice %arg15[%dma_start3A_1250, %dma_start3A_1251] : memref<64x24xf32, #tpu.memory_space<vmem>> -> memref<8x24xf32, #tpu.memory_space<vmem>>
        %dma_start3A_1253 = arith.constant 0 : i32
        %dma_start3A_1254 = arith.constant 0 : i32
        %dma_start3A_1255 = tpu.memref_slice %arg3[%add3A_1249, %dma_start3A_1253, %dma_start3A_1254] : memref<4096x8x24xf32, #tpu.memory_space<hbm>> -> memref<1x8x24xf32, #tpu.memory_space<hbm>>
        %dma_start3A_1256 = tpu.memref_squeeze %dma_start3A_1255 : memref<1x8x24xf32, #tpu.memory_space<hbm>> -> memref<8x24xf32, #tpu.memory_space<hbm>>
        %dma_start3A_1257 = arith.constant 40 : i32
        %dma_start3A_1258 = arith.constant 0 : i32
        %dma_start3A_1259 = tpu.memref_slice %arg15[%dma_start3A_1257, %dma_start3A_1258] : memref<64x24xf32, #tpu.memory_space<vmem>> -> memref<8x24xf32, #tpu.memory_space<vmem>>
        %dma_start3A_1260 = arith.constant 0 : i32
        %dma_start3A_1261 = arith.constant 0 : i32
        %dma_start3A_1262 = tpu.memref_slice %arg3[%add3A_1249, %dma_start3A_1260, %dma_start3A_1261] : memref<4096x8x24xf32, #tpu.memory_space<hbm>> -> memref<1x8x24xf32, #tpu.memory_space<hbm>>
        %dma_start3A_1263 = tpu.memref_squeeze %dma_start3A_1262 : memref<1x8x24xf32, #tpu.memory_space<hbm>> -> memref<8x24xf32, #tpu.memory_space<hbm>>
        tpu.enqueue_dma source(%dma_start3A_1263 : memref<8x24xf32, #tpu.memory_space<hbm>>) target(%dma_start3A_1259 : memref<8x24xf32, #tpu.memory_space<vmem>>) target_semaphore(%arg19 : memref<!tpu.dma_semaphore, #tpu.memory_space<semaphore_mem>>)
        %add3A_1264 = arith.constant 6 : i32
        %add3A_1265 = arith.addi %add3A_1071, %add3A_1264 : i32
        %dma_start3A_1266 = arith.constant 384 : i32
        %dma_start3A_1267 = arith.constant 0 : i32
        %dma_start3A_1268 = tpu.memref_slice %arg13[%dma_start3A_1266, %dma_start3A_1267] : memref<512x64xf32, #tpu.memory_space<vmem>> -> memref<64x64xf32, #tpu.memory_space<vmem>>
        %dma_start3A_1269 = arith.constant 0 : i32
        %dma_start3A_1270 = arith.constant 0 : i32
        %dma_start3A_1271 = tpu.memref_slice %arg2[%add3A_1265, %dma_start3A_1269, %dma_start3A_1270] : memref<4096x64x64xf32, #tpu.memory_space<hbm>> -> memref<1x64x64xf32, #tpu.memory_space<hbm>>
        %dma_start3A_1272 = tpu.memref_squeeze %dma_start3A_1271 : memref<1x64x64xf32, #tpu.memory_space<hbm>> -> memref<64x64xf32, #tpu.memory_space<hbm>>
        %dma_start3A_1273 = arith.constant 384 : i32
        %dma_start3A_1274 = arith.constant 0 : i32
        %dma_start3A_1275 = tpu.memref_slice %arg13[%dma_start3A_1273, %dma_start3A_1274] : memref<512x64xf32, #tpu.memory_space<vmem>> -> memref<64x64xf32, #tpu.memory_space<vmem>>
        %dma_start3A_1276 = arith.constant 0 : i32
        %dma_start3A_1277 = arith.constant 0 : i32
        %dma_start3A_1278 = tpu.memref_slice %arg2[%add3A_1265, %dma_start3A_1276, %dma_start3A_1277] : memref<4096x64x64xf32, #tpu.memory_space<hbm>> -> memref<1x64x64xf32, #tpu.memory_space<hbm>>
        %dma_start3A_1279 = tpu.memref_squeeze %dma_start3A_1278 : memref<1x64x64xf32, #tpu.memory_space<hbm>> -> memref<64x64xf32, #tpu.memory_space<hbm>>
        tpu.enqueue_dma source(%dma_start3A_1279 : memref<64x64xf32, #tpu.memory_space<hbm>>) target(%dma_start3A_1275 : memref<64x64xf32, #tpu.memory_space<vmem>>) target_semaphore(%arg19 : memref<!tpu.dma_semaphore, #tpu.memory_space<semaphore_mem>>)
        %add3A_1280 = arith.constant 6 : i32
        %add3A_1281 = arith.addi %add3A_1071, %add3A_1280 : i32
        %dma_start3A_1282 = arith.constant 48 : i32
        %dma_start3A_1283 = arith.constant 0 : i32
        %dma_start3A_1284 = tpu.memref_slice %arg15[%dma_start3A_1282, %dma_start3A_1283] : memref<64x24xf32, #tpu.memory_space<vmem>> -> memref<8x24xf32, #tpu.memory_space<vmem>>
        %dma_start3A_1285 = arith.constant 0 : i32
        %dma_start3A_1286 = arith.constant 0 : i32
        %dma_start3A_1287 = tpu.memref_slice %arg3[%add3A_1281, %dma_start3A_1285, %dma_start3A_1286] : memref<4096x8x24xf32, #tpu.memory_space<hbm>> -> memref<1x8x24xf32, #tpu.memory_space<hbm>>
        %dma_start3A_1288 = tpu.memref_squeeze %dma_start3A_1287 : memref<1x8x24xf32, #tpu.memory_space<hbm>> -> memref<8x24xf32, #tpu.memory_space<hbm>>
        %dma_start3A_1289 = arith.constant 48 : i32
        %dma_start3A_1290 = arith.constant 0 : i32
        %dma_start3A_1291 = tpu.memref_slice %arg15[%dma_start3A_1289, %dma_start3A_1290] : memref<64x24xf32, #tpu.memory_space<vmem>> -> memref<8x24xf32, #tpu.memory_space<vmem>>
        %dma_start3A_1292 = arith.constant 0 : i32
        %dma_start3A_1293 = arith.constant 0 : i32
        %dma_start3A_1294 = tpu.memref_slice %arg3[%add3A_1281, %dma_start3A_1292, %dma_start3A_1293] : memref<4096x8x24xf32, #tpu.memory_space<hbm>> -> memref<1x8x24xf32, #tpu.memory_space<hbm>>
        %dma_start3A_1295 = tpu.memref_squeeze %dma_start3A_1294 : memref<1x8x24xf32, #tpu.memory_space<hbm>> -> memref<8x24xf32, #tpu.memory_space<hbm>>
        tpu.enqueue_dma source(%dma_start3A_1295 : memref<8x24xf32, #tpu.memory_space<hbm>>) target(%dma_start3A_1291 : memref<8x24xf32, #tpu.memory_space<vmem>>) target_semaphore(%arg19 : memref<!tpu.dma_semaphore, #tpu.memory_space<semaphore_mem>>)
        %add3A_1296 = arith.constant 7 : i32
        %add3A_1297 = arith.addi %add3A_1071, %add3A_1296 : i32
        %dma_start3A_1298 = arith.constant 448 : i32
        %dma_start3A_1299 = arith.constant 0 : i32
        %dma_start3A_1300 = tpu.memref_slice %arg13[%dma_start3A_1298, %dma_start3A_1299] : memref<512x64xf32, #tpu.memory_space<vmem>> -> memref<64x64xf32, #tpu.memory_space<vmem>>
        %dma_start3A_1301 = arith.constant 0 : i32
        %dma_start3A_1302 = arith.constant 0 : i32
        %dma_start3A_1303 = tpu.memref_slice %arg2[%add3A_1297, %dma_start3A_1301, %dma_start3A_1302] : memref<4096x64x64xf32, #tpu.memory_space<hbm>> -> memref<1x64x64xf32, #tpu.memory_space<hbm>>
        %dma_start3A_1304 = tpu.memref_squeeze %dma_start3A_1303 : memref<1x64x64xf32, #tpu.memory_space<hbm>> -> memref<64x64xf32, #tpu.memory_space<hbm>>
        %dma_start3A_1305 = arith.constant 448 : i32
        %dma_start3A_1306 = arith.constant 0 : i32
        %dma_start3A_1307 = tpu.memref_slice %arg13[%dma_start3A_1305, %dma_start3A_1306] : memref<512x64xf32, #tpu.memory_space<vmem>> -> memref<64x64xf32, #tpu.memory_space<vmem>>
        %dma_start3A_1308 = arith.constant 0 : i32
        %dma_start3A_1309 = arith.constant 0 : i32
        %dma_start3A_1310 = tpu.memref_slice %arg2[%add3A_1297, %dma_start3A_1308, %dma_start3A_1309] : memref<4096x64x64xf32, #tpu.memory_space<hbm>> -> memref<1x64x64xf32, #tpu.memory_space<hbm>>
        %dma_start3A_1311 = tpu.memref_squeeze %dma_start3A_1310 : memref<1x64x64xf32, #tpu.memory_space<hbm>> -> memref<64x64xf32, #tpu.memory_space<hbm>>
        tpu.enqueue_dma source(%dma_start3A_1311 : memref<64x64xf32, #tpu.memory_space<hbm>>) target(%dma_start3A_1307 : memref<64x64xf32, #tpu.memory_space<vmem>>) target_semaphore(%arg19 : memref<!tpu.dma_semaphore, #tpu.memory_space<semaphore_mem>>)
        %add3A_1312 = arith.constant 7 : i32
        %add3A_1313 = arith.addi %add3A_1071, %add3A_1312 : i32
        %dma_start3A_1314 = arith.constant 56 : i32
        %dma_start3A_1315 = arith.constant 0 : i32
        %dma_start3A_1316 = tpu.memref_slice %arg15[%dma_start3A_1314, %dma_start3A_1315] : memref<64x24xf32, #tpu.memory_space<vmem>> -> memref<8x24xf32, #tpu.memory_space<vmem>>
        %dma_start3A_1317 = arith.constant 0 : i32
        %dma_start3A_1318 = arith.constant 0 : i32
        %dma_start3A_1319 = tpu.memref_slice %arg3[%add3A_1313, %dma_start3A_1317, %dma_start3A_1318] : memref<4096x8x24xf32, #tpu.memory_space<hbm>> -> memref<1x8x24xf32, #tpu.memory_space<hbm>>
        %dma_start3A_1320 = tpu.memref_squeeze %dma_start3A_1319 : memref<1x8x24xf32, #tpu.memory_space<hbm>> -> memref<8x24xf32, #tpu.memory_space<hbm>>
        %dma_start3A_1321 = arith.constant 56 : i32
        %dma_start3A_1322 = arith.constant 0 : i32
        %dma_start3A_1323 = tpu.memref_slice %arg15[%dma_start3A_1321, %dma_start3A_1322] : memref<64x24xf32, #tpu.memory_space<vmem>> -> memref<8x24xf32, #tpu.memory_space<vmem>>
        %dma_start3A_1324 = arith.constant 0 : i32
        %dma_start3A_1325 = arith.constant 0 : i32
        %dma_start3A_1326 = tpu.memref_slice %arg3[%add3A_1313, %dma_start3A_1324, %dma_start3A_1325] : memref<4096x8x24xf32, #tpu.memory_space<hbm>> -> memref<1x8x24xf32, #tpu.memory_space<hbm>>
        %dma_start3A_1327 = tpu.memref_squeeze %dma_start3A_1326 : memref<1x8x24xf32, #tpu.memory_space<hbm>> -> memref<8x24xf32, #tpu.memory_space<hbm>>
        tpu.enqueue_dma source(%dma_start3A_1327 : memref<8x24xf32, #tpu.memory_space<hbm>>) target(%dma_start3A_1323 : memref<8x24xf32, #tpu.memory_space<vmem>>) target_semaphore(%arg19 : memref<!tpu.dma_semaphore, #tpu.memory_space<semaphore_mem>>)
      } else {
      }
    }
    %scan3A_528 = arith.constant 8 : i32
    %dma_wait3A = arith.constant 0 : i32
    %dma_wait3A_529 = arith.constant 0 : i32
    %dma_wait3A_530 = tpu.memref_slice %arg5[%dma_wait3A, %dma_wait3A_529] : memref<4096x1858xf32, #tpu.memory_space<hbm>> -> memref<8x1858xf32, #tpu.memory_space<hbm>>
    %dma_wait3A_531 = arith.constant 0 : i32
    %dma_wait3A_532 = arith.constant 0 : i32
    %dma_wait3A_533 = tpu.memref_slice %arg5[%dma_wait3A_531, %dma_wait3A_532] : memref<4096x1858xf32, #tpu.memory_space<hbm>> -> memref<8x1858xf32, #tpu.memory_space<hbm>>
    tpu.wait_dma2 semaphore(%arg20 : memref<!tpu.dma_semaphore, #tpu.memory_space<semaphore_mem>>) src(%arg16 : memref<8x1858xf32, #tpu.memory_space<vmem>>) dst(%dma_wait3A_533 : memref<8x1858xf32, #tpu.memory_space<hbm>>)
    %dma_wait3A_534 = arith.constant 0 : i32
    %dma_wait3A_535 = arith.constant 0 : i32
    %dma_wait3A_536 = tpu.memref_slice %arg5[%dma_wait3A_534, %dma_wait3A_535] : memref<4096x1858xf32, #tpu.memory_space<hbm>> -> memref<8x1858xf32, #tpu.memory_space<hbm>>
    %dma_wait3A_537 = arith.constant 0 : i32
    %dma_wait3A_538 = arith.constant 0 : i32
    %dma_wait3A_539 = tpu.memref_slice %arg5[%dma_wait3A_537, %dma_wait3A_538] : memref<4096x1858xf32, #tpu.memory_space<hbm>> -> memref<8x1858xf32, #tpu.memory_space<hbm>>
    tpu.wait_dma2 semaphore(%arg21 : memref<!tpu.dma_semaphore, #tpu.memory_space<semaphore_mem>>) src(%arg17 : memref<8x1858xf32, #tpu.memory_space<vmem>>) dst(%dma_wait3A_539 : memref<8x1858xf32, #tpu.memory_space<hbm>>)
    return
  }
}

</mosaic_0001>

<sc_bundles>
// kernel: kernel.3.cloned.1.call-start
scs
__scs_entry_jumppad:
0x0: {  	(pc) =	sbr.rel $0x88, $3  }
0x1: {  	(tag) =	ssettag $0x0;
	lr =	simm.s32 $0x1  }
0x2: {  	[smem:$0x3F9E] =	sst lr;
	_ =	strace $0xD0000000  }
0x3: {  	_ = 	snop  }
0x4: {  	_ = 	snop  }
0x5: {  	_ = 	snop  }
0x6: {  	_ = 	snop  }
0x7: {  	_ = 	snop  }
__scs_overlays_trampoline_lowered:
0x8: {  	[smem:$0x3FAD] =	sst s0  }
0x9: {  	[smem:$0x3FAE] =	sst s1  }
0xa: {  	[smem:$0x3FAF] =	sst s2  }
0xb: {  	[smem:$0x3FB0] =	sst s3  }
0xc: {  	[smem:$0x3FB1] =	sst s4  }
0xd: {  	[smem:$0x3FB2] =	sst s5  }
0xe: {  	[smem:$0x3FB3] =	sst s6  }
0xf: {  	[smem:$0x3FB4] =	sst s7  }
0x10: {  	[smem:$0x3FB5] =	sst s8  }
0x11: {  	[smem:$0x3FB6] =	sst s9;
	s0 =	simm.s32 @!p0 $0x0  }
0x12: {  	s1 =	sld [smem:$0x3F9C];
	s0 =	simm.s32 @p0 $0x1  }
0x13: {  	[smem:$0x3FB7] =	sst s0;
	s0 =	simm.s32 @!p1 $0x0  }
0x14: {  	s2 =	sld [smem:$0x3F9B];
	s0 =	simm.s32 @p1 $0x1  }
0x15: {  	[smem:$0x3FB8] =	sst s0;
	s0 =	simm.s32 @!p2 $0x0  }
0x16: {  	s3 =	sld [smem:$0x3FDB];
	s0 =	simm.s32 @p2 $0x1  }
0x17: {  	s4 =	simm.s32 $0x1BF5;
	[smem:$0x3FBA] =	sst s0  }
0x18: {  	s0 =	sld [smem:$0x3F9D];
	_ =	swait.ge [sflag:s4], $0x0  }
0x19: {  	s7 =	sld [smem:$0x3F9E]  }
0x1a: {  	s8 =	sadd.s32 $0xFFFFE003, lr  }
0x1b: {  	s9 =	sadd.s32 $0xFFFFFEF7, lr;
	s5 =	simm.s32 $0xFFFFFFFF;
	p2 =	slt.u32 s8, $0xFFFFF086  }
0x1c: {  	p1 =	slt.u32 s9, $0xF7A;
	s5 =	simm.s32 @!p2 $0x0  }
0x1d: {  	s5 =	simm.s32 @p1 $0x1;
	p0 =	seq.s32 s7, s2  }
0x1e: {  	s7 =	smul.u32 @!p0 $0xF7A, s2;
	p2 =	seq.s32 @!p0 s5, $0x0  }
0x1f: {  	s9 =	smul.u32 $0xF7A, s1;
	s8 =	simm.s32 @!p0 $0x1BF5;
	p2 =	por !p2, p0  }
0x20: {  	[sflag:s8] =	ssyncset.s32 @!p0 $0xFFFFF086;
	s6 =	sadd.s32 @!p0 s3, s7;
	s7 =	simm.s32 @!p0 $0x108  }
0x21: {  	s3 =	sadd.s32 s3, s9;
	s6 =	sadd.s32 @!p0 $0x88, s6;
	s7 =	simm.s32 @p2 $0x1082  }
0x22: {  	[simem:s7], [sflag:s8] =	dma.local @!p0 [hbm:s6], $0xF7A  }
0x23: {  	s9 =	sor.u32 $0xD0000000, s2;
	s6 =	simm.s32 $0x108;
	_ =	swait.ge @!p0 [sflag:s8], $0x0  }
0x24: {  	s3 =	sadd.s32 $0x88, s3;
	s6 =	simm.s32 @!p1 $0x1082;
	[sflag:s4] =	ssyncset.s32 $0xFFFFF086  }
0x25: {  	[simem:s6], [sflag:s4] =	dma.local [hbm:s3], $0xF7A  }
0x26: {  	[smem:$0x3F9E] =	sst s1;
	(tag) =	ssettag s2;
	_ =	strace s9  }
0x27: {  	s1 =	sld [smem:$0x3FAE]  }
0x28: {  	s2 =	sld [smem:$0x3FAF]  }
0x29: {  	s4 =	sld [smem:$0x3FB1]  }
0x2a: {  	p0 =	seq.s32 s5, $0x0;
	s5 =	sld [smem:$0x3FB2]  }
0x2b: {  	s6 =	sld [smem:$0x3FB3]  }
0x2c: {  	s7 =	sld [smem:$0x3FB4]  }
0x2d: {  	s3 =	simm.s32 $0x108;
	s8 =	sld [smem:$0x3FB5]  }
0x2e: {  	s3 =	simm.s32 @!p0 $0x1082;
	s9 =	sld [smem:$0x3FB6]  }
0x2f: {  	lr =	sadd.s32 s0, s3;
	s0 =	sld [smem:$0x3FAD]  }
0x30: {  	s3 =	sld [smem:$0x3FB0]  }
0x31: {  	[smem:$0x3FB9] =	sst s10  }
0x32: {  	s10 =	sld [smem:$0x3FB7];
	_ =	sdelay $0x3  }
0x33: {  	p0 =	seq.s32 s10, $0x1;
	s10 =	sld [smem:$0x3FB9];
	_ =	sdelay $0x3  }
0x34: {  	[smem:$0x3FB9] =	sst s10  }
0x35: {  	s10 =	sld [smem:$0x3FB8];
	_ =	sdelay $0x3  }
0x36: {  	p1 =	seq.s32 s10, $0x1;
	s10 =	sld [smem:$0x3FB9];
	_ =	sdelay $0x3  }
0x37: {  	[smem:$0x3FB9] =	sst s10  }
0x38: {  	s10 =	sld [smem:$0x3FBA]  }
0x39: {  	_ = 	snop;
	(pc) =	sbr.ind lr, $3  }
0x3a: {  	_ = 	snop  }
0x3b: {  	_ = 	snop  }
0x3c: {  	p2 =	seq.s32 s10, $0x1;
	s10 =	sld [smem:$0x3FB9]  }
0x3d: {  	_ =	shalt  }
0x3e: {  	_ =	shalt  }
0x3f: {  	_ =	shalt  }
0x40: {  	_ =	shalt  }
0x41: {  	_ =	shalt  }
0x42: {  	_ =	shalt  }
0x43: {  	_ =	shalt  }
0x44: {  	_ =	shalt  }
0x45: {  	_ =	shalt  }
0x46: {  	_ =	shalt  }
0x47: {  	_ =	shalt  }
0x48: {  	_ =	shalt  }
0x49: {  	_ =	shalt  }
0x4a: {  	_ =	shalt  }
0x4b: {  	_ =	shalt  }
0x4c: {  	_ =	shalt  }
0x4d: {  	_ =	shalt  }
0x4e: {  	_ =	shalt  }
0x4f: {  	_ =	shalt  }
0x50: {  	_ =	shalt  }
0x51: {  	_ =	shalt  }
0x52: {  	_ =	shalt  }
0x53: {  	_ =	shalt  }
0x54: {  	_ =	shalt  }
0x55: {  	_ =	shalt  }
0x56: {  	_ =	shalt  }
0x57: {  	_ =	shalt  }
0x58: {  	_ =	shalt  }
0x59: {  	_ =	shalt  }
0x5a: {  	_ =	shalt  }
0x5b: {  	_ =	shalt  }
0x5c: {  	_ =	shalt  }
0x5d: {  	_ =	shalt  }
0x5e: {  	_ =	shalt  }
0x5f: {  	_ =	shalt  }
0x60: {  	_ =	shalt  }
0x61: {  	_ =	shalt  }
0x62: {  	_ =	shalt  }
0x63: {  	_ =	shalt  }
0x64: {  	_ =	shalt  }
0x65: {  	_ =	shalt  }
0x66: {  	_ =	shalt  }
0x67: {  	_ =	shalt  }
0x68: {  	_ =	shalt  }
0x69: {  	_ =	shalt  }
0x6a: {  	_ =	shalt  }
0x6b: {  	_ =	shalt  }
0x6c: {  	_ =	shalt  }
0x6d: {  	_ =	shalt  }
0x6e: {  	_ =	shalt  }
0x6f: {  	_ =	shalt  }
0x70: {  	_ =	shalt  }
0x71: {  	_ =	shalt  }
0x72: {  	_ =	shalt  }
0x73: {  	_ =	shalt  }
0x74: {  	_ =	shalt  }
0x75: {  	_ =	shalt  }
0x76: {  	_ =	shalt  }
0x77: {  	_ =	shalt  }
0x78: {  	_ =	shalt  }
0x79: {  	_ =	shalt  }
0x7a: {  	_ =	shalt  }
0x7b: {  	_ =	shalt  }
0x7c: {  	_ =	shalt  }
0x7d: {  	_ =	shalt  }
0x7e: {  	_ =	shalt  }
0x7f: {  	_ =	shalt  }
0x80: {  	_ =	shalt  }
0x81: {  	_ =	shalt  }
0x82: {  	_ =	shalt  }
0x83: {  	_ =	shalt  }
0x84: {  	_ =	shalt  }
0x85: {  	_ =	shalt  }
0x86: {  	_ =	shalt  }
0x87: {  	_ =	shalt  }
.Lfunc_end0:
.L_simem_size_0:
called_computation_lowered:
.L_overlay_start_0:
0x88: {  	s2 =	sld [smem:$0x3FD9]  }
0x89: {  	s3 =	sld [smem:$0x3FFE];
	_ =	sdelay $0x1  }
0x8a: {  	s1 =	srdreg.scid  }
0x8b: {  	s0 =	sand.u32 $0x1, s1  }
0x8c: {  	s17 =	sshll.u32 s0, $0xA;
	s2 =	sadd.s32 s3, s2  }
0x8d: {  	s2 =	sadd.s32 s2, s17  }
0x8e: {  	[smem:$0x3FC5] =	sst s2  }
0x8f: {  	_ = 	snop  }
0x90: {  	s2 =	sld [smem:$0x3FD0];
	(tm) =	ssettm $0x1  }
0x91: {  	s18 =	sld [smem:$0x3FFB];
	_ =	sdelay $0x3  }
0x92: {  	_ =	strace s18  }
0x93: {  	s3 =	sld [smem:$0x3FFC];
	_ =	sdelay $0x3  }
0x94: {  	_ =	strace s3  }
0x95: {  	s3 =	sld [smem:$0x3FFD];
	_ =	sdelay $0x3  }
0x96: {  	_ =	strace s3  }
0x97: {  	_ =	strace $0x8FFFFFFF  }
0x98: {  	s19 =	sld [smem:$0x3FDB];
	_ =	sdelay $0x1  }
0x99: {  	s4 =	simm.s32 $_scs_section_size  }
0x9a: {  	s5 =	simm.s32 $_size__tile_overlayer_lowered;
	s6 =	simm.s32 $_tile_overlayer_lowered  }
0x9b: {  	s22 =	simm.s32 $0x1BFF;
	s21 =	sshll.u32 s6, $0x1;
	s3 =	sadd.s32 s4, s19  }
0x9c: {  	s7 =	simm.s32 $0x0;
	s20 =	sshll.u32 s5, $0x1;
	s5 =	sadd.s32 s21, s3  }
0x9d: {  	[timem:s7], [sflag:s22] =	dma.local [hbm:s5], s20  }
0x9e: {  	_ =	swait.ge [sflag:s22], s20  }
0x9f: {  	s4 =	ssub.s32 $0x0, s20;
	[sflag:s22] =	ssyncset.done $0x0  }
0xa0: {  	[sflag:s22] =	ssyncadd.s32 s4;
	_ =	sdelay $0x1  }
0xa1: {  	s23 =	simm.s32 $0x1B8B  }
0xa2: {  	_ =	swait.ge [sflag:s23], $0x1  }
0xa3: {  	[sflag:s23] =	ssyncset.done $0x0  }
0xa4: {  	s25 =	simm.s32 $0x1B8E;
	s24 =	sld [smem:$0x3FFE];
	[sflag:s23] =	ssyncadd.s32 $0xFFFFFFFF  }
0xa5: {  	s26 =	simm.s32 $execute0_lowered;
	[smem:$0x3FD2] =	sst s25  }
0xa6: {  	s5 =	sshll.u32 s26, $0x1;
	_ =	strace $0x80000046;
	[dreg:$0x1] =	wrdreg $0xFFFFFFFF  }
0xa7: {  	s28 =	simm.s32 $_size_execute0_lowered;
	s3 =	sadd.s32 s3, s5;
	[dreg:$0x0] =	wrdreg $0x0  }
0xa8: {  	s5 =	sshll.u32 s28, $0x1;
	[dreg:$0x2] =	wrdreg s3  }
0xa9: {  	[dreg:$0x3] =	wrdreg s5  }
0xaa: {  	[dreg:$0x4] =	wrdreg $0xC0  }
0xab: {  	_ =	task [dreg:s7], $0x5FFFF  }
0xac: {  	[dreg:$0x1] =	wrdreg $0xFFFFFFFF  }
0xad: {  	[dreg:$0x0] =	wrdreg $0x60  }
0xae: {  	[dreg:$0x2] =	wrdreg s24  }
0xaf: {  	[dreg:$0x3] =	wrdreg s2  }
0xb0: {  	[dreg:$0x4] =	wrdreg $0x9  }
0xb1: {  	_ =	task.clear_ibuf [dreg:s7], $0x5FFFF;
	_ =	strace $0x90000046  }
0xb2: {  	s29 =	simm.s32 $0x9;
	_ =	strace $0x80000048  }
0xb3: {  	_ =	swait.ge [sflag:s29], $0x1  }
0xb4: {  	[sflag:s29] =	ssyncadd.s32 $0xFFFFFFFF  }
0xb5: {  	_ =	strace $0x90000048  }
0xb6: {  	_ =	sfence  }
0xb7: {  	s30 =	sld [smem:$0x0];
	_ =	sdelay $0x2  }
0xb8: {  	s31 =	sshll.u32 s1, $0xD;
	s1 =	sshrl.u32 s1, $0x2  }
0xb9: {  	s3 =	sand.u32 $0x4000, s31;
	s1 =	sadd.s32 s1, s30  }
0xba: {  	s0 =	sor.u32 s3, s0;
	s1 =	sshll.u32 s1, $0x11  }
0xbb: {  	s0 =	sor.u32 s1, s0  }
0xbc: {  	s0 =	sadd.s32 $0x8F2B, s0  }
0xbd: {  	[sflag:s0] =	ssyncadd.remote.s32 $0x1  }
0xbe: {  	_ =	sfence.sel $0xFFFF  }
0xbf: {  	[dreg:$0x0] =	wrdreg $0xFFFFFFFF;
	(pc) =	sbr.abs _section_cstart, $3  }
0xc0: {  	[dreg:$0x1] =	wrdreg $0xFFFFFFFF  }
0xc1: {  	_ =	task.clear_ibuf [dreg:s7], $0x2FFFF;
	_ =	strace $0x9FFFFFFF  }
0xc2: {  	(tm) =	ssettm $0x7FFFFFFF  }
0xc3: {  	_ =	shalt  }
tec
execute0_lowered:
.L_overlay_start_1:
0x0: {  	(tag) =	ssettag $0x1  }
0x1: {  	s0 =	rddreg [dreg:$0x0]  }
0x2: {  	s1 =	rddreg [dreg:$0x1];
	s3 =	simm.s32 $0x0;
	s2 =	srdreg.scid  }
0x3: {  	s4 =	stileid.u32;
	s28 =	simm.s32 $0x13750;
	s29 =	simm.s32 $0x1  }
0x4: {  	s30 =	simm.s32 $0x13810;
	s31 =	simm.s32 $0x2;
	[smem:$0x7FF] =	sst s3  }
0x5: {  	s2 =	sand.u32 $0x1, s2;
	s5 =	sshll.u32 s4, $0x8;
	s4 =	sadd.s32 $0x400800, s0  }
0x6: {  	_ =	strace $0x80000047;
	s6 =	sshll.u32 s2, $0x7;
	s2 =	ssub.s32 $0x2, s2  }
0x7: {  	s5 =	sor.u32 s6, s5;
	s6 =	sadd.s32 $0x800, s0;
	s0 =	sadd.s32 $0x18800, s0  }
0x8: {  	s7 =	sshrl.u32 s2, $0x1;
	s8 =	smul.u32 $0x18, s5;
	[dreg:$0x3] =	wrdreg s0  }
0x9: {  	s0 =	ssub.s32 s2, s7;
	s11 =	sshll.u32 s5, $0x9;
	s13 =	sor.u32 $0x1, s5  }
0xa: {  	s15 =	sor.u32 $0x2, s5;
	s9 =	sor.u32 $0x3, s5;
	s22 =	sor.u32 $0x4, s5  }
0xb: {  	s24 =	sor.u32 $0x5, s5;
	s26 =	sor.u32 $0x6, s5;
	s16 =	smul.u32 $0x18, s15  }
0xc: {  	s2 =	sadd.s32 s4, s11;
	s14 =	sshll.u32 s13, $0x9;
	s18 =	smul.u32 $0x18, s9  }
0xd: {  	s17 =	sshll.u32 s15, $0x9;
	s20 =	sshll.u32 s9, $0x9;
	s25 =	smul.u32 $0x18, s24  }
0xe: {  	s23 =	sshll.u32 s22, $0x9;
	s10 =	smul.u32 $0x18, s26;
	s0 =	smax.u32 s0, $0x1  }
0xf: {  	[dreg:$0x4] =	wrdreg s2;
	s12 =	sadd.s32 s6, s8;
	s2 =	smul.u32 $0x18, s13  }
0x10: {  	s7 =	sadd.s32 s4, s14;
	s8 =	sshll.u32 s24, $0x9;
	[smem:$0x7FC] =	sst s0  }
0x11: {  	s14 =	sor.u32 $0x7, s5;
	s24 =	sor.u32 $0xA, s5;
	[dreg:$0x5] =	wrdreg s12  }
0x12: {  	s0 =	simm.s32 $0x17250;
	[dreg:$0x6] =	wrdreg s7;
	s19 =	sadd.s32 s6, s16  }
0x13: {  	s21 =	sadd.s32 s6, s18;
	s7 =	sadd.s32 s4, s23;
	s11 =	sadd.s32 s6, s25  }
0x14: {  	s12 =	sshll.u32 s26, $0x9;
	s13 =	sadd.s32 s6, s10;
	[dreg:$0x9] =	wrdreg s19  }
0x15: {  	s15 =	sshll.u32 s14, $0x9;
	s16 =	sor.u32 $0x8, s5;
	[dreg:$0xb] =	wrdreg s21  }
0x16: {  	s18 =	sor.u32 $0x9, s5;
	s25 =	sshll.u32 s24, $0x9;
	[dreg:$0xc] =	wrdreg s7  }
0x17: {  	s26 =	sor.u32 $0xB, s5;
	s10 =	sor.u32 $0xC, s5;
	[dreg:$0xf] =	wrdreg s11  }
0x18: {  	s2 =	sadd.s32 s6, s2;
	[dreg:$0x11] =	wrdreg s13;
	s7 =	sadd.s32 s4, s15  }
0x19: {  	s19 =	sshll.u32 s16, $0x9;
	s9 =	smul.u32 $0x18, s26;
	s11 =	sshll.u32 s26, $0x9  }
0x1a: {  	s26 =	sor.u32 $0x10, s5;
	[dreg:$0x7] =	wrdreg s2;
	s2 =	sadd.s32 s4, s17  }
0x1b: {  	[dreg:$0x12] =	wrdreg s7;
	s17 =	smul.u32 $0x18, s16;
	s7 =	sadd.s32 s4, s25  }
0x1c: {  	s16 =	sor.u32 $0xD, s5;
	[smem:$0x7FD] =	sst s26;
	s26 =	simm.s32 $0x11C10  }
0x1d: {  	[dreg:$0x8] =	wrdreg s2;
	s2 =	sadd.s32 s4, s20;
	s20 =	smul.u32 $0x18, s18  }
0x1e: {  	[dreg:$0x18] =	wrdreg s7;
	s13 =	sadd.s32 s6, s9;
	s9 =	simm.s32 $0x13210  }
0x1f: {  	[dreg:$0xa] =	wrdreg s2;
	s2 =	smul.u32 $0x18, s22;
	s21 =	sadd.s32 s6, s17  }
0x20: {  	s22 =	sshll.u32 s18, $0x9;
	[dreg:$0x1b] =	wrdreg s13;
	s17 =	sshll.u32 s16, $0x9  }
0x21: {  	s18 =	sor.u32 $0xE, s5;
	[dreg:$0x15] =	wrdreg s21;
	s23 =	sadd.s32 s6, s20  }
0x22: {  	s7 =	sadd.s32 s4, s17;
	s2 =	sadd.s32 s6, s2;
	[dreg:$0x17] =	wrdreg s23  }
0x23: {  	s20 =	sor.u32 $0xF, s5;
	[dreg:$0xd] =	wrdreg s2;
	s2 =	sadd.s32 s4, s8  }
0x24: {  	[dreg:$0xe] =	wrdreg s2;
	s2 =	sadd.s32 s4, s12;
	s12 =	smul.u32 $0x18, s10  }
0x25: {  	s21 =	sshll.u32 s18, $0x9;
	[dreg:$0x10] =	wrdreg s2;
	s2 =	smul.u32 $0x18, s14  }
0x26: {  	s17 =	simm.s32 $0x13450;
	[dreg:$0x1e] =	wrdreg s7;
	s15 =	sadd.s32 s6, s12  }
0x27: {  	s8 =	simm.s32 $0xAC10;
	s2 =	sadd.s32 s6, s2;
	[dreg:$0x1d] =	wrdreg s15  }
0x28: {  	s14 =	sshll.u32 s10, $0x9;
	[dreg:$0x13] =	wrdreg s2;
	s2 =	sadd.s32 s4, s19  }
0x29: {  	s19 =	smul.u32 $0x18, s18;
	[dreg:$0x14] =	wrdreg s2;
	s2 =	sadd.s32 s4, s22  }
0x2a: {  	s10 =	simm.s32 $0x0;
	[dreg:$0x16] =	wrdreg s2;
	s2 =	smul.u32 $0x18, s24  }
0x2b: {  	s18 =	simm.s32 $0x2C10;
	s22 =	smul.u32 $0x18, s20;
	s23 =	sadd.s32 s6, s19  }
0x2c: {  	s24 =	sshll.u32 s20, $0x9;
	[smem:$0x7F9] =	sst s23;
	s2 =	sadd.s32 s6, s2  }
0x2d: {  	s19 =	simm.s32 $0x12C10;
	[dreg:$0x19] =	wrdreg s2;
	s2 =	sadd.s32 s4, s11  }
0x2e: {  	s20 =	simm.s32 $0xEC10;
	[dreg:$0x1a] =	wrdreg s2;
	s2 =	sadd.s32 s4, s14  }
0x2f: {  	s25 =	sadd.s32 s6, s22;
	[dreg:$0x1c] =	wrdreg s2;
	s2 =	smul.u32 $0x18, s16  }
.Ltmp0:
0x30: {  	s22 =	simm.s32 $0xFC10;
	s23 =	simm.s32 $0x135D0;
	(pc) =	sbr.rel .LBB2_1-.Ltmp0, $4  }
0x31: {  	[smem:$0x7FB] =	sst s25;
	s25 =	simm.s32 $0x13690;
	s2 =	sadd.s32 s6, s2  }
0x32: {  	s14 =	simm.s32 $0xDC10;
	[dreg:$0x1f] =	wrdreg s2;
	s2 =	sadd.s32 s4, s21  }
0x33: {  	s16 =	sor.u32 $0x18, s5;
	[smem:$0x7F8] =	sst s2;
	s2 =	sadd.s32 s4, s24  }
0x34: {  	v0 =	vimm.s32 $0x0;
	s21 =	simm.s32 $0x13510;
	s24 =	simm.s32 $0x10C10;
	[smem:$0x7FA] =	sst s2  }
.LBB2_12:
0x35: {  	s2 =	simm.s32 $0x3  }
0x36: {  	_ =	swait.ge [sflag:s2], $0x3A40  }
0x37: {  	[sflag:s2] =	ssyncset.done $0x0  }
0x38: {  	s7 =	simm.s32 $0x4;
	[sflag:s2] =	ssyncadd.s32 $0xFFFFC5C0  }
0x39: {  	_ =	swait.ge [sflag:s7], $0x3A40  }
0x3a: {  	s10 =	sld [smem:$0x7F7]  }
0x3b: {  	s15 =	sld [smem:$0x7FC];
	_ =	sdelay $0x1  }
0x3c: {  	s10 =	sadd.s32 $0x1, s10  }
0x3d: {  	p0 =	sne.s32 s10, s15  }
.Ltmp1:
0x3e: {  	_ = 	snop;
	(pc) =	sbr.rel @!p0 .LBB2_13-.Ltmp1, $3  }
0x3f: {  	_ =	sdelay $0x1  }
0x40: {  	[sflag:s7] =	ssyncset.done $0x0  }
0x41: {  	[sflag:s7] =	ssyncadd.s32 $0xFFFFC5C0  }
.LBB2_1:
0x42: {  	[smem:$0x7F7] =	sst s10  }
0x43: {  	s2 =	rddreg [dreg:$0x3];
	s7 =	simm.s32 $0x5  }
0x44: {  	[tilespmem:s3], [sflag:$0x5] =	stream.linear.gather [hbm4b:s2+s3], $0x780, $0x38;
	[tilespmem:$0x1AC90] =	vst v63  }
0x45: {  	_ =	swait.ge [sflag:s7], $0x780  }
0x46: {  	p0 =	por $0x0, $0x0;
	s2 =	simm.s32 $0x0;
	[sflag:s7] =	ssyncset.done $0x0  }
0x47: {  	s2 =	simm.s32 @p0 $0x732;
	[sflag:s7] =	ssyncadd.s32 $0xFFFFF880  }
0x48: {  	v1 =	vld [tilespmem:s2+$0x0];
	_ =	sdelay $0x4  }
0x49: {  	v2 =	vadd.s32 $0xFFFFF000, v1  }
0x4a: {  	vm0 =	vgt.s32 v2, $0x0  }
0x4b: {  	v3 =	vnsel vm0, $0x0, v2  }
0x4c: {  	v3 =	vmin.u32 v3, $0xBF  }
0x4d: {  	v4 =	vmulhi.u32 $0xAAAAAAB, v3;
	_ =	sdelay $0x1  }
0x4e: {  	v5 =	vmul.u32 $0xE8, v4  }
0x4f: {  	v6 =	vsub.s32 $0x0, v3  }
0x50: {  	v6 =	vand.u32 $0xFF, v6;
	v5 =	vand.u32 $0xFF, v5  }
0x51: {  	vm1 =	vlt.s32 v2, $0x1;
	vm14 =	vne.s32 v5, v6  }
0x52: {  	vm15 =	vlt.s32 v1, $0xFFF;
	vm0 =	vmand vm1, vm14  }
0x53: {  	s7 =	simm.s32 $0x0;
	v2 =	vnsel vm15, $0xFFF, v1;
	v63 =	vsel vm0, $0xFFFFFFFF, v0  }
0x54: {  	[tilespmem:s7+$0x780] =	vst v1;
	v1 =	vshra.s32 v2, $0x6;
	v4 =	vadd.s32 v4, v63  }
0x55: {  	v2 =	vand.u32 $0x3F, v2;
	[tilespmem:s7+$0xED0] =	vst v1;
	v1 =	vmul.u32 $0xFFFFFFE8, v4  }
0x56: {  	p1 =	por $0x0, $0x0;
	[tilespmem:s7+$0x1620] =	vst v2  }
0x57: {  	s11 =	simm.s32 $0x80;
	s10 =	simm.s32 $0x10;
	s2 =	simm.s32 $0x40;
	[tilespmem:s7+$0x1D70] =	vst v4;
	v1 =	vadd.s32 v3, v1  }
.LBB2_2:
0x58: {  	s12 =	smov.u32 s10  }
0x59: {  	p0 =	sne.s32 s11, $0x1D00;
	[tilespmem:s7+$0x24C0] =	vst v1;
	s12 =	simm.s32 @p1 $0x732  }
0x5a: {  	v1 =	vld [tilespmem:s12+$0x0];
	_ =	sdelay $0x3  }
0x5b: {  	s7 =	sshra.s32 s2, $0x2;
	s2 =	smov.u32 s11  }
0x5c: {  	vm0 =	vlt.s32 v1, $0xFFF;
	v2 =	vadd.s32 $0xFFFFF000, v1;
	[tilespmem:s7+$0x780] =	vst v1  }
0x5d: {  	v1 =	vnsel vm0, $0xFFF, v1;
	vm0 =	vgt.s32 v2, $0x0  }
0x5e: {  	v3 =	vnsel vm0, $0x0, v2;
	v4 =	vshra.s32 v1, $0x6;
	v1 =	vand.u32 $0x3F, v1  }
0x5f: {  	v3 =	vmin.u32 v3, $0xBF;
	[tilespmem:s7+$0xED0] =	vst v4  }
0x60: {  	v4 =	vmulhi.u32 $0xAAAAAAB, v3;
	[tilespmem:s7+$0x1620] =	vst v1;
	_ =	sdelay $0x1  }
0x61: {  	v1 =	vmul.u32 $0xE8, v4  }
0x62: {  	v5 =	vsub.s32 $0x0, v3  }
0x63: {  	v5 =	vand.u32 $0xFF, v5;
	v1 =	vand.u32 $0xFF, v1  }
0x64: {  	vm0 =	vlt.s32 v2, $0x1;
	vm1 =	vne.s32 v1, v5  }
0x65: {  	vm0 =	vmand vm0, vm1  }
.Ltmp2:
0x66: {  	v1 =	vsel vm0, $0xFFFFFFFF, v0;
	(pc) =	sbr.rel @p0 .LBB2_2-.Ltmp2, $3  }
0x67: {  	v1 =	vadd.s32 v4, v1  }
0x68: {  	[tilespmem:s7+$0x1D70] =	vst v1;
	v1 =	vmul.u32 $0xFFFFFFE8, v1;
	_ =	sdelay $0x1  }
0x69: {  	s11 =	sadd.s32 $0x40, s11;
	s10 =	sadd.s32 $0x10, s10;
	p1 =	seq.s32 s2, $0x1D00;
	v1 =	vadd.s32 v3, v1  }
0x6a: {  	[tilespmem:s7+$0x24C0] =	vst v1;
	s10 =	simm.s32 @p1 $0x732  }
0x6b: {  	v1 =	vld [tilespmem:s10+$0x0];
	_ =	sdelay $0x4  }
0x6c: {  	v2 =	vadd.s32 $0xFFFFF000, v1  }
0x6d: {  	vm0 =	vgt.s32 v2, $0x0  }
0x6e: {  	v3 =	vnsel vm0, $0x0, v2  }
0x6f: {  	v3 =	vmin.u32 v3, $0xBF  }
0x70: {  	v4 =	vmulhi.u32 $0xAAAAAAB, v3;
	_ =	sdelay $0x1  }
0x71: {  	v5 =	vmul.u32 $0xE8, v4  }
0x72: {  	v6 =	vsub.s32 $0x0, v3  }
0x73: {  	v6 =	vand.u32 $0xFF, v6;
	v5 =	vand.u32 $0xFF, v5  }
0x74: {  	vm1 =	vlt.s32 v2, $0x1;
	vm14 =	vne.s32 v5, v6  }
0x75: {  	vm15 =	vlt.s32 v1, $0xFFF;
	vm0 =	vmand vm1, vm14  }
0x76: {  	s2 =	sshra.s32 s2, $0x2;
	v2 =	vnsel vm15, $0xFFF, v1;
	v63 =	vsel vm0, $0xFFFFFFFF, v0  }
0x77: {  	[tilespmem:s2+$0x780] =	vst v1;
	v1 =	vshra.s32 v2, $0x6;
	v4 =	vadd.s32 v4, v63  }
0x78: {  	v2 =	vand.u32 $0x3F, v2;
	[tilespmem:s2+$0xED0] =	vst v1;
	v1 =	vmul.u32 $0xFFFFFFE8, v4  }
0x79: {  	[tilespmem:s2+$0x1620] =	vst v2  }
0x7a: {  	s15 =	rddreg [dreg:$0x4];
	[tilespmem:s2+$0x1D70] =	vst v4;
	v1 =	vadd.s32 v3, v1  }
0x7b: {  	s11 =	rddreg [dreg:$0x6];
	[tilespmem:s2+$0x24C0] =	vst v1;
	s2 =	simm.s32 $0x0  }
0x7c: {  	[tilespmem:s18], [sflag:$0x1] =	stream.linear.gather [hbm4b:s15+s2], $0x1000, $0x38;
	[tilespmem:$0x1AC90] =	vst v63  }
0x7d: {  	s10 =	rddreg [dreg:$0x5]  }
0x7e: {  	[tilespmem:s19], [sflag:$0x1] =	stream.linear.gather [hbm4b:s10+s2], $0xC0, $0x38;
	[tilespmem:$0x1AC90] =	vst v63  }
0x7f: {  	s12 =	simm.s32 $0x3C10;
	s13 =	rddreg [dreg:$0x7]  }
0x80: {  	[tilespmem:s12], [sflag:$0x1] =	stream.linear.gather [hbm4b:s11+s2], $0x1000, $0x38;
	[tilespmem:$0x1AC90] =	vst v63  }
0x81: {  	s15 =	simm.s32 $0x12CD0;
	s10 =	rddreg [dreg:$0x12]  }
0x82: {  	[tilespmem:s15], [sflag:$0x1] =	stream.linear.gather [hbm4b:s13+s2], $0xC0, $0x38;
	[tilespmem:$0x1AC90] =	vst v63  }
0x83: {  	s11 =	rddreg [dreg:$0x8];
	s12 =	simm.s32 $0x4C10  }
0x84: {  	[tilespmem:s12], [sflag:$0x1] =	stream.linear.gather [hbm4b:s11+s2], $0x1000, $0x38;
	[tilespmem:$0x1AC90] =	vst v63  }
0x85: {  	s13 =	rddreg [dreg:$0x9];
	s15 =	simm.s32 $0x12D90  }
0x86: {  	[tilespmem:s15], [sflag:$0x1] =	stream.linear.gather [hbm4b:s13+s2], $0xC0, $0x38;
	[tilespmem:$0x1AC90] =	vst v63  }
0x87: {  	s11 =	rddreg [dreg:$0xa];
	s12 =	simm.s32 $0x5C10  }
0x88: {  	[tilespmem:s12], [sflag:$0x1] =	stream.linear.gather [hbm4b:s11+s2], $0x1000, $0x38;
	[tilespmem:$0x1AC90] =	vst v63  }
0x89: {  	s13 =	rddreg [dreg:$0xb];
	s15 =	simm.s32 $0x12E50  }
0x8a: {  	[tilespmem:s15], [sflag:$0x1] =	stream.linear.gather [hbm4b:s13+s2], $0xC0, $0x38;
	[tilespmem:$0x1AC90] =	vst v63  }
0x8b: {  	s11 =	rddreg [dreg:$0xc];
	s12 =	simm.s32 $0x6C10  }
0x8c: {  	[tilespmem:s12], [sflag:$0x1] =	stream.linear.gather [hbm4b:s11+s2], $0x1000, $0x38;
	[tilespmem:$0x1AC90] =	vst v63  }
0x8d: {  	s13 =	rddreg [dreg:$0xd];
	s15 =	simm.s32 $0x12F10  }
0x8e: {  	[tilespmem:s15], [sflag:$0x1] =	stream.linear.gather [hbm4b:s13+s2], $0xC0, $0x38;
	[tilespmem:$0x1AC90] =	vst v63  }
0x8f: {  	s11 =	rddreg [dreg:$0xe];
	s12 =	simm.s32 $0x7C10  }
0x90: {  	[tilespmem:s12], [sflag:$0x1] =	stream.linear.gather [hbm4b:s11+s2], $0x1000, $0x38;
	[tilespmem:$0x1AC90] =	vst v63  }
0x91: {  	s13 =	rddreg [dreg:$0xf];
	s15 =	simm.s32 $0x12FD0  }
0x92: {  	[tilespmem:s15], [sflag:$0x1] =	stream.linear.gather [hbm4b:s13+s2], $0xC0, $0x38;
	[tilespmem:$0x1AC90] =	vst v63  }
0x93: {  	s11 =	rddreg [dreg:$0x10];
	s12 =	simm.s32 $0x8C10  }
0x94: {  	[tilespmem:s12], [sflag:$0x1] =	stream.linear.gather [hbm4b:s11+s2], $0x1000, $0x38;
	[tilespmem:$0x1AC90] =	vst v63  }
0x95: {  	s13 =	rddreg [dreg:$0x11];
	s15 =	simm.s32 $0x13090  }
0x96: {  	[tilespmem:s15], [sflag:$0x1] =	stream.linear.gather [hbm4b:s13+s2], $0xC0, $0x38;
	[tilespmem:$0x1AC90] =	vst v63  }
0x97: {  	s11 =	simm.s32 $0x9C10;
	s12 =	rddreg [dreg:$0x13]  }
0x98: {  	[tilespmem:s11], [sflag:$0x1] =	stream.linear.gather [hbm4b:s10+s2], $0x1000, $0x38;
	[tilespmem:$0x1AC90] =	vst v63  }
0x99: {  	s13 =	simm.s32 $0x13150;
	s15 =	rddreg [dreg:$0x14]  }
0x9a: {  	[tilespmem:s13], [sflag:$0x1] =	stream.linear.gather [hbm4b:s12+s2], $0xC0, $0x38;
	[tilespmem:$0x1AC90] =	vst v63  }
0x9b: {  	s10 =	rddreg [dreg:$0x15]  }
0x9c: {  	[tilespmem:s8], [sflag:$0x2] =	stream.linear.gather [hbm4b:s15+s2], $0x1000, $0x38;
	[tilespmem:$0x1AC90] =	vst v63  }
0x9d: {  	s11 =	rddreg [dreg:$0x16]  }
0x9e: {  	[tilespmem:s9], [sflag:$0x2] =	stream.linear.gather [hbm4b:s10+s2], $0xC0, $0x38;
	[tilespmem:$0x1AC90] =	vst v63  }
0x9f: {  	s12 =	simm.s32 $0xBC10;
	s13 =	rddreg [dreg:$0x17]  }
0xa0: {  	[tilespmem:s12], [sflag:$0x2] =	stream.linear.gather [hbm4b:s11+s2], $0x1000, $0x38;
	[tilespmem:$0x1AC90] =	vst v63  }
0xa1: {  	s15 =	simm.s32 $0x132D0;
	s10 =	rddreg [dreg:$0x1a]  }
0xa2: {  	[tilespmem:s15], [sflag:$0x2] =	stream.linear.gather [hbm4b:s13+s2], $0xC0, $0x38;
	[tilespmem:$0x1AC90] =	vst v63  }
0xa3: {  	s11 =	rddreg [dreg:$0x18];
	s12 =	simm.s32 $0xCC10  }
0xa4: {  	[tilespmem:s12], [sflag:$0x2] =	stream.linear.gather [hbm4b:s11+s2], $0x1000, $0x38;
	[tilespmem:$0x1AC90] =	vst v63  }
0xa5: {  	s13 =	rddreg [dreg:$0x19];
	s15 =	simm.s32 $0x13390  }
0xa6: {  	[tilespmem:s15], [sflag:$0x2] =	stream.linear.gather [hbm4b:s13+s2], $0xC0, $0x38;
	[tilespmem:$0x1AC90] =	vst v63  }
0xa7: {  	s11 =	rddreg [dreg:$0x1b]  }
0xa8: {  	[tilespmem:s14], [sflag:$0x2] =	stream.linear.gather [hbm4b:s10+s2], $0x1000, $0x38;
	[tilespmem:$0x1AC90] =	vst v63  }
0xa9: {  	s12 =	rddreg [dreg:$0x1c]  }
0xaa: {  	[tilespmem:s17], [sflag:$0x2] =	stream.linear.gather [hbm4b:s11+s2], $0xC0, $0x38;
	[tilespmem:$0x1AC90] =	vst v63  }
0xab: {  	s13 =	rddreg [dreg:$0x1d]  }
0xac: {  	[tilespmem:s20], [sflag:$0x2] =	stream.linear.gather [hbm4b:s12+s2], $0x1000, $0x38;
	[tilespmem:$0x1AC90] =	vst v63  }
0xad: {  	s15 =	rddreg [dreg:$0x1e]  }
0xae: {  	[tilespmem:s21], [sflag:$0x2] =	stream.linear.gather [hbm4b:s13+s2], $0xC0, $0x38;
	[tilespmem:$0x1AC90] =	vst v63  }
0xaf: {  	s10 =	rddreg [dreg:$0x1f]  }
0xb0: {  	[tilespmem:s22], [sflag:$0x2] =	stream.linear.gather [hbm4b:s15+s2], $0x1000, $0x38;
	[tilespmem:$0x1AC90] =	vst v63  }
0xb1: {  	s11 =	sld [smem:$0x7F8]  }
0xb2: {  	[tilespmem:s23], [sflag:$0x2] =	stream.linear.gather [hbm4b:s10+s2], $0xC0, $0x38;
	[tilespmem:$0x1AC90] =	vst v63  }
0xb3: {  	s12 =	sld [smem:$0x7F9]  }
0xb4: {  	[tilespmem:s24], [sflag:$0x2] =	stream.linear.gather [hbm4b:s11+s2], $0x1000, $0x38;
	[tilespmem:$0x1AC90] =	vst v63  }
0xb5: {  	s13 =	sld [smem:$0x7FA]  }
0xb6: {  	[tilespmem:s25], [sflag:$0x2] =	stream.linear.gather [hbm4b:s12+s2], $0xC0, $0x38;
	[tilespmem:$0x1AC90] =	vst v63  }
0xb7: {  	s15 =	sld [smem:$0x7FB]  }
0xb8: {  	[tilespmem:s26], [sflag:$0x2] =	stream.linear.gather [hbm4b:s13+s2], $0x1000, $0x38;
	[tilespmem:$0x1AC90] =	vst v63  }
0xb9: {  	_ = 	snop  }
0xba: {  	[tilespmem:s28], [sflag:$0x2] =	stream.linear.gather [hbm4b:s15+s2], $0xC0, $0x38;
	[tilespmem:$0x1AC90] =	vst v63  }
.LBB2_4:
0xbb: {  	_ =	swait.ge [sflag:s29], $0x1000  }
0xbc: {  	[sflag:s29] =	ssyncset.done $0x0  }
0xbd: {  	[sflag:s29] =	ssyncadd.s32 $0xFFFFF000  }
0xbe: {  	_ =	swait.ge [sflag:s29], $0xC0  }
0xbf: {  	[sflag:s29] =	ssyncset.done $0x0  }
0xc0: {  	[sflag:s29] =	ssyncadd.s32 $0xFFFFFF40  }
0xc1: {  	_ =	swait.ge [sflag:s29], $0x1000  }
0xc2: {  	[sflag:s29] =	ssyncset.done $0x0  }
0xc3: {  	[sflag:s29] =	ssyncadd.s32 $0xFFFFF000  }
0xc4: {  	_ =	swait.ge [sflag:s29], $0xC0  }
0xc5: {  	[sflag:s29] =	ssyncset.done $0x0  }
0xc6: {  	[sflag:s29] =	ssyncadd.s32 $0xFFFFFF40  }
0xc7: {  	_ =	swait.ge [sflag:s29], $0x1000  }
0xc8: {  	[sflag:s29] =	ssyncset.done $0x0  }
0xc9: {  	[sflag:s29] =	ssyncadd.s32 $0xFFFFF000  }
0xca: {  	_ =	swait.ge [sflag:s29], $0xC0  }
0xcb: {  	[sflag:s29] =	ssyncset.done $0x0  }
0xcc: {  	[sflag:s29] =	ssyncadd.s32 $0xFFFFFF40  }
0xcd: {  	_ =	swait.ge [sflag:s29], $0x1000  }
0xce: {  	[sflag:s29] =	ssyncset.done $0x0  }
0xcf: {  	[sflag:s29] =	ssyncadd.s32 $0xFFFFF000  }
0xd0: {  	_ =	swait.ge [sflag:s29], $0xC0  }
0xd1: {  	[sflag:s29] =	ssyncset.done $0x0  }
0xd2: {  	[sflag:s29] =	ssyncadd.s32 $0xFFFFFF40  }
0xd3: {  	_ =	swait.ge [sflag:s29], $0x1000  }
0xd4: {  	[sflag:s29] =	ssyncset.done $0x0  }
0xd5: {  	[sflag:s29] =	ssyncadd.s32 $0xFFFFF000  }
0xd6: {  	_ =	swait.ge [sflag:s29], $0xC0  }
0xd7: {  	[sflag:s29] =	ssyncset.done $0x0  }
0xd8: {  	[sflag:s29] =	ssyncadd.s32 $0xFFFFFF40  }
0xd9: {  	_ =	swait.ge [sflag:s29], $0x1000  }
0xda: {  	[sflag:s29] =	ssyncset.done $0x0  }
0xdb: {  	[sflag:s29] =	ssyncadd.s32 $0xFFFFF000  }
0xdc: {  	_ =	swait.ge [sflag:s29], $0xC0  }
0xdd: {  	[sflag:s29] =	ssyncset.done $0x0  }
0xde: {  	[sflag:s29] =	ssyncadd.s32 $0xFFFFFF40  }
0xdf: {  	_ =	swait.ge [sflag:s29], $0x1000  }
0xe0: {  	[sflag:s29] =	ssyncset.done $0x0  }
0xe1: {  	[sflag:s29] =	ssyncadd.s32 $0xFFFFF000  }
0xe2: {  	_ =	swait.ge [sflag:s29], $0xC0  }
0xe3: {  	[sflag:s29] =	ssyncset.done $0x0  }
0xe4: {  	[sflag:s29] =	ssyncadd.s32 $0xFFFFFF40  }
0xe5: {  	_ =	swait.ge [sflag:s29], $0x1000  }
0xe6: {  	[sflag:s29] =	ssyncset.done $0x0  }
0xe7: {  	[sflag:s29] =	ssyncadd.s32 $0xFFFFF000  }
0xe8: {  	_ =	swait.ge [sflag:s29], $0xC0  }
0xe9: {  	p0 =	seq.s32 s2, $0x0;
	[sflag:s29] =	ssyncset.done $0x0  }
0xea: {  	s7 =	simm.s32 @!p0 $0x3;
	[sflag:s29] =	ssyncadd.s32 $0xFFFFFF40  }
0xeb: {  	_ =	swait.ge @!p0 [sflag:s7], $0x3A40  }
0xec: {  	[sflag:s7] =	ssyncset.done @!p0 $0x0  }
0xed: {  	s15 =	simm.s32 $0x0;
	[sflag:s7] =	ssyncadd.s32 @!p0 $0xFFFFC5C0  }
0xee: {  	v1 =	vld [tilespmem:s15+$0x1620]  }
0xef: {  	v2 =	vld [tilespmem:s15+$0xED0]  }
0xf0: {  	v3 =	vld [tilespmem:s15+$0x1D70]  }
0xf1: {  	v4 =	vld [tilespmem:s15+$0x24C0];
	_ =	sdelay $0x3  }
0xf2: {  	v2 =	vshll.u32 v2, $0x6;
	v5 =	vand.u32 $0xFFFFFFF8, v1;
	v3 =	vmul.u32 $0x18, v3  }
0xf3: {  	v1 =	vand.u32 $0x7, v1;
	v2 =	vadd.s32 v2, v5;
	v5 =	vand.u32 $0xFFFFFFF8, v4  }
0xf4: {  	v1 =	vor.u32 v1, v2;
	v2 =	vand.u32 $0x7, v4;
	v3 =	vadd.s32 v3, v5  }
0xf5: {  	v2 =	vor.u32 v2, v3;
	_ =	sdelay $0x2  }
0xf6: {  	v3 =	vld [tilespmem:s15+$0x780]  }
0xf7: {  	v4 =	vld.idx.msk [tilespmem:v1+s18+$0x0], $0xffff  }
0xf8: {  	v5 =	vld.idx.msk [tilespmem:v2+s19+$0x0], $0xffff;
	_ =	sdelay $0x1  }
0xf9: {  	v6 =	vadd.s32 $0x1000, v1  }
0xfa: {  	v7 =	vadd.s32 $0xC0, v2  }
0xfb: {  	p1 =	por $0x0, $0x0;
	s7 =	simm.s32 $0x0;
	vm0 =	vlt.s32 v3, $0x1000  }
0xfc: {  	s7 =	simm.s32 @p1 $0x732;
	v3 =	vsel vm0, v4, v5  }
0xfd: {  	[tilespmem:s7+$0x13810] =	vst v3  }
0xfe: {  	v3 =	vld.idx.msk [tilespmem:v6+s18+$0x0], $0xffff  }
0xff: {  	v4 =	vld.idx.msk [tilespmem:v7+s19+$0x0], $0xffff;
	_ =	sdelay $0x1  }
0x100: {  	v5 =	vadd.s32 $0x2000, v1  }
0x101: {  	v6 =	vadd.s32 $0x180, v2;
	_ =	sdelay $0x1  }
0x102: {  	s11 =	sand.u32 $0x7F2, s7;
	v3 =	vsel vm0, v3, v4  }
0x103: {  	[tilespmem:s11+$0x13F58] =	vst v3  }
0x104: {  	v3 =	vld.idx.msk [tilespmem:v5+s18+$0x0], $0xffff  }
0x105: {  	v4 =	vld.idx.msk [tilespmem:v6+s19+$0x0], $0xffff;
	_ =	sdelay $0x1  }
0x106: {  	v5 =	vadd.s32 $0x3000, v1  }
0x107: {  	v6 =	vadd.s32 $0x240, v2;
	_ =	sdelay $0x1  }
0x108: {  	v3 =	vsel vm0, v3, v4  }
0x109: {  	[tilespmem:s11+$0x146A0] =	vst v3  }
0x10a: {  	v3 =	vld.idx.msk [tilespmem:v5+s18+$0x0], $0xffff  }
0x10b: {  	v4 =	vld.idx.msk [tilespmem:v6+s19+$0x0], $0xffff;
	_ =	sdelay $0x1  }
0x10c: {  	v5 =	vadd.s32 $0x4000, v1  }
0x10d: {  	v6 =	vadd.s32 $0x300, v2;
	_ =	sdelay $0x1  }
0x10e: {  	v3 =	vsel vm0, v3, v4  }
0x10f: {  	[tilespmem:s11+$0x14DE8] =	vst v3  }
0x110: {  	v3 =	vld.idx.msk [tilespmem:v5+s18+$0x0], $0xffff  }
0x111: {  	v4 =	vld.idx.msk [tilespmem:v6+s19+$0x0], $0xffff;
	_ =	sdelay $0x1  }
0x112: {  	v5 =	vadd.s32 $0x5000, v1  }
0x113: {  	v6 =	vadd.s32 $0x3C0, v2;
	_ =	sdelay $0x1  }
0x114: {  	v3 =	vsel vm0, v3, v4  }
0x115: {  	[tilespmem:s11+$0x15530] =	vst v3  }
0x116: {  	v3 =	vld.idx.msk [tilespmem:v5+s18+$0x0], $0xffff  }
0x117: {  	s10 =	simm.s32 $0x0;
	s15 =	simm.s32 $0x40;
	s7 =	sshll.u32 s2, $0x4;
	v4 =	vld.idx.msk [tilespmem:v6+s19+$0x0], $0xffff  }
.LBB2_5:
0x118: {  	p1 =	sne.s32 s15, $0x1D00  }
0x119: {  	s10 =	sadd.s32 $0x10, s10;
	s12 =	smov.u32 s15;
	s15 =	sadd.s32 $0x40, s15  }
0x11a: {  	_ = 	snop  }
0x11b: {  	v5 =	vadd.s32 $0x6000, v1  }
0x11c: {  	v6 =	vadd.s32 $0x480, v2;
	_ =	sdelay $0x1  }
0x11d: {  	v3 =	vsel vm0, v3, v4  }
0x11e: {  	[tilespmem:s11+$0x15C78] =	vst v3  }
0x11f: {  	v3 =	vld.idx.msk [tilespmem:v5+s18+$0x0], $0xffff  }
0x120: {  	v4 =	vld.idx.msk [tilespmem:v6+s19+$0x0], $0xffff  }
0x121: {  	s13 =	sshra.s32 s12, $0x2;
	_ =	sdelay $0x1  }
0x122: {  	v1 =	vadd.s32 $0x7000, v1  }
0x123: {  	v2 =	vadd.s32 $0x540, v2;
	_ =	sdelay $0x1  }
0x124: {  	v3 =	vsel vm0, v3, v4  }
0x125: {  	[tilespmem:s11+$0x163C0] =	vst v3  }
0x126: {  	v1 =	vld.idx.msk [tilespmem:v1+s18+$0x0], $0xffff  }
0x127: {  	v2 =	vld.idx.msk [tilespmem:v2+s19+$0x0], $0xffff;
	_ =	sdelay $0x5  }
0x128: {  	v1 =	vsel vm0, v1, v2  }
0x129: {  	[tilespmem:s11+$0x16B08] =	vst v1  }
0x12a: {  	v1 =	vld [tilespmem:s13+$0x1620]  }
0x12b: {  	v2 =	vld [tilespmem:s13+$0xED0]  }
0x12c: {  	v3 =	vld [tilespmem:s13+$0x1D70]  }
0x12d: {  	v4 =	vld [tilespmem:s13+$0x24C0];
	_ =	sdelay $0x2  }
0x12e: {  	v2 =	vshll.u32 v2, $0x6  }
0x12f: {  	v5 =	vand.u32 $0xFFFFFFF8, v1;
	v1 =	vand.u32 $0x7, v1;
	v3 =	vmul.u32 $0x18, v3  }
0x130: {  	v2 =	vadd.s32 v2, v5;
	v5 =	vand.u32 $0xFFFFFFF8, v4  }
0x131: {  	v1 =	vor.u32 v1, v2;
	v2 =	vand.u32 $0x7, v4;
	v3 =	vadd.s32 v3, v5  }
0x132: {  	v2 =	vor.u32 v2, v3;
	_ =	sdelay $0x2  }
0x133: {  	v3 =	vld [tilespmem:s13+$0x780]  }
0x134: {  	v4 =	vld.idx.msk [tilespmem:v1+s18+$0x0], $0xffff  }
0x135: {  	v5 =	vld.idx.msk [tilespmem:v2+s19+$0x0], $0xffff;
	_ =	sdelay $0x2  }
0x136: {  	v6 =	vadd.s32 $0x1000, v1  }
0x137: {  	v7 =	vadd.s32 $0xC0, v2  }
0x138: {  	p2 =	seq.s32 s12, $0x1D00;
	s11 =	smov.u32 s10;
	vm0 =	vlt.s32 v3, $0x1000  }
0x139: {  	s11 =	simm.s32 @p2 $0x732;
	v3 =	vsel vm0, v4, v5  }
0x13a: {  	[tilespmem:s11+$0x13810] =	vst v3  }
0x13b: {  	v3 =	vld.idx.msk [tilespmem:v6+s18+$0x0], $0xffff  }
0x13c: {  	v4 =	vld.idx.msk [tilespmem:v7+s19+$0x0], $0xffff;
	_ =	sdelay $0x2  }
0x13d: {  	v5 =	vadd.s32 $0x2000, v1  }
0x13e: {  	v6 =	vadd.s32 $0x180, v2;
	_ =	sdelay $0x1  }
0x13f: {  	s11 =	sand.u32 $0x7F2, s11;
	v3 =	vsel vm0, v3, v4  }
0x140: {  	[tilespmem:s11+$0x13F58] =	vst v3  }
0x141: {  	v3 =	vld.idx.msk [tilespmem:v5+s18+$0x0], $0xffff  }
0x142: {  	v4 =	vld.idx.msk [tilespmem:v6+s19+$0x0], $0xffff;
	_ =	sdelay $0x2  }
0x143: {  	v5 =	vadd.s32 $0x3000, v1  }
0x144: {  	v6 =	vadd.s32 $0x240, v2;
	_ =	sdelay $0x1  }
0x145: {  	v3 =	vsel vm0, v3, v4  }
0x146: {  	[tilespmem:s11+$0x146A0] =	vst v3  }
0x147: {  	v3 =	vld.idx.msk [tilespmem:v5+s18+$0x0], $0xffff  }
0x148: {  	v4 =	vld.idx.msk [tilespmem:v6+s19+$0x0], $0xffff;
	_ =	sdelay $0x2  }
0x149: {  	v5 =	vadd.s32 $0x4000, v1  }
0x14a: {  	v6 =	vadd.s32 $0x300, v2;
	_ =	sdelay $0x1  }
0x14b: {  	v3 =	vsel vm0, v3, v4  }
0x14c: {  	[tilespmem:s11+$0x14DE8] =	vst v3  }
0x14d: {  	v3 =	vld.idx.msk [tilespmem:v5+s18+$0x0], $0xffff  }
0x14e: {  	v4 =	vld.idx.msk [tilespmem:v6+s19+$0x0], $0xffff;
	_ =	sdelay $0x2  }
0x14f: {  	v5 =	vadd.s32 $0x5000, v1  }
0x150: {  	v6 =	vadd.s32 $0x3C0, v2  }
.Ltmp3:
0x151: {  	(pc) =	sbr.rel @p1 .LBB2_5-.Ltmp3, $4  }
0x152: {  	v3 =	vsel vm0, v3, v4  }
0x153: {  	[tilespmem:s11+$0x15530] =	vst v3  }
0x154: {  	v3 =	vld.idx.msk [tilespmem:v5+s18+$0x0], $0xffff  }
0x155: {  	v4 =	vld.idx.msk [tilespmem:v6+s19+$0x0], $0xffff  }
0x156: {  	_ = 	snop  }
0x157: {  	v5 =	vadd.s32 $0x6000, v1  }
0x158: {  	v6 =	vadd.s32 $0x480, v2;
	_ =	sdelay $0x1  }
0x159: {  	v3 =	vsel vm0, v3, v4  }
0x15a: {  	[tilespmem:s11+$0x15C78] =	vst v3  }
0x15b: {  	v3 =	vld.idx.msk [tilespmem:v5+s18+$0x0], $0xffff  }
0x15c: {  	v63 =	vld.idx.msk [tilespmem:v6+s19+$0x0], $0xffff;
	_ =	sdelay $0x1  }
0x15d: {  	v1 =	vadd.s32 $0x7000, v1  }
0x15e: {  	v2 =	vadd.s32 $0x540, v2;
	_ =	sdelay $0x1  }
0x15f: {  	v3 =	vsel vm0, v3, v63  }
0x160: {  	[tilespmem:s11+$0x163C0] =	vst v3  }
0x161: {  	v1 =	vld.idx.msk [tilespmem:v1+s18+$0x0], $0xffff  }
0x162: {  	v2 =	vld.idx.msk [tilespmem:v2+s19+$0x0], $0xffff;
	_ =	sdelay $0x1  }
0x163: {  	p1 =	seq.s32 s2, $0x7  }
.Ltmp4:
0x164: {  	s10 =	sadd.s32 s5, s7;
	(pc) =	sbr.rel @p1 .LBB2_8-.Ltmp4, $4  }
0x165: {  	s10 =	smul.u32 $0xE9, s10  }
0x166: {  	v1 =	vsel vm0, v1, v2  }
0x167: {  	s10 =	sadd.s32 s1, s10;
	[tilespmem:s11+$0x16B08] =	vst v1  }
0x168: {  	[hbm4b:s10+s3] =	stream.linear.scatter [tilespmem:s30], [sflag:$0x3], $0x3A40, $0x38;
	[tilespmem:$0x1AC90] =	vst v63  }
0x169: {  	s10 =	sld [smem:$0x7FD];
	_ =	sdelay $0x2  }
0x16a: {  	s10 =	sadd.s32 s7, s10  }
0x16b: {  	s11 =	sshll.u32 s10, $0x9  }
0x16c: {  	s12 =	smul.u32 $0x18, s10;
	s13 =	sor.u32 $0x1, s10;
	s11 =	sadd.s32 s4, s11  }
0x16d: {  	[tilespmem:s18], [sflag:$0x1] =	stream.linear.gather [hbm4b:s11+s3], $0x1000, $0x38;
	[tilespmem:$0x1AC90] =	vst v63  }
0x16e: {  	s15 =	sshll.u32 s13, $0x9;
	s12 =	sadd.s32 s6, s12  }
0x16f: {  	[tilespmem:s19], [sflag:$0x1] =	stream.linear.gather [hbm4b:s12+s3], $0xC0, $0x38;
	[tilespmem:$0x1AC90] =	vst v63  }
0x170: {  	s12 =	sand.u32 $0x1FFFE200, s15  }
0x171: {  	s11 =	smul.u32 $0x18, s13;
	s13 =	simm.s32 $0x3C10;
	s12 =	sadd.s32 s4, s12  }
0x172: {  	[tilespmem:s13], [sflag:$0x1] =	stream.linear.gather [hbm4b:s12+s3], $0x1000, $0x38;
	[tilespmem:$0x1AC90] =	vst v63  }
0x173: {  	s11 =	sadd.s32 s6, s11;
	s15 =	sor.u32 $0x2, s10;
	s13 =	simm.s32 $0x12CD0  }
0x174: {  	[tilespmem:s13], [sflag:$0x1] =	stream.linear.gather [hbm4b:s11+s3], $0xC0, $0x38;
	[tilespmem:$0x1AC90] =	vst v63  }
0x175: {  	s13 =	sshll.u32 s15, $0x9  }
0x176: {  	s12 =	sand.u32 $0x1FFFE400, s13  }
0x177: {  	s11 =	smul.u32 $0x18, s15;
	s15 =	simm.s32 $0x4C10;
	s12 =	sadd.s32 s4, s12  }
0x178: {  	[tilespmem:s15], [sflag:$0x1] =	stream.linear.gather [hbm4b:s12+s3], $0x1000, $0x38;
	[tilespmem:$0x1AC90] =	vst v63  }
0x179: {  	s13 =	simm.s32 $0x12D90;
	s11 =	sadd.s32 s6, s11;
	s15 =	sor.u32 $0x3, s10  }
0x17a: {  	[tilespmem:s13], [sflag:$0x1] =	stream.linear.gather [hbm4b:s11+s3], $0xC0, $0x38;
	[tilespmem:$0x1AC90] =	vst v63  }
0x17b: {  	s13 =	sshll.u32 s15, $0x9  }
0x17c: {  	s12 =	sand.u32 $0x1FFFE600, s13  }
0x17d: {  	s11 =	smul.u32 $0x18, s15;
	s15 =	simm.s32 $0x5C10;
	s12 =	sadd.s32 s4, s12  }
0x17e: {  	[tilespmem:s15], [sflag:$0x1] =	stream.linear.gather [hbm4b:s12+s3], $0x1000, $0x38;
	[tilespmem:$0x1AC90] =	vst v63  }
0x17f: {  	s13 =	simm.s32 $0x12E50;
	s11 =	sadd.s32 s6, s11;
	s15 =	sor.u32 $0x4, s10  }
0x180: {  	[tilespmem:s13], [sflag:$0x1] =	stream.linear.gather [hbm4b:s11+s3], $0xC0, $0x38;
	[tilespmem:$0x1AC90] =	vst v63  }
0x181: {  	s13 =	sshll.u32 s15, $0x9  }
0x182: {  	s12 =	sand.u32 $0x1FFFE800, s13  }
0x183: {  	s11 =	smul.u32 $0x18, s15;
	s15 =	simm.s32 $0x6C10;
	s12 =	sadd.s32 s4, s12  }
0x184: {  	[tilespmem:s15], [sflag:$0x1] =	stream.linear.gather [hbm4b:s12+s3], $0x1000, $0x38;
	[tilespmem:$0x1AC90] =	vst v63  }
0x185: {  	s13 =	simm.s32 $0x12F10;
	s11 =	sadd.s32 s6, s11;
	s15 =	sor.u32 $0x5, s10  }
0x186: {  	[tilespmem:s13], [sflag:$0x1] =	stream.linear.gather [hbm4b:s11+s3], $0xC0, $0x38;
	[tilespmem:$0x1AC90] =	vst v63  }
0x187: {  	s13 =	sshll.u32 s15, $0x9  }
0x188: {  	s12 =	sand.u32 $0x1FFFEA00, s13  }
0x189: {  	s11 =	smul.u32 $0x18, s15;
	s15 =	simm.s32 $0x7C10;
	s12 =	sadd.s32 s4, s12  }
0x18a: {  	[tilespmem:s15], [sflag:$0x1] =	stream.linear.gather [hbm4b:s12+s3], $0x1000, $0x38;
	[tilespmem:$0x1AC90] =	vst v63  }
0x18b: {  	s13 =	simm.s32 $0x12FD0;
	s11 =	sadd.s32 s6, s11;
	s15 =	sor.u32 $0x6, s10  }
0x18c: {  	[tilespmem:s13], [sflag:$0x1] =	stream.linear.gather [hbm4b:s11+s3], $0xC0, $0x38;
	[tilespmem:$0x1AC90] =	vst v63  }
0x18d: {  	s13 =	sshll.u32 s15, $0x9  }
0x18e: {  	s10 =	sor.u32 $0x7, s10;
	s12 =	sand.u32 $0x1FFFEC00, s13  }
0x18f: {  	s11 =	smul.u32 $0x18, s15;
	s15 =	simm.s32 $0x8C10;
	s12 =	sadd.s32 s4, s12  }
0x190: {  	[tilespmem:s15], [sflag:$0x1] =	stream.linear.gather [hbm4b:s12+s3], $0x1000, $0x38;
	[tilespmem:$0x1AC90] =	vst v63  }
0x191: {  	s11 =	sadd.s32 s6, s11;
	s15 =	simm.s32 $0x13090;
	s12 =	sshll.u32 s10, $0x9  }
0x192: {  	[tilespmem:s15], [sflag:$0x1] =	stream.linear.gather [hbm4b:s11+s3], $0xC0, $0x38;
	[tilespmem:$0x1AC90] =	vst v63  }
0x193: {  	s11 =	sand.u32 $0x1FFFEE00, s12  }
0x194: {  	s13 =	simm.s32 $0x9C10;
	s10 =	smul.u32 $0x18, s10;
	s11 =	sadd.s32 s4, s11  }
0x195: {  	[tilespmem:s13], [sflag:$0x1] =	stream.linear.gather [hbm4b:s11+s3], $0x1000, $0x38;
	[tilespmem:$0x1AC90] =	vst v63  }
0x196: {  	s10 =	sadd.s32 s6, s10;
	s15 =	simm.s32 $0x13150  }
0x197: {  	[tilespmem:s15], [sflag:$0x1] =	stream.linear.gather [hbm4b:s10+s3], $0xC0, $0x38;
	[tilespmem:$0x1AC90] =	vst v63  }
.LBB2_8:
0x198: {  	_ =	swait.ge [sflag:s31], $0x1000  }
0x199: {  	[sflag:s31] =	ssyncset.done $0x0  }
0x19a: {  	[sflag:s31] =	ssyncadd.s32 $0xFFFFF000  }
0x19b: {  	_ =	swait.ge [sflag:s31], $0xC0  }
0x19c: {  	[sflag:s31] =	ssyncset.done $0x0  }
0x19d: {  	[sflag:s31] =	ssyncadd.s32 $0xFFFFFF40  }
0x19e: {  	_ =	swait.ge [sflag:s31], $0x1000  }
0x19f: {  	[sflag:s31] =	ssyncset.done $0x0  }
0x1a0: {  	[sflag:s31] =	ssyncadd.s32 $0xFFFFF000  }
0x1a1: {  	_ =	swait.ge [sflag:s31], $0xC0  }
0x1a2: {  	[sflag:s31] =	ssyncset.done $0x0  }
0x1a3: {  	[sflag:s31] =	ssyncadd.s32 $0xFFFFFF40  }
0x1a4: {  	_ =	swait.ge [sflag:s31], $0x1000  }
0x1a5: {  	[sflag:s31] =	ssyncset.done $0x0  }
0x1a6: {  	[sflag:s31] =	ssyncadd.s32 $0xFFFFF000  }
0x1a7: {  	_ =	swait.ge [sflag:s31], $0xC0  }
0x1a8: {  	[sflag:s31] =	ssyncset.done $0x0  }
0x1a9: {  	[sflag:s31] =	ssyncadd.s32 $0xFFFFFF40  }
0x1aa: {  	_ =	swait.ge [sflag:s31], $0x1000  }
0x1ab: {  	[sflag:s31] =	ssyncset.done $0x0  }
0x1ac: {  	[sflag:s31] =	ssyncadd.s32 $0xFFFFF000  }
0x1ad: {  	_ =	swait.ge [sflag:s31], $0xC0  }
0x1ae: {  	[sflag:s31] =	ssyncset.done $0x0  }
0x1af: {  	[sflag:s31] =	ssyncadd.s32 $0xFFFFFF40  }
0x1b0: {  	_ =	swait.ge [sflag:s31], $0x1000  }
0x1b1: {  	[sflag:s31] =	ssyncset.done $0x0  }
0x1b2: {  	[sflag:s31] =	ssyncadd.s32 $0xFFFFF000  }
0x1b3: {  	_ =	swait.ge [sflag:s31], $0xC0  }
0x1b4: {  	[sflag:s31] =	ssyncset.done $0x0  }
0x1b5: {  	[sflag:s31] =	ssyncadd.s32 $0xFFFFFF40  }
0x1b6: {  	_ =	swait.ge [sflag:s31], $0x1000  }
0x1b7: {  	[sflag:s31] =	ssyncset.done $0x0  }
0x1b8: {  	[sflag:s31] =	ssyncadd.s32 $0xFFFFF000  }
0x1b9: {  	_ =	swait.ge [sflag:s31], $0xC0  }
0x1ba: {  	[sflag:s31] =	ssyncset.done $0x0  }
0x1bb: {  	[sflag:s31] =	ssyncadd.s32 $0xFFFFFF40  }
0x1bc: {  	_ =	swait.ge [sflag:s31], $0x1000  }
0x1bd: {  	[sflag:s31] =	ssyncset.done $0x0  }
0x1be: {  	[sflag:s31] =	ssyncadd.s32 $0xFFFFF000  }
0x1bf: {  	_ =	swait.ge [sflag:s31], $0xC0  }
0x1c0: {  	[sflag:s31] =	ssyncset.done $0x0  }
0x1c1: {  	[sflag:s31] =	ssyncadd.s32 $0xFFFFFF40  }
0x1c2: {  	_ =	swait.ge [sflag:s31], $0x1000  }
0x1c3: {  	[sflag:s31] =	ssyncset.done $0x0  }
0x1c4: {  	[sflag:s31] =	ssyncadd.s32 $0xFFFFF000  }
0x1c5: {  	_ =	swait.ge [sflag:s31], $0xC0  }
0x1c6: {  	[sflag:s31] =	ssyncset.done $0x0  }
0x1c7: {  	s10 =	simm.s32 @!p0 $0x4;
	[sflag:s31] =	ssyncadd.s32 $0xFFFFFF40  }
0x1c8: {  	_ =	swait.ge @!p0 [sflag:s10], $0x3A40  }
0x1c9: {  	[sflag:s10] =	ssyncset.done @!p0 $0x0  }
0x1ca: {  	s15 =	simm.s32 $0x0;
	[sflag:s10] =	ssyncadd.s32 @!p0 $0xFFFFC5C0  }
0x1cb: {  	v1 =	vld [tilespmem:s15+$0x1620]  }
0x1cc: {  	v2 =	vld [tilespmem:s15+$0xED0]  }
0x1cd: {  	v3 =	vld [tilespmem:s15+$0x1D70]  }
0x1ce: {  	v4 =	vld [tilespmem:s15+$0x24C0];
	_ =	sdelay $0x3  }
0x1cf: {  	v2 =	vshll.u32 v2, $0x6;
	v5 =	vand.u32 $0xFFFFFFF8, v1;
	v3 =	vmul.u32 $0x18, v3  }
0x1d0: {  	v1 =	vand.u32 $0x7, v1;
	v2 =	vadd.s32 v2, v5;
	v5 =	vand.u32 $0xFFFFFFF8, v4  }
0x1d1: {  	v1 =	vor.u32 v1, v2;
	v2 =	vand.u32 $0x7, v4;
	v3 =	vadd.s32 v3, v5  }
0x1d2: {  	v2 =	vor.u32 v2, v3;
	_ =	sdelay $0x2  }
0x1d3: {  	v3 =	vld [tilespmem:s15+$0x780]  }
0x1d4: {  	v4 =	vld.idx.msk [tilespmem:v1+s8+$0x0], $0xffff  }
0x1d5: {  	v5 =	vld.idx.msk [tilespmem:v2+s9+$0x0], $0xffff;
	_ =	sdelay $0x1  }
0x1d6: {  	v6 =	vadd.s32 $0x1000, v1  }
0x1d7: {  	v7 =	vadd.s32 $0xC0, v2  }
0x1d8: {  	p0 =	por $0x0, $0x0;
	s10 =	simm.s32 $0x0;
	vm0 =	vlt.s32 v3, $0x1000  }
0x1d9: {  	s10 =	simm.s32 @p0 $0x732;
	v3 =	vsel vm0, v4, v5  }
0x1da: {  	[tilespmem:s10+$0x17250] =	vst v3  }
0x1db: {  	v3 =	vld.idx.msk [tilespmem:v6+s8+$0x0], $0xffff  }
0x1dc: {  	v4 =	vld.idx.msk [tilespmem:v7+s9+$0x0], $0xffff;
	_ =	sdelay $0x1  }
0x1dd: {  	v5 =	vadd.s32 $0x2000, v1  }
0x1de: {  	v6 =	vadd.s32 $0x180, v2;
	_ =	sdelay $0x1  }
0x1df: {  	s11 =	sand.u32 $0x7F2, s10;
	v3 =	vsel vm0, v3, v4  }
0x1e0: {  	[tilespmem:s11+$0x17998] =	vst v3  }
0x1e1: {  	v3 =	vld.idx.msk [tilespmem:v5+s8+$0x0], $0xffff  }
0x1e2: {  	v4 =	vld.idx.msk [tilespmem:v6+s9+$0x0], $0xffff;
	_ =	sdelay $0x1  }
0x1e3: {  	v5 =	vadd.s32 $0x3000, v1  }
0x1e4: {  	v6 =	vadd.s32 $0x240, v2;
	_ =	sdelay $0x1  }
0x1e5: {  	v3 =	vsel vm0, v3, v4  }
0x1e6: {  	[tilespmem:s11+$0x180E0] =	vst v3  }
0x1e7: {  	v3 =	vld.idx.msk [tilespmem:v5+s8+$0x0], $0xffff  }
0x1e8: {  	v4 =	vld.idx.msk [tilespmem:v6+s9+$0x0], $0xffff;
	_ =	sdelay $0x1  }
0x1e9: {  	v5 =	vadd.s32 $0x4000, v1  }
0x1ea: {  	v6 =	vadd.s32 $0x300, v2;
	_ =	sdelay $0x1  }
0x1eb: {  	v3 =	vsel vm0, v3, v4  }
0x1ec: {  	[tilespmem:s11+$0x18828] =	vst v3  }
0x1ed: {  	v3 =	vld.idx.msk [tilespmem:v5+s8+$0x0], $0xffff  }
0x1ee: {  	v4 =	vld.idx.msk [tilespmem:v6+s9+$0x0], $0xffff;
	_ =	sdelay $0x1  }
0x1ef: {  	v5 =	vadd.s32 $0x5000, v1  }
0x1f0: {  	v6 =	vadd.s32 $0x3C0, v2;
	_ =	sdelay $0x1  }
0x1f1: {  	v3 =	vsel vm0, v3, v4  }
0x1f2: {  	[tilespmem:s11+$0x18F70] =	vst v3  }
0x1f3: {  	v3 =	vld.idx.msk [tilespmem:v5+s8+$0x0], $0xffff  }
0x1f4: {  	s15 =	simm.s32 $0x0;
	s10 =	simm.s32 $0x40;
	v4 =	vld.idx.msk [tilespmem:v6+s9+$0x0], $0xffff  }
.LBB2_9:
0x1f5: {  	p0 =	sne.s32 s10, $0x1D00  }
0x1f6: {  	s15 =	sadd.s32 $0x10, s15;
	s12 =	smov.u32 s10;
	s10 =	sadd.s32 $0x40, s10  }
0x1f7: {  	_ = 	snop  }
0x1f8: {  	v5 =	vadd.s32 $0x6000, v1  }
0x1f9: {  	v6 =	vadd.s32 $0x480, v2;
	_ =	sdelay $0x1  }
0x1fa: {  	v3 =	vsel vm0, v3, v4  }
0x1fb: {  	[tilespmem:s11+$0x196B8] =	vst v3  }
0x1fc: {  	v3 =	vld.idx.msk [tilespmem:v5+s8+$0x0], $0xffff  }
0x1fd: {  	v4 =	vld.idx.msk [tilespmem:v6+s9+$0x0], $0xffff  }
0x1fe: {  	s13 =	sshra.s32 s12, $0x2;
	_ =	sdelay $0x1  }
0x1ff: {  	v1 =	vadd.s32 $0x7000, v1  }
0x200: {  	v2 =	vadd.s32 $0x540, v2;
	_ =	sdelay $0x1  }
0x201: {  	v3 =	vsel vm0, v3, v4  }
0x202: {  	[tilespmem:s11+$0x19E00] =	vst v3  }
0x203: {  	v1 =	vld.idx.msk [tilespmem:v1+s8+$0x0], $0xffff  }
0x204: {  	v2 =	vld.idx.msk [tilespmem:v2+s9+$0x0], $0xffff;
	_ =	sdelay $0x5  }
0x205: {  	v1 =	vsel vm0, v1, v2  }
0x206: {  	[tilespmem:s11+$0x1A548] =	vst v1  }
0x207: {  	v1 =	vld [tilespmem:s13+$0x1620]  }
0x208: {  	v2 =	vld [tilespmem:s13+$0xED0]  }
0x209: {  	v3 =	vld [tilespmem:s13+$0x1D70]  }
0x20a: {  	v4 =	vld [tilespmem:s13+$0x24C0];
	_ =	sdelay $0x2  }
0x20b: {  	v2 =	vshll.u32 v2, $0x6  }
0x20c: {  	v5 =	vand.u32 $0xFFFFFFF8, v1;
	v1 =	vand.u32 $0x7, v1;
	v3 =	vmul.u32 $0x18, v3  }
0x20d: {  	v2 =	vadd.s32 v2, v5;
	v5 =	vand.u32 $0xFFFFFFF8, v4  }
0x20e: {  	v1 =	vor.u32 v1, v2;
	v2 =	vand.u32 $0x7, v4;
	v3 =	vadd.s32 v3, v5  }
0x20f: {  	v2 =	vor.u32 v2, v3;
	_ =	sdelay $0x2  }
0x210: {  	v3 =	vld [tilespmem:s13+$0x780]  }
0x211: {  	v4 =	vld.idx.msk [tilespmem:v1+s8+$0x0], $0xffff  }
0x212: {  	v5 =	vld.idx.msk [tilespmem:v2+s9+$0x0], $0xffff;
	_ =	sdelay $0x2  }
0x213: {  	v6 =	vadd.s32 $0x1000, v1  }
0x214: {  	v7 =	vadd.s32 $0xC0, v2  }
0x215: {  	p2 =	seq.s32 s12, $0x1D00;
	s11 =	smov.u32 s15;
	vm0 =	vlt.s32 v3, $0x1000  }
0x216: {  	s11 =	simm.s32 @p2 $0x732;
	v3 =	vsel vm0, v4, v5  }
0x217: {  	[tilespmem:s11+$0x17250] =	vst v3  }
0x218: {  	v3 =	vld.idx.msk [tilespmem:v6+s8+$0x0], $0xffff  }
0x219: {  	v4 =	vld.idx.msk [tilespmem:v7+s9+$0x0], $0xffff;
	_ =	sdelay $0x2  }
0x21a: {  	v5 =	vadd.s32 $0x2000, v1  }
0x21b: {  	v6 =	vadd.s32 $0x180, v2;
	_ =	sdelay $0x1  }
0x21c: {  	s11 =	sand.u32 $0x7F2, s11;
	v3 =	vsel vm0, v3, v4  }
0x21d: {  	[tilespmem:s11+$0x17998] =	vst v3  }
0x21e: {  	v3 =	vld.idx.msk [tilespmem:v5+s8+$0x0], $0xffff  }
0x21f: {  	v4 =	vld.idx.msk [tilespmem:v6+s9+$0x0], $0xffff;
	_ =	sdelay $0x2  }
0x220: {  	v5 =	vadd.s32 $0x3000, v1  }
0x221: {  	v6 =	vadd.s32 $0x240, v2;
	_ =	sdelay $0x1  }
0x222: {  	v3 =	vsel vm0, v3, v4  }
0x223: {  	[tilespmem:s11+$0x180E0] =	vst v3  }
0x224: {  	v3 =	vld.idx.msk [tilespmem:v5+s8+$0x0], $0xffff  }
0x225: {  	v4 =	vld.idx.msk [tilespmem:v6+s9+$0x0], $0xffff;
	_ =	sdelay $0x2  }
0x226: {  	v5 =	vadd.s32 $0x4000, v1  }
0x227: {  	v6 =	vadd.s32 $0x300, v2;
	_ =	sdelay $0x1  }
0x228: {  	v3 =	vsel vm0, v3, v4  }
0x229: {  	[tilespmem:s11+$0x18828] =	vst v3  }
0x22a: {  	v3 =	vld.idx.msk [tilespmem:v5+s8+$0x0], $0xffff  }
0x22b: {  	v4 =	vld.idx.msk [tilespmem:v6+s9+$0x0], $0xffff;
	_ =	sdelay $0x2  }
0x22c: {  	v5 =	vadd.s32 $0x5000, v1  }
0x22d: {  	v6 =	vadd.s32 $0x3C0, v2  }
.Ltmp5:
0x22e: {  	(pc) =	sbr.rel @p0 .LBB2_9-.Ltmp5, $4  }
0x22f: {  	v3 =	vsel vm0, v3, v4  }
0x230: {  	[tilespmem:s11+$0x18F70] =	vst v3  }
0x231: {  	v3 =	vld.idx.msk [tilespmem:v5+s8+$0x0], $0xffff  }
0x232: {  	v4 =	vld.idx.msk [tilespmem:v6+s9+$0x0], $0xffff  }
0x233: {  	_ = 	snop  }
0x234: {  	v5 =	vadd.s32 $0x6000, v1  }
0x235: {  	v6 =	vadd.s32 $0x480, v2;
	_ =	sdelay $0x1  }
0x236: {  	v3 =	vsel vm0, v3, v4  }
0x237: {  	[tilespmem:s11+$0x196B8] =	vst v3  }
0x238: {  	v3 =	vld.idx.msk [tilespmem:v5+s8+$0x0], $0xffff  }
0x239: {  	v63 =	vld.idx.msk [tilespmem:v6+s9+$0x0], $0xffff;
	_ =	sdelay $0x1  }
0x23a: {  	v1 =	vadd.s32 $0x7000, v1  }
0x23b: {  	v2 =	vadd.s32 $0x540, v2;
	_ =	sdelay $0x1  }
0x23c: {  	v3 =	vsel vm0, v3, v63  }
0x23d: {  	[tilespmem:s11+$0x19E00] =	vst v3  }
0x23e: {  	v1 =	vld.idx.msk [tilespmem:v1+s8+$0x0], $0xffff  }
0x23f: {  	v2 =	vld.idx.msk [tilespmem:v2+s9+$0x0], $0xffff  }
0x240: {  	s10 =	sadd.s32 s7, s5  }
0x241: {  	s10 =	smul.u32 $0xE9, s10  }
.Ltmp6:
0x242: {  	_ = 	snop;
	(pc) =	sbr.rel @p1 .LBB2_12-.Ltmp6, $4  }
0x243: {  	_ = 	snop  }
0x244: {  	s10 =	sadd.s32 s1, s10;
	v1 =	vsel vm0, v1, v2  }
0x245: {  	s10 =	sadd.s32 $0x748, s10;
	[tilespmem:s11+$0x1A548] =	vst v1  }
0x246: {  	[hbm4b:s10+s3] =	stream.linear.scatter [tilespmem:s0], [sflag:$0x4], $0x3A40, $0x38;
	[tilespmem:$0x1AC90] =	vst v63  }
0x247: {  	s7 =	sadd.s32 s7, s16  }
0x248: {  	s10 =	sshll.u32 s7, $0x9;
	s15 =	sor.u32 $0x1, s7  }
0x249: {  	s11 =	smul.u32 $0x18, s7;
	s10 =	sadd.s32 s4, s10;
	s12 =	sshll.u32 s15, $0x9  }
0x24a: {  	[tilespmem:s8], [sflag:$0x2] =	stream.linear.gather [hbm4b:s10+s3], $0x1000, $0x38;
	[tilespmem:$0x1AC90] =	vst v63  }
0x24b: {  	s13 =	sadd.s32 s6, s11;
	s11 =	sand.u32 $0x1FFFF200, s12;
	s10 =	smul.u32 $0x18, s15  }
0x24c: {  	[tilespmem:s9], [sflag:$0x2] =	stream.linear.gather [hbm4b:s13+s3], $0xC0, $0x38;
	[tilespmem:$0x1AC90] =	vst v63  }
0x24d: {  	s12 =	simm.s32 $0xBC10;
	s15 =	sor.u32 $0x2, s7;
	s11 =	sadd.s32 s4, s11  }
0x24e: {  	[tilespmem:s12], [sflag:$0x2] =	stream.linear.gather [hbm4b:s11+s3], $0x1000, $0x38;
	[tilespmem:$0x1AC90] =	vst v63  }
0x24f: {  	s10 =	sadd.s32 s6, s10;
	s12 =	sshll.u32 s15, $0x9  }
0x250: {  	s13 =	simm.s32 $0x132D0;
	s11 =	sand.u32 $0x1FFFF400, s12;
	s12 =	sor.u32 $0x3, s7  }
0x251: {  	[tilespmem:s13], [sflag:$0x2] =	stream.linear.gather [hbm4b:s10+s3], $0xC0, $0x38;
	[tilespmem:$0x1AC90] =	vst v63  }
0x252: {  	s11 =	sadd.s32 s4, s11;
	s10 =	smul.u32 $0x18, s15;
	s13 =	simm.s32 $0xCC10  }
0x253: {  	[tilespmem:s13], [sflag:$0x2] =	stream.linear.gather [hbm4b:s11+s3], $0x1000, $0x38;
	[tilespmem:$0x1AC90] =	vst v63  }
0x254: {  	s15 =	simm.s32 $0x13390;
	s10 =	sadd.s32 s6, s10;
	s13 =	sshll.u32 s12, $0x9  }
0x255: {  	[tilespmem:s15], [sflag:$0x2] =	stream.linear.gather [hbm4b:s10+s3], $0xC0, $0x38;
	[tilespmem:$0x1AC90] =	vst v63  }
0x256: {  	s11 =	sand.u32 $0x1FFFF600, s13;
	s15 =	sor.u32 $0x4, s7  }
0x257: {  	s11 =	sadd.s32 s4, s11;
	s10 =	smul.u32 $0x18, s12;
	s12 =	sshll.u32 s15, $0x9  }
0x258: {  	[tilespmem:s14], [sflag:$0x2] =	stream.linear.gather [hbm4b:s11+s3], $0x1000, $0x38;
	[tilespmem:$0x1AC90] =	vst v63  }
0x259: {  	s13 =	sor.u32 $0x5, s7;
	s10 =	sadd.s32 s6, s10;
	s11 =	sand.u32 $0x1FFFF800, s12  }
0x25a: {  	[tilespmem:s17], [sflag:$0x2] =	stream.linear.gather [hbm4b:s10+s3], $0xC0, $0x38;
	[tilespmem:$0x1AC90] =	vst v63  }
0x25b: {  	s11 =	sadd.s32 s4, s11;
	s10 =	smul.u32 $0x18, s15;
	s15 =	sshll.u32 s13, $0x9  }
0x25c: {  	[tilespmem:s20], [sflag:$0x2] =	stream.linear.gather [hbm4b:s11+s3], $0x1000, $0x38;
	[tilespmem:$0x1AC90] =	vst v63  }
0x25d: {  	s12 =	sor.u32 $0x6, s7;
	s10 =	sadd.s32 s6, s10;
	s11 =	sand.u32 $0x1FFFFA00, s15  }
0x25e: {  	[tilespmem:s21], [sflag:$0x2] =	stream.linear.gather [hbm4b:s10+s3], $0xC0, $0x38;
	[tilespmem:$0x1AC90] =	vst v63  }
0x25f: {  	s11 =	sadd.s32 s4, s11;
	s10 =	smul.u32 $0x18, s13;
	s13 =	sshll.u32 s12, $0x9  }
0x260: {  	[tilespmem:s22], [sflag:$0x2] =	stream.linear.gather [hbm4b:s11+s3], $0x1000, $0x38;
	[tilespmem:$0x1AC90] =	vst v63  }
0x261: {  	s10 =	sadd.s32 s6, s10;
	s11 =	sand.u32 $0x1FFFFC00, s13  }
0x262: {  	[tilespmem:s23], [sflag:$0x2] =	stream.linear.gather [hbm4b:s10+s3], $0xC0, $0x38;
	[tilespmem:$0x1AC90] =	vst v63  }
0x263: {  	s7 =	sor.u32 $0x7, s7;
	s11 =	sadd.s32 s4, s11;
	s10 =	smul.u32 $0x18, s12  }
0x264: {  	[tilespmem:s24], [sflag:$0x2] =	stream.linear.gather [hbm4b:s11+s3], $0x1000, $0x38;
	[tilespmem:$0x1AC90] =	vst v63  }
0x265: {  	s15 =	sshll.u32 s7, $0x9;
	s10 =	sadd.s32 s6, s10  }
0x266: {  	[tilespmem:s25], [sflag:$0x2] =	stream.linear.gather [hbm4b:s10+s3], $0xC0, $0x38;
	[tilespmem:$0x1AC90] =	vst v63  }
.Ltmp7:
0x267: {  	s10 =	sand.u32 $0x1FFFFE00, s15;
	(pc) =	sbr.rel .LBB2_4-.Ltmp7, $4  }
0x268: {  	s7 =	smul.u32 $0x18, s7;
	s10 =	sadd.s32 s4, s10  }
0x269: {  	[tilespmem:s26], [sflag:$0x2] =	stream.linear.gather [hbm4b:s10+s3], $0x1000, $0x38;
	[tilespmem:$0x1AC90] =	vst v63  }
0x26a: {  	s2 =	sadd.s32 $0x1, s2;
	s7 =	sadd.s32 s6, s7  }
0x26b: {  	[tilespmem:s28], [sflag:$0x2] =	stream.linear.gather [hbm4b:s7+s3], $0xC0, $0x38;
	[tilespmem:$0x1AC90] =	vst v63  }
.LBB2_13:
0x26c: {  	_ =	sfence.sel $0x180000  }
0x26d: {  	[bflag:$0x0] =	sbarrier.arrive $0xFFFF  }
0x26e: {  	_ =	strace $0x90000047  }
0x26f: {  	s0 =	stileid.u32;
	[bflag:$0x2] =	sbarrier.arrive $0xFFFF  }
0x270: {  	p0 =	sne.s32 s0, $0x0;
	s0 =	rddreg [dreg:$0x2]  }
0x271: {  	s0 =	sadd.s32 @!p0 $0x100000, s0  }
0x272: {  	[sflag:s0] =	ssyncadd.tile.s32 @!p0 $0x1;
	_ =	shalt  }
.Lfunc_end2:
_tile_overlayer_lowered:
.L_overlay_start_2:
0x273: {  	(tag) =	ssettag $0x2  }
0x274: {  	s0 =	rddreg [dreg:$0x0];
	s2 =	stileid.u32  }
0x275: {  	s1 =	rddreg [dreg:$0x1];
	p0 =	sne.s32 s2, $0x0  }
0x276: {  	s3 =	rddreg [dreg:$0x2];
	[bflag:$0x3] =	sbarrier.arrive $0xFFFF;
	s2 =	simm.s32 @!p0 $0x1C05  }
0x277: {  	[timem:s3], [sflag:s2] =	dma.local @!p0 [hbm:s0], s1  }
0x278: {  	s0 =	simm.s32 @!p0 $0x5  }
0x279: {  	_ =	swait.ge @!p0 [sflag:s0], s1  }
0x27a: {  	s1 =	ssub.s32 @!p0 $0x0, s1;
	[sflag:s0] =	ssyncset.done @!p0 $0x0  }
0x27b: {  	[sflag:s0] =	ssyncadd.s32 @!p0 s1  }
0x27c: {  	[bflag:$0x3] =	sbarrier.arrive $0xFFFF  }
0x27d: {  	_ =	shalt  }

</sc_bundles>
